<compile_context>
chip_gen: v7x
topology: tpu7x:2x2x1
jax: 0.10.2.dev20260603
libtpu: 0.0.44.dev20260713+nightly
codegen_flags: <defaults>
</compile_context>

<pallas_src>
import functools

import jax
import jax.numpy as jnp
from jax import lax
from jax.experimental import pallas as pl
from jax.experimental.pallas import tpu as pltpu
from jax.experimental.pallas import tpu_sc as plsc

ROWS, COLS = 16384, 128
N = ROWS * COLS
TABLE = 1000000
NC, NS, L = 2, 16, 16
NW = NC * NS
PER_W = N // NW
CH = 8192
NCH = PER_W // CH
NSTAGE = TABLE // CH
STAGE_TAIL = TABLE - NSTAGE * CH

_mesh = plsc.VectorSubcoreMesh(core_axis_name="c", subcore_axis_name="s")


@functools.partial(
    pl.kernel,
    mesh=_mesh,
    out_type=jax.ShapeDtypeStruct((N,), jnp.float32),
    scratch_types=[
        pltpu.VMEM_SHARED((TABLE,), jnp.float32),
        pltpu.VMEM((CH,), jnp.float32), pltpu.VMEM((CH,), jnp.float32),
        pltpu.VMEM((CH,), jnp.int32), pltpu.VMEM((CH,), jnp.int32),
        pltpu.VMEM((CH,), jnp.float32), pltpu.VMEM((CH,), jnp.float32),
        pltpu.VMEM((CH,), jnp.float32), pltpu.VMEM((CH,), jnp.float32),
        pltpu.SemaphoreType.DMA, pltpu.SemaphoreType.DMA,
        pltpu.SemaphoreType.DMA, pltpu.SemaphoreType.DMA,
        pltpu.SemaphoreType.DMA, pltpu.SemaphoreType.DMA,
        pltpu.SemaphoreType.DMA, pltpu.SemaphoreType.DMA,
    ],
)
def _lookup(soft_hbm, table_hbm, out_hbm, spt, soft0, soft1, idx0, idx1,
            got0, got1, bnc, bnc2, lsem0, lsem1, gsem0, gsem1, ssem0,
            ssem1, stsem, bsem):
    soft = (soft0, soft1)
    idx = (idx0, idx1)
    got = (got0, got1)
    lsem = (lsem0, lsem1)
    gsem = (gsem0, gsem1)
    ssem = (ssem0, ssem1)

    sid = lax.axis_index("s")
    wid = sid * NC + lax.axis_index("c")
    base = wid * PER_W

    n_rounds = (NSTAGE + NS - 1) // NS

    def st_off(j):
        return j * NS * CH + sid * CH

    bounce = (got0, got1, bnc, bnc2)
    NB = len(bounce)

    def stA(j):
        return pltpu.make_async_copy(
            table_hbm.at[pl.ds(st_off(j), CH)], bounce[j % NB], stsem)

    def stB(j):
        return pltpu.make_async_copy(
            bounce[j % NB], spt.at[pl.ds(st_off(j), CH)], bsem)

    def load(c, s):
        return pltpu.make_async_copy(
            soft_hbm.at[pl.ds(base + c * CH, CH)], soft[s], lsem[s])

    def gather(s):
        return pltpu.make_async_copy(spt.at[idx[s]], got[s], gsem[s])

    def store(c, s):
        return pltpu.make_async_copy(
            got[s], out_hbm.at[pl.ds(base + c * CH, CH)], ssem[s])

    def quant_span(s, lo, hi):
        src, dst = soft[s], idx[s]

        @plsc.parallel_loop(lo, hi, step=L, unroll=8)
        def _body(i):
            v = src[pl.ds(i, L)]
            v = jnp.minimum(jnp.maximum(v, -0.999), 0.999)
            dst[pl.ds(i, L)] = (
                (v + 1.0) / 2.0 * float(TABLE)).astype(jnp.int32)

    def quant(s):
        quant_span(s, 0, CH)

    QB = (CH // L) // 4

    def quant_block(b):
        s = b // 4
        base_i = (b % 4) * QB
        quant_span(s, base_i * L, (base_i + QB) * L)

    load(0, 0).start()
    load(1, 1).start()

    def pred(j):
        return st_off(j) + CH <= TABLE

    for jj in range(NB):
        @pl.when(pred(jj))
        def _(jj=jj):
            stA(jj).start()
    load(0, 0).wait()
    for j in range(n_rounds):
        if j >= NB:
            @pl.when(pred(j - NB))
            def _(j=j):
                stB(j - NB).wait()
            @pl.when(pred(j))
            def _(j=j):
                stA(j).start()
        if j == 4:
            load(1, 1).wait()
        quant_block(j)
        @pl.when(pred(j))
        def _(j=j):
            stA(j).wait()
            stB(j).start()
    for jj in range(n_rounds - NB, n_rounds):
        @pl.when(pred(jj))
        def _(jj=jj):
            stB(jj).wait()
    @pl.when(sid == NS - 1)
    def _():
        pltpu.sync_copy(table_hbm.at[pl.ds(NSTAGE * CH, STAGE_TAIL)],
                        got0.at[pl.ds(0, STAGE_TAIL)])
        pltpu.sync_copy(got0.at[pl.ds(0, STAGE_TAIL)],
                        spt.at[pl.ds(NSTAGE * CH, STAGE_TAIL)])
    plsc.subcore_barrier()

    for c in range(NCH):
        s = c & 1
        p = s ^ 1
        if c >= 2:
            load(c, s).wait()
            quant(s)
        if c + 2 < NCH:
            load(c + 2, s).start()
        if c >= 2:
            store(c - 2, s).wait()
        gather(s).start()
        if c >= 1:
            gather(p).wait()
            store(c - 1, p).start()
    last = NCH - 1
    sl = last & 1
    gather(sl).wait()
    store(last, sl).start()
    store(last - 1, sl ^ 1).wait()
    store(last, sl).wait()


def kernel(x, pallette, indices):
    out = _lookup(indices.reshape(-1), pallette.reshape(-1))
    return out.reshape(ROWS, COLS)

# --- scband reference (transcript-rebuilt; emitter-appended) ---
"""Pipeline reference for scband-lookup-16870631539139 (READ-ONLY COPY).

The authoritative reference and input builder live on the scoring server;
editing this copy changes nothing except your own understanding.
"""

import jax, jax.numpy as jnp
import numpy as np

P_SIZE = 1000000
SHAPE = (16384, 128)

def setup_inputs(seed: int = 0) -> dict:
    key = jax.random.key(seed)
    k1, k2, k3 = jax.random.split(key, 3)
    x = jax.random.normal(k1, SHAPE, dtype=jnp.float32)
    pallette = jax.random.normal(k2, (P_SIZE,), dtype=jnp.float32)
    indices = jax.random.uniform(k3, SHAPE, dtype=jnp.float32, minval=-0.01, maxval=0.01)
    return {"x": x, "pallette": pallette, "indices": indices}

def to_hard_indices(soft, size):
    idx = jnp.clip(soft, -0.999, 0.999).reshape(-1)
    hard = ((idx + 1.0) / 2.0 * size).astype(jnp.int32)
    return hard

def reference(x, pallette, indices):
    # diff_index forward: gather pallette at quantized soft indices
    p = pallette.reshape(-1)
    p_size = p.shape[0]
    hard = to_hard_indices(indices, p_size)
    sampled = jnp.take(p, hard, axis=0)
    out = sampled.reshape(indices.shape)
    # Lookup.forward reshapes to self.shape
    return out.reshape(SHAPE)

if __name__ == "__main__":
    import jax
    _d = setup_inputs()
    print(jax.jit(kernel)(*tuple(_d.values())))

</pallas_src>

<mosaic_0001>
#map = affine_map<(d0, d1) -> (0)>
module attributes {stable_mosaic.version = 14 : i64} {
  func.func @_lookup(%arg0: i32, %arg1: i32, %arg2: memref<2097152xf32, #tpu.memory_space<hbm>>, %arg3: memref<1000000xf32, #tpu.memory_space<hbm>>, %arg4: memref<2097152xf32, #tpu.memory_space<hbm>>, %arg5: memref<1000000xf32, #tpu.memory_space<vmem_shared>>, %arg6: memref<8192xf32, #tpu.memory_space<vmem>>, %arg7: memref<8192xf32, #tpu.memory_space<vmem>>, %arg8: memref<8192xi32, #tpu.memory_space<vmem>>, %arg9: memref<8192xi32, #tpu.memory_space<vmem>>, %arg10: memref<8192xf32, #tpu.memory_space<vmem>>, %arg11: memref<8192xf32, #tpu.memory_space<vmem>>, %arg12: memref<8192xf32, #tpu.memory_space<vmem>>, %arg13: memref<8192xf32, #tpu.memory_space<vmem>>, %arg14: memref<!tpu.dma_semaphore, #tpu.memory_space<semaphore_mem>>, %arg15: memref<!tpu.dma_semaphore, #tpu.memory_space<semaphore_mem>>, %arg16: memref<!tpu.dma_semaphore, #tpu.memory_space<semaphore_mem>>, %arg17: memref<!tpu.dma_semaphore, #tpu.memory_space<semaphore_mem>>, %arg18: memref<!tpu.dma_semaphore, #tpu.memory_space<semaphore_mem>>, %arg19: memref<!tpu.dma_semaphore, #tpu.memory_space<semaphore_mem>>, %arg20: memref<!tpu.dma_semaphore, #tpu.memory_space<semaphore_mem>>, %arg21: memref<!tpu.dma_semaphore, #tpu.memory_space<semaphore_mem>>) attributes {dimension_semantics = [#tpu.dimension_semantics<core_parallel>, #tpu.dimension_semantics<subcore_parallel>], iteration_bounds = array<i64: 2, 16>, scalar_prefetch = 0 : i64, scratch_operands = 17 : i64, tpu.core_type = #tpu.core_type<sc_vector_subcore>, window_params = [{transform_indices = #map}, {transform_indices = #map}, {transform_indices = #map}]} {
    %mul3A = arith.constant 2 : i32
    %mul3A_0 = arith.muli %arg1, %mul3A : i32
    %add3A = arith.addi %mul3A_0, %arg0 : i32
    %mul3A_1 = arith.constant 65536 : i32
    %mul3A_2 = arith.muli %add3A, %mul3A_1 : i32
    %add3A_3 = arith.constant 0 : i32
    %add3A_4 = arith.addi %mul3A_2, %add3A_3 : i32
    %dma_start3A = tpu.memref_slice %arg2[%add3A_4] : memref<2097152xf32, #tpu.memory_space<hbm>> -> memref<8192xf32, #tpu.memory_space<hbm>>
    %dma_start3A_5 = tpu.memref_slice %arg2[%add3A_4] : memref<2097152xf32, #tpu.memory_space<hbm>> -> memref<8192xf32, #tpu.memory_space<hbm>>
    tpu.enqueue_dma source(%dma_start3A_5 : memref<8192xf32, #tpu.memory_space<hbm>>) target(%arg6 : memref<8192xf32, #tpu.memory_space<vmem>>) target_semaphore(%arg14 : memref<!tpu.dma_semaphore, #tpu.memory_space<semaphore_mem>>)
    %add3A_6 = arith.constant 8192 : i32
    %add3A_7 = arith.addi %mul3A_2, %add3A_6 : i32
    %dma_start3A_8 = tpu.memref_slice %arg2[%add3A_7] : memref<2097152xf32, #tpu.memory_space<hbm>> -> memref<8192xf32, #tpu.memory_space<hbm>>
    %dma_start3A_9 = tpu.memref_slice %arg2[%add3A_7] : memref<2097152xf32, #tpu.memory_space<hbm>> -> memref<8192xf32, #tpu.memory_space<hbm>>
    tpu.enqueue_dma source(%dma_start3A_9 : memref<8192xf32, #tpu.memory_space<hbm>>) target(%arg7 : memref<8192xf32, #tpu.memory_space<vmem>>) target_semaphore(%arg15 : memref<!tpu.dma_semaphore, #tpu.memory_space<semaphore_mem>>)
    %mul3A_10 = arith.constant 8192 : i32
    %mul3A_11 = arith.muli %arg1, %mul3A_10 : i32
    %add3A_12 = arith.constant 0 : i32
    %add3A_13 = arith.addi %add3A_12, %mul3A_11 : i32
    %add3A_14 = arith.constant 8192 : i32
    %add3A_15 = arith.addi %add3A_13, %add3A_14 : i32
    %le3A = arith.constant 1000000 : i32
    %le3A_16 = arith.cmpi sle, %add3A_15, %le3A : i32
    %convert_element_type3A = arith.extui %le3A_16 : i1 to i32
    %cond3A = arith.constant 0 : i32
    %cond3A_17 = arith.cmpi ne, %convert_element_type3A, %cond3A : i32
    scf.if %cond3A_17 {
      %mul3A_467 = arith.constant 8192 : i32
      %mul3A_468 = arith.muli %arg1, %mul3A_467 : i32
      %add3A_469 = arith.constant 0 : i32
      %add3A_470 = arith.addi %add3A_469, %mul3A_468 : i32
      %dma_start3A_471 = tpu.memref_slice %arg3[%add3A_470] : memref<1000000xf32, #tpu.memory_space<hbm>> -> memref<8192xf32, #tpu.memory_space<hbm>>
      %dma_start3A_472 = tpu.memref_slice %arg3[%add3A_470] : memref<1000000xf32, #tpu.memory_space<hbm>> -> memref<8192xf32, #tpu.memory_space<hbm>>
      tpu.enqueue_dma source(%dma_start3A_472 : memref<8192xf32, #tpu.memory_space<hbm>>) target(%arg10 : memref<8192xf32, #tpu.memory_space<vmem>>) target_semaphore(%arg20 : memref<!tpu.dma_semaphore, #tpu.memory_space<semaphore_mem>>)
    } else {
    }
    %mul3A_18 = arith.constant 8192 : i32
    %mul3A_19 = arith.muli %arg1, %mul3A_18 : i32
    %add3A_20 = arith.constant 131072 : i32
    %add3A_21 = arith.addi %add3A_20, %mul3A_19 : i32
    %add3A_22 = arith.constant 8192 : i32
    %add3A_23 = arith.addi %add3A_21, %add3A_22 : i32
    %le3A_24 = arith.constant 1000000 : i32
    %le3A_25 = arith.cmpi sle, %add3A_23, %le3A_24 : i32
    %convert_element_type3A_26 = arith.extui %le3A_25 : i1 to i32
    %cond3A_27 = arith.constant 0 : i32
    %cond3A_28 = arith.cmpi ne, %convert_element_type3A_26, %cond3A_27 : i32
    scf.if %cond3A_28 {
      %mul3A_467 = arith.constant 8192 : i32
      %mul3A_468 = arith.muli %arg1, %mul3A_467 : i32
      %add3A_469 = arith.constant 131072 : i32
      %add3A_470 = arith.addi %add3A_469, %mul3A_468 : i32
      %dma_start3A_471 = tpu.memref_slice %arg3[%add3A_470] : memref<1000000xf32, #tpu.memory_space<hbm>> -> memref<8192xf32, #tpu.memory_space<hbm>>
      %dma_start3A_472 = tpu.memref_slice %arg3[%add3A_470] : memref<1000000xf32, #tpu.memory_space<hbm>> -> memref<8192xf32, #tpu.memory_space<hbm>>
      tpu.enqueue_dma source(%dma_start3A_472 : memref<8192xf32, #tpu.memory_space<hbm>>) target(%arg11 : memref<8192xf32, #tpu.memory_space<vmem>>) target_semaphore(%arg20 : memref<!tpu.dma_semaphore, #tpu.memory_space<semaphore_mem>>)
    } else {
    }
    %mul3A_29 = arith.constant 8192 : i32
    %mul3A_30 = arith.muli %arg1, %mul3A_29 : i32
    %add3A_31 = arith.constant 262144 : i32
    %add3A_32 = arith.addi %add3A_31, %mul3A_30 : i32
    %add3A_33 = arith.constant 8192 : i32
    %add3A_34 = arith.addi %add3A_32, %add3A_33 : i32
    %le3A_35 = arith.constant 1000000 : i32
    %le3A_36 = arith.cmpi sle, %add3A_34, %le3A_35 : i32
    %convert_element_type3A_37 = arith.extui %le3A_36 : i1 to i32
    %cond3A_38 = arith.constant 0 : i32
    %cond3A_39 = arith.cmpi ne, %convert_element_type3A_37, %cond3A_38 : i32
    scf.if %cond3A_39 {
      %mul3A_467 = arith.constant 8192 : i32
      %mul3A_468 = arith.muli %arg1, %mul3A_467 : i32
      %add3A_469 = arith.constant 262144 : i32
      %add3A_470 = arith.addi %add3A_469, %mul3A_468 : i32
      %dma_start3A_471 = tpu.memref_slice %arg3[%add3A_470] : memref<1000000xf32, #tpu.memory_space<hbm>> -> memref<8192xf32, #tpu.memory_space<hbm>>
      %dma_start3A_472 = tpu.memref_slice %arg3[%add3A_470] : memref<1000000xf32, #tpu.memory_space<hbm>> -> memref<8192xf32, #tpu.memory_space<hbm>>
      tpu.enqueue_dma source(%dma_start3A_472 : memref<8192xf32, #tpu.memory_space<hbm>>) target(%arg12 : memref<8192xf32, #tpu.memory_space<vmem>>) target_semaphore(%arg20 : memref<!tpu.dma_semaphore, #tpu.memory_space<semaphore_mem>>)
    } else {
    }
    %mul3A_40 = arith.constant 8192 : i32
    %mul3A_41 = arith.muli %arg1, %mul3A_40 : i32
    %add3A_42 = arith.constant 393216 : i32
    %add3A_43 = arith.addi %add3A_42, %mul3A_41 : i32
    %add3A_44 = arith.constant 8192 : i32
    %add3A_45 = arith.addi %add3A_43, %add3A_44 : i32
    %le3A_46 = arith.constant 1000000 : i32
    %le3A_47 = arith.cmpi sle, %add3A_45, %le3A_46 : i32
    %convert_element_type3A_48 = arith.extui %le3A_47 : i1 to i32
    %cond3A_49 = arith.constant 0 : i32
    %cond3A_50 = arith.cmpi ne, %convert_element_type3A_48, %cond3A_49 : i32
    scf.if %cond3A_50 {
      %mul3A_467 = arith.constant 8192 : i32
      %mul3A_468 = arith.muli %arg1, %mul3A_467 : i32
      %add3A_469 = arith.constant 393216 : i32
      %add3A_470 = arith.addi %add3A_469, %mul3A_468 : i32
      %dma_start3A_471 = tpu.memref_slice %arg3[%add3A_470] : memref<1000000xf32, #tpu.memory_space<hbm>> -> memref<8192xf32, #tpu.memory_space<hbm>>
      %dma_start3A_472 = tpu.memref_slice %arg3[%add3A_470] : memref<1000000xf32, #tpu.memory_space<hbm>> -> memref<8192xf32, #tpu.memory_space<hbm>>
      tpu.enqueue_dma source(%dma_start3A_472 : memref<8192xf32, #tpu.memory_space<hbm>>) target(%arg13 : memref<8192xf32, #tpu.memory_space<vmem>>) target_semaphore(%arg20 : memref<!tpu.dma_semaphore, #tpu.memory_space<semaphore_mem>>)
    } else {
    }
    %add3A_51 = arith.constant 0 : i32
    %add3A_52 = arith.addi %mul3A_2, %add3A_51 : i32
    %dma_wait3A = tpu.memref_slice %arg2[%add3A_52] : memref<2097152xf32, #tpu.memory_space<hbm>> -> memref<8192xf32, #tpu.memory_space<hbm>>
    %dma_wait3A_53 = tpu.memref_slice %arg2[%add3A_52] : memref<2097152xf32, #tpu.memory_space<hbm>> -> memref<8192xf32, #tpu.memory_space<hbm>>
    tpu.wait_dma2 semaphore(%arg14 : memref<!tpu.dma_semaphore, #tpu.memory_space<semaphore_mem>>) src(%dma_wait3A_53 : memref<8192xf32, #tpu.memory_space<hbm>>) dst(%arg6 : memref<8192xf32, #tpu.memory_space<vmem>>)
    %parallel_loop3A = arith.constant 0 : i32
    %parallel_loop3A_54 = arith.constant 2048 : i32
    %parallel_loop3A_55 = arith.constant 16 : i32
    scf.for %parallel_loop3A_467 = %parallel_loop3A to %parallel_loop3A_54 step %parallel_loop3A_55  : i32 {
      %parallel_loop3A_468 = arith.index_cast %parallel_loop3A_467 : i32 to index
      %parallel_loop3A_469 = tpu.vector_load %arg6[%parallel_loop3A_468] {strides = array<i32>} : memref<8192xf32, #tpu.memory_space<vmem>>, vector<16xf32>,
      %parallel_loop3A_470 = vector.shape_cast %parallel_loop3A_469 : vector<16xf32> to vector<16xf32>
      %parallel_loop3A_471 = arith.constant -9.990000e-01 : f32
      %parallel_loop3A_472 = vector.broadcast %parallel_loop3A_471 : f32 to vector<16xf32>
      %parallel_loop3A_473 = arith.maximumf %parallel_loop3A_470, %parallel_loop3A_472 : vector<16xf32>
      %parallel_loop3A_474 = arith.constant 9.990000e-01 : f32
      %parallel_loop3A_475 = vector.broadcast %parallel_loop3A_474 : f32 to vector<16xf32>
      %parallel_loop3A_476 = arith.minimumf %parallel_loop3A_473, %parallel_loop3A_475 : vector<16xf32>
      %parallel_loop3A_477 = arith.constant 1.000000e+00 : f32
      %parallel_loop3A_478 = vector.broadcast %parallel_loop3A_477 : f32 to vector<16xf32>
      %parallel_loop3A_479 = arith.addf %parallel_loop3A_476, %parallel_loop3A_478 : vector<16xf32>
      %parallel_loop3A_480 = arith.constant 2.000000e+00 : f32
      %parallel_loop3A_481 = vector.broadcast %parallel_loop3A_480 : f32 to vector<16xf32>
      %parallel_loop3A_482 = arith.divf %parallel_loop3A_479, %parallel_loop3A_481 : vector<16xf32>
      %parallel_loop3A_483 = arith.constant 1.000000e+06 : f32
      %parallel_loop3A_484 = vector.broadcast %parallel_loop3A_483 : f32 to vector<16xf32>
      %parallel_loop3A_485 = arith.mulf %parallel_loop3A_482, %parallel_loop3A_484 : vector<16xf32>
      %parallel_loop3A_486 = arith.fptosi %parallel_loop3A_485 : vector<16xf32> to vector<16xi32>
      %parallel_loop3A_487 = arith.index_cast %parallel_loop3A_467 : i32 to index
      %parallel_loop3A_488 = tpu.vector_load %arg8[%parallel_loop3A_487] {strides = array<i32>} : memref<8192xi32, #tpu.memory_space<vmem>>, vector<16xi32>,
      %parallel_loop3A_489 = vector.shape_cast %parallel_loop3A_488 : vector<16xi32> to vector<16xi32>
      %parallel_loop3A_490 = vector.shape_cast %parallel_loop3A_486 : vector<16xi32> to vector<16xi32>
      tpu.vector_store %arg8[%parallel_loop3A_487], %parallel_loop3A_490 {strides = array<i32>} : memref<8192xi32, #tpu.memory_space<vmem>>, vector<16xi32>,
    } {sc.loop_unroll_factor = 8 : i64, sc.parallel_access}
    %mul3A_56 = arith.constant 8192 : i32
    %mul3A_57 = arith.muli %arg1, %mul3A_56 : i32
    %add3A_58 = arith.constant 0 : i32
    %add3A_59 = arith.addi %add3A_58, %mul3A_57 : i32
    %add3A_60 = arith.constant 8192 : i32
    %add3A_61 = arith.addi %add3A_59, %add3A_60 : i32
    %le3A_62 = arith.constant 1000000 : i32
    %le3A_63 = arith.cmpi sle, %add3A_61, %le3A_62 : i32
    %convert_element_type3A_64 = arith.extui %le3A_63 : i1 to i32
    %cond3A_65 = arith.constant 0 : i32
    %cond3A_66 = arith.cmpi ne, %convert_element_type3A_64, %cond3A_65 : i32
    scf.if %cond3A_66 {
      %mul3A_467 = arith.constant 8192 : i32
      %mul3A_468 = arith.muli %arg1, %mul3A_467 : i32
      %add3A_469 = arith.constant 0 : i32
      %add3A_470 = arith.addi %add3A_469, %mul3A_468 : i32
      %dma_wait3A_471 = tpu.memref_slice %arg3[%add3A_470] : memref<1000000xf32, #tpu.memory_space<hbm>> -> memref<8192xf32, #tpu.memory_space<hbm>>
      %dma_wait3A_472 = tpu.memref_slice %arg3[%add3A_470] : memref<1000000xf32, #tpu.memory_space<hbm>> -> memref<8192xf32, #tpu.memory_space<hbm>>
      tpu.wait_dma2 semaphore(%arg20 : memref<!tpu.dma_semaphore, #tpu.memory_space<semaphore_mem>>) src(%dma_wait3A_472 : memref<8192xf32, #tpu.memory_space<hbm>>) dst(%arg10 : memref<8192xf32, #tpu.memory_space<vmem>>)
      %mul3A_473 = arith.constant 8192 : i32
      %mul3A_474 = arith.muli %arg1, %mul3A_473 : i32
      %add3A_475 = arith.constant 0 : i32
      %add3A_476 = arith.addi %add3A_475, %mul3A_474 : i32
      %dma_start3A_477 = tpu.memref_slice %arg5[%add3A_476] : memref<1000000xf32, #tpu.memory_space<vmem_shared>> -> memref<8192xf32, #tpu.memory_space<vmem_shared>>
      %dma_start3A_478 = tpu.memref_slice %arg5[%add3A_476] : memref<1000000xf32, #tpu.memory_space<vmem_shared>> -> memref<8192xf32, #tpu.memory_space<vmem_shared>>
      tpu.enqueue_dma source(%arg10 : memref<8192xf32, #tpu.memory_space<vmem>>) target(%dma_start3A_478 : memref<8192xf32, #tpu.memory_space<vmem_shared>>) target_semaphore(%arg21 : memref<!tpu.dma_semaphore, #tpu.memory_space<semaphore_mem>>)
    } else {
    }
    %parallel_loop3A_67 = arith.constant 2048 : i32
    %parallel_loop3A_68 = arith.constant 4096 : i32
    %parallel_loop3A_69 = arith.constant 16 : i32
    scf.for %parallel_loop3A_467 = %parallel_loop3A_67 to %parallel_loop3A_68 step %parallel_loop3A_69  : i32 {
      %parallel_loop3A_468 = arith.index_cast %parallel_loop3A_467 : i32 to index
      %parallel_loop3A_469 = tpu.vector_load %arg6[%parallel_loop3A_468] {strides = array<i32>} : memref<8192xf32, #tpu.memory_space<vmem>>, vector<16xf32>,
      %parallel_loop3A_470 = vector.shape_cast %parallel_loop3A_469 : vector<16xf32> to vector<16xf32>
      %parallel_loop3A_471 = arith.constant -9.990000e-01 : f32
      %parallel_loop3A_472 = vector.broadcast %parallel_loop3A_471 : f32 to vector<16xf32>
      %parallel_loop3A_473 = arith.maximumf %parallel_loop3A_470, %parallel_loop3A_472 : vector<16xf32>
      %parallel_loop3A_474 = arith.constant 9.990000e-01 : f32
      %parallel_loop3A_475 = vector.broadcast %parallel_loop3A_474 : f32 to vector<16xf32>
      %parallel_loop3A_476 = arith.minimumf %parallel_loop3A_473, %parallel_loop3A_475 : vector<16xf32>
      %parallel_loop3A_477 = arith.constant 1.000000e+00 : f32
      %parallel_loop3A_478 = vector.broadcast %parallel_loop3A_477 : f32 to vector<16xf32>
      %parallel_loop3A_479 = arith.addf %parallel_loop3A_476, %parallel_loop3A_478 : vector<16xf32>
      %parallel_loop3A_480 = arith.constant 2.000000e+00 : f32
      %parallel_loop3A_481 = vector.broadcast %parallel_loop3A_480 : f32 to vector<16xf32>
      %parallel_loop3A_482 = arith.divf %parallel_loop3A_479, %parallel_loop3A_481 : vector<16xf32>
      %parallel_loop3A_483 = arith.constant 1.000000e+06 : f32
      %parallel_loop3A_484 = vector.broadcast %parallel_loop3A_483 : f32 to vector<16xf32>
      %parallel_loop3A_485 = arith.mulf %parallel_loop3A_482, %parallel_loop3A_484 : vector<16xf32>
      %parallel_loop3A_486 = arith.fptosi %parallel_loop3A_485 : vector<16xf32> to vector<16xi32>
      %parallel_loop3A_487 = arith.index_cast %parallel_loop3A_467 : i32 to index
      %parallel_loop3A_488 = tpu.vector_load %arg8[%parallel_loop3A_487] {strides = array<i32>} : memref<8192xi32, #tpu.memory_space<vmem>>, vector<16xi32>,
      %parallel_loop3A_489 = vector.shape_cast %parallel_loop3A_488 : vector<16xi32> to vector<16xi32>
      %parallel_loop3A_490 = vector.shape_cast %parallel_loop3A_486 : vector<16xi32> to vector<16xi32>
      tpu.vector_store %arg8[%parallel_loop3A_487], %parallel_loop3A_490 {strides = array<i32>} : memref<8192xi32, #tpu.memory_space<vmem>>, vector<16xi32>,
    } {sc.loop_unroll_factor = 8 : i64, sc.parallel_access}
    %mul3A_70 = arith.constant 8192 : i32
    %mul3A_71 = arith.muli %arg1, %mul3A_70 : i32
    %add3A_72 = arith.constant 131072 : i32
    %add3A_73 = arith.addi %add3A_72, %mul3A_71 : i32
    %add3A_74 = arith.constant 8192 : i32
    %add3A_75 = arith.addi %add3A_73, %add3A_74 : i32
    %le3A_76 = arith.constant 1000000 : i32
    %le3A_77 = arith.cmpi sle, %add3A_75, %le3A_76 : i32
    %convert_element_type3A_78 = arith.extui %le3A_77 : i1 to i32
    %cond3A_79 = arith.constant 0 : i32
    %cond3A_80 = arith.cmpi ne, %convert_element_type3A_78, %cond3A_79 : i32
    scf.if %cond3A_80 {
      %mul3A_467 = arith.constant 8192 : i32
      %mul3A_468 = arith.muli %arg1, %mul3A_467 : i32
      %add3A_469 = arith.constant 131072 : i32
      %add3A_470 = arith.addi %add3A_469, %mul3A_468 : i32
      %dma_wait3A_471 = tpu.memref_slice %arg3[%add3A_470] : memref<1000000xf32, #tpu.memory_space<hbm>> -> memref<8192xf32, #tpu.memory_space<hbm>>
      %dma_wait3A_472 = tpu.memref_slice %arg3[%add3A_470] : memref<1000000xf32, #tpu.memory_space<hbm>> -> memref<8192xf32, #tpu.memory_space<hbm>>
      tpu.wait_dma2 semaphore(%arg20 : memref<!tpu.dma_semaphore, #tpu.memory_space<semaphore_mem>>) src(%dma_wait3A_472 : memref<8192xf32, #tpu.memory_space<hbm>>) dst(%arg11 : memref<8192xf32, #tpu.memory_space<vmem>>)
      %mul3A_473 = arith.constant 8192 : i32
      %mul3A_474 = arith.muli %arg1, %mul3A_473 : i32
      %add3A_475 = arith.constant 131072 : i32
      %add3A_476 = arith.addi %add3A_475, %mul3A_474 : i32
      %dma_start3A_477 = tpu.memref_slice %arg5[%add3A_476] : memref<1000000xf32, #tpu.memory_space<vmem_shared>> -> memref<8192xf32, #tpu.memory_space<vmem_shared>>
      %dma_start3A_478 = tpu.memref_slice %arg5[%add3A_476] : memref<1000000xf32, #tpu.memory_space<vmem_shared>> -> memref<8192xf32, #tpu.memory_space<vmem_shared>>
      tpu.enqueue_dma source(%arg11 : memref<8192xf32, #tpu.memory_space<vmem>>) target(%dma_start3A_478 : memref<8192xf32, #tpu.memory_space<vmem_shared>>) target_semaphore(%arg21 : memref<!tpu.dma_semaphore, #tpu.memory_space<semaphore_mem>>)
    } else {
    }
    %parallel_loop3A_81 = arith.constant 4096 : i32
    %parallel_loop3A_82 = arith.constant 6144 : i32
    %parallel_loop3A_83 = arith.constant 16 : i32
    scf.for %parallel_loop3A_467 = %parallel_loop3A_81 to %parallel_loop3A_82 step %parallel_loop3A_83  : i32 {
      %parallel_loop3A_468 = arith.index_cast %parallel_loop3A_467 : i32 to index
      %parallel_loop3A_469 = tpu.vector_load %arg6[%parallel_loop3A_468] {strides = array<i32>} : memref<8192xf32, #tpu.memory_space<vmem>>, vector<16xf32>,
      %parallel_loop3A_470 = vector.shape_cast %parallel_loop3A_469 : vector<16xf32> to vector<16xf32>
      %parallel_loop3A_471 = arith.constant -9.990000e-01 : f32
      %parallel_loop3A_472 = vector.broadcast %parallel_loop3A_471 : f32 to vector<16xf32>
      %parallel_loop3A_473 = arith.maximumf %parallel_loop3A_470, %parallel_loop3A_472 : vector<16xf32>
      %parallel_loop3A_474 = arith.constant 9.990000e-01 : f32
      %parallel_loop3A_475 = vector.broadcast %parallel_loop3A_474 : f32 to vector<16xf32>
      %parallel_loop3A_476 = arith.minimumf %parallel_loop3A_473, %parallel_loop3A_475 : vector<16xf32>
      %parallel_loop3A_477 = arith.constant 1.000000e+00 : f32
      %parallel_loop3A_478 = vector.broadcast %parallel_loop3A_477 : f32 to vector<16xf32>
      %parallel_loop3A_479 = arith.addf %parallel_loop3A_476, %parallel_loop3A_478 : vector<16xf32>
      %parallel_loop3A_480 = arith.constant 2.000000e+00 : f32
      %parallel_loop3A_481 = vector.broadcast %parallel_loop3A_480 : f32 to vector<16xf32>
      %parallel_loop3A_482 = arith.divf %parallel_loop3A_479, %parallel_loop3A_481 : vector<16xf32>
      %parallel_loop3A_483 = arith.constant 1.000000e+06 : f32
      %parallel_loop3A_484 = vector.broadcast %parallel_loop3A_483 : f32 to vector<16xf32>
      %parallel_loop3A_485 = arith.mulf %parallel_loop3A_482, %parallel_loop3A_484 : vector<16xf32>
      %parallel_loop3A_486 = arith.fptosi %parallel_loop3A_485 : vector<16xf32> to vector<16xi32>
      %parallel_loop3A_487 = arith.index_cast %parallel_loop3A_467 : i32 to index
      %parallel_loop3A_488 = tpu.vector_load %arg8[%parallel_loop3A_487] {strides = array<i32>} : memref<8192xi32, #tpu.memory_space<vmem>>, vector<16xi32>,
      %parallel_loop3A_489 = vector.shape_cast %parallel_loop3A_488 : vector<16xi32> to vector<16xi32>
      %parallel_loop3A_490 = vector.shape_cast %parallel_loop3A_486 : vector<16xi32> to vector<16xi32>
      tpu.vector_store %arg8[%parallel_loop3A_487], %parallel_loop3A_490 {strides = array<i32>} : memref<8192xi32, #tpu.memory_space<vmem>>, vector<16xi32>,
    } {sc.loop_unroll_factor = 8 : i64, sc.parallel_access}
    %mul3A_84 = arith.constant 8192 : i32
    %mul3A_85 = arith.muli %arg1, %mul3A_84 : i32
    %add3A_86 = arith.constant 262144 : i32
    %add3A_87 = arith.addi %add3A_86, %mul3A_85 : i32
    %add3A_88 = arith.constant 8192 : i32
    %add3A_89 = arith.addi %add3A_87, %add3A_88 : i32
    %le3A_90 = arith.constant 1000000 : i32
    %le3A_91 = arith.cmpi sle, %add3A_89, %le3A_90 : i32
    %convert_element_type3A_92 = arith.extui %le3A_91 : i1 to i32
    %cond3A_93 = arith.constant 0 : i32
    %cond3A_94 = arith.cmpi ne, %convert_element_type3A_92, %cond3A_93 : i32
    scf.if %cond3A_94 {
      %mul3A_467 = arith.constant 8192 : i32
      %mul3A_468 = arith.muli %arg1, %mul3A_467 : i32
      %add3A_469 = arith.constant 262144 : i32
      %add3A_470 = arith.addi %add3A_469, %mul3A_468 : i32
      %dma_wait3A_471 = tpu.memref_slice %arg3[%add3A_470] : memref<1000000xf32, #tpu.memory_space<hbm>> -> memref<8192xf32, #tpu.memory_space<hbm>>
      %dma_wait3A_472 = tpu.memref_slice %arg3[%add3A_470] : memref<1000000xf32, #tpu.memory_space<hbm>> -> memref<8192xf32, #tpu.memory_space<hbm>>
      tpu.wait_dma2 semaphore(%arg20 : memref<!tpu.dma_semaphore, #tpu.memory_space<semaphore_mem>>) src(%dma_wait3A_472 : memref<8192xf32, #tpu.memory_space<hbm>>) dst(%arg12 : memref<8192xf32, #tpu.memory_space<vmem>>)
      %mul3A_473 = arith.constant 8192 : i32
      %mul3A_474 = arith.muli %arg1, %mul3A_473 : i32
      %add3A_475 = arith.constant 262144 : i32
      %add3A_476 = arith.addi %add3A_475, %mul3A_474 : i32
      %dma_start3A_477 = tpu.memref_slice %arg5[%add3A_476] : memref<1000000xf32, #tpu.memory_space<vmem_shared>> -> memref<8192xf32, #tpu.memory_space<vmem_shared>>
      %dma_start3A_478 = tpu.memref_slice %arg5[%add3A_476] : memref<1000000xf32, #tpu.memory_space<vmem_shared>> -> memref<8192xf32, #tpu.memory_space<vmem_shared>>
      tpu.enqueue_dma source(%arg12 : memref<8192xf32, #tpu.memory_space<vmem>>) target(%dma_start3A_478 : memref<8192xf32, #tpu.memory_space<vmem_shared>>) target_semaphore(%arg21 : memref<!tpu.dma_semaphore, #tpu.memory_space<semaphore_mem>>)
    } else {
    }
    %parallel_loop3A_95 = arith.constant 6144 : i32
    %parallel_loop3A_96 = arith.constant 8192 : i32
    %parallel_loop3A_97 = arith.constant 16 : i32
    scf.for %parallel_loop3A_467 = %parallel_loop3A_95 to %parallel_loop3A_96 step %parallel_loop3A_97  : i32 {
      %parallel_loop3A_468 = arith.index_cast %parallel_loop3A_467 : i32 to index
      %parallel_loop3A_469 = tpu.vector_load %arg6[%parallel_loop3A_468] {strides = array<i32>} : memref<8192xf32, #tpu.memory_space<vmem>>, vector<16xf32>,
      %parallel_loop3A_470 = vector.shape_cast %parallel_loop3A_469 : vector<16xf32> to vector<16xf32>
      %parallel_loop3A_471 = arith.constant -9.990000e-01 : f32
      %parallel_loop3A_472 = vector.broadcast %parallel_loop3A_471 : f32 to vector<16xf32>
      %parallel_loop3A_473 = arith.maximumf %parallel_loop3A_470, %parallel_loop3A_472 : vector<16xf32>
      %parallel_loop3A_474 = arith.constant 9.990000e-01 : f32
      %parallel_loop3A_475 = vector.broadcast %parallel_loop3A_474 : f32 to vector<16xf32>
      %parallel_loop3A_476 = arith.minimumf %parallel_loop3A_473, %parallel_loop3A_475 : vector<16xf32>
      %parallel_loop3A_477 = arith.constant 1.000000e+00 : f32
      %parallel_loop3A_478 = vector.broadcast %parallel_loop3A_477 : f32 to vector<16xf32>
      %parallel_loop3A_479 = arith.addf %parallel_loop3A_476, %parallel_loop3A_478 : vector<16xf32>
      %parallel_loop3A_480 = arith.constant 2.000000e+00 : f32
      %parallel_loop3A_481 = vector.broadcast %parallel_loop3A_480 : f32 to vector<16xf32>
      %parallel_loop3A_482 = arith.divf %parallel_loop3A_479, %parallel_loop3A_481 : vector<16xf32>
      %parallel_loop3A_483 = arith.constant 1.000000e+06 : f32
      %parallel_loop3A_484 = vector.broadcast %parallel_loop3A_483 : f32 to vector<16xf32>
      %parallel_loop3A_485 = arith.mulf %parallel_loop3A_482, %parallel_loop3A_484 : vector<16xf32>
      %parallel_loop3A_486 = arith.fptosi %parallel_loop3A_485 : vector<16xf32> to vector<16xi32>
      %parallel_loop3A_487 = arith.index_cast %parallel_loop3A_467 : i32 to index
      %parallel_loop3A_488 = tpu.vector_load %arg8[%parallel_loop3A_487] {strides = array<i32>} : memref<8192xi32, #tpu.memory_space<vmem>>, vector<16xi32>,
      %parallel_loop3A_489 = vector.shape_cast %parallel_loop3A_488 : vector<16xi32> to vector<16xi32>
      %parallel_loop3A_490 = vector.shape_cast %parallel_loop3A_486 : vector<16xi32> to vector<16xi32>
      tpu.vector_store %arg8[%parallel_loop3A_487], %parallel_loop3A_490 {strides = array<i32>} : memref<8192xi32, #tpu.memory_space<vmem>>, vector<16xi32>,
    } {sc.loop_unroll_factor = 8 : i64, sc.parallel_access}
    %mul3A_98 = arith.constant 8192 : i32
    %mul3A_99 = arith.muli %arg1, %mul3A_98 : i32
    %add3A_100 = arith.constant 393216 : i32
    %add3A_101 = arith.addi %add3A_100, %mul3A_99 : i32
    %add3A_102 = arith.constant 8192 : i32
    %add3A_103 = arith.addi %add3A_101, %add3A_102 : i32
    %le3A_104 = arith.constant 1000000 : i32
    %le3A_105 = arith.cmpi sle, %add3A_103, %le3A_104 : i32
    %convert_element_type3A_106 = arith.extui %le3A_105 : i1 to i32
    %cond3A_107 = arith.constant 0 : i32
    %cond3A_108 = arith.cmpi ne, %convert_element_type3A_106, %cond3A_107 : i32
    scf.if %cond3A_108 {
      %mul3A_467 = arith.constant 8192 : i32
      %mul3A_468 = arith.muli %arg1, %mul3A_467 : i32
      %add3A_469 = arith.constant 393216 : i32
      %add3A_470 = arith.addi %add3A_469, %mul3A_468 : i32
      %dma_wait3A_471 = tpu.memref_slice %arg3[%add3A_470] : memref<1000000xf32, #tpu.memory_space<hbm>> -> memref<8192xf32, #tpu.memory_space<hbm>>
      %dma_wait3A_472 = tpu.memref_slice %arg3[%add3A_470] : memref<1000000xf32, #tpu.memory_space<hbm>> -> memref<8192xf32, #tpu.memory_space<hbm>>
      tpu.wait_dma2 semaphore(%arg20 : memref<!tpu.dma_semaphore, #tpu.memory_space<semaphore_mem>>) src(%dma_wait3A_472 : memref<8192xf32, #tpu.memory_space<hbm>>) dst(%arg13 : memref<8192xf32, #tpu.memory_space<vmem>>)
      %mul3A_473 = arith.constant 8192 : i32
      %mul3A_474 = arith.muli %arg1, %mul3A_473 : i32
      %add3A_475 = arith.constant 393216 : i32
      %add3A_476 = arith.addi %add3A_475, %mul3A_474 : i32
      %dma_start3A_477 = tpu.memref_slice %arg5[%add3A_476] : memref<1000000xf32, #tpu.memory_space<vmem_shared>> -> memref<8192xf32, #tpu.memory_space<vmem_shared>>
      %dma_start3A_478 = tpu.memref_slice %arg5[%add3A_476] : memref<1000000xf32, #tpu.memory_space<vmem_shared>> -> memref<8192xf32, #tpu.memory_space<vmem_shared>>
      tpu.enqueue_dma source(%arg13 : memref<8192xf32, #tpu.memory_space<vmem>>) target(%dma_start3A_478 : memref<8192xf32, #tpu.memory_space<vmem_shared>>) target_semaphore(%arg21 : memref<!tpu.dma_semaphore, #tpu.memory_space<semaphore_mem>>)
    } else {
    }
    %mul3A_109 = arith.constant 8192 : i32
    %mul3A_110 = arith.muli %arg1, %mul3A_109 : i32
    %add3A_111 = arith.constant 0 : i32
    %add3A_112 = arith.addi %add3A_111, %mul3A_110 : i32
    %add3A_113 = arith.constant 8192 : i32
    %add3A_114 = arith.addi %add3A_112, %add3A_113 : i32
    %le3A_115 = arith.constant 1000000 : i32
    %le3A_116 = arith.cmpi sle, %add3A_114, %le3A_115 : i32
    %convert_element_type3A_117 = arith.extui %le3A_116 : i1 to i32
    %cond3A_118 = arith.constant 0 : i32
    %cond3A_119 = arith.cmpi ne, %convert_element_type3A_117, %cond3A_118 : i32
    scf.if %cond3A_119 {
      %mul3A_467 = arith.constant 8192 : i32
      %mul3A_468 = arith.muli %arg1, %mul3A_467 : i32
      %add3A_469 = arith.constant 0 : i32
      %add3A_470 = arith.addi %add3A_469, %mul3A_468 : i32
      %dma_wait3A_471 = tpu.memref_slice %arg5[%add3A_470] : memref<1000000xf32, #tpu.memory_space<vmem_shared>> -> memref<8192xf32, #tpu.memory_space<vmem_shared>>
      %dma_wait3A_472 = tpu.memref_slice %arg5[%add3A_470] : memref<1000000xf32, #tpu.memory_space<vmem_shared>> -> memref<8192xf32, #tpu.memory_space<vmem_shared>>
      tpu.wait_dma2 semaphore(%arg21 : memref<!tpu.dma_semaphore, #tpu.memory_space<semaphore_mem>>) src(%arg10 : memref<8192xf32, #tpu.memory_space<vmem>>) dst(%dma_wait3A_472 : memref<8192xf32, #tpu.memory_space<vmem_shared>>)
    } else {
    }
    %mul3A_120 = arith.constant 8192 : i32
    %mul3A_121 = arith.muli %arg1, %mul3A_120 : i32
    %add3A_122 = arith.constant 524288 : i32
    %add3A_123 = arith.addi %add3A_122, %mul3A_121 : i32
    %add3A_124 = arith.constant 8192 : i32
    %add3A_125 = arith.addi %add3A_123, %add3A_124 : i32
    %le3A_126 = arith.constant 1000000 : i32
    %le3A_127 = arith.cmpi sle, %add3A_125, %le3A_126 : i32
    %convert_element_type3A_128 = arith.extui %le3A_127 : i1 to i32
    %cond3A_129 = arith.constant 0 : i32
    %cond3A_130 = arith.cmpi ne, %convert_element_type3A_128, %cond3A_129 : i32
    scf.if %cond3A_130 {
      %mul3A_467 = arith.constant 8192 : i32
      %mul3A_468 = arith.muli %arg1, %mul3A_467 : i32
      %add3A_469 = arith.constant 524288 : i32
      %add3A_470 = arith.addi %add3A_469, %mul3A_468 : i32
      %dma_start3A_471 = tpu.memref_slice %arg3[%add3A_470] : memref<1000000xf32, #tpu.memory_space<hbm>> -> memref<8192xf32, #tpu.memory_space<hbm>>
      %dma_start3A_472 = tpu.memref_slice %arg3[%add3A_470] : memref<1000000xf32, #tpu.memory_space<hbm>> -> memref<8192xf32, #tpu.memory_space<hbm>>
      tpu.enqueue_dma source(%dma_start3A_472 : memref<8192xf32, #tpu.memory_space<hbm>>) target(%arg10 : memref<8192xf32, #tpu.memory_space<vmem>>) target_semaphore(%arg20 : memref<!tpu.dma_semaphore, #tpu.memory_space<semaphore_mem>>)
    } else {
    }
    %add3A_131 = arith.constant 8192 : i32
    %add3A_132 = arith.addi %mul3A_2, %add3A_131 : i32
    %dma_wait3A_133 = tpu.memref_slice %arg2[%add3A_132] : memref<2097152xf32, #tpu.memory_space<hbm>> -> memref<8192xf32, #tpu.memory_space<hbm>>
    %dma_wait3A_134 = tpu.memref_slice %arg2[%add3A_132] : memref<2097152xf32, #tpu.memory_space<hbm>> -> memref<8192xf32, #tpu.memory_space<hbm>>
    tpu.wait_dma2 semaphore(%arg15 : memref<!tpu.dma_semaphore, #tpu.memory_space<semaphore_mem>>) src(%dma_wait3A_134 : memref<8192xf32, #tpu.memory_space<hbm>>) dst(%arg7 : memref<8192xf32, #tpu.memory_space<vmem>>)
    %parallel_loop3A_135 = arith.constant 0 : i32
    %parallel_loop3A_136 = arith.constant 2048 : i32
    %parallel_loop3A_137 = arith.constant 16 : i32
    scf.for %parallel_loop3A_467 = %parallel_loop3A_135 to %parallel_loop3A_136 step %parallel_loop3A_137  : i32 {
      %parallel_loop3A_468 = arith.index_cast %parallel_loop3A_467 : i32 to index
      %parallel_loop3A_469 = tpu.vector_load %arg7[%parallel_loop3A_468] {strides = array<i32>} : memref<8192xf32, #tpu.memory_space<vmem>>, vector<16xf32>,
      %parallel_loop3A_470 = vector.shape_cast %parallel_loop3A_469 : vector<16xf32> to vector<16xf32>
      %parallel_loop3A_471 = arith.constant -9.990000e-01 : f32
      %parallel_loop3A_472 = vector.broadcast %parallel_loop3A_471 : f32 to vector<16xf32>
      %parallel_loop3A_473 = arith.maximumf %parallel_loop3A_470, %parallel_loop3A_472 : vector<16xf32>
      %parallel_loop3A_474 = arith.constant 9.990000e-01 : f32
      %parallel_loop3A_475 = vector.broadcast %parallel_loop3A_474 : f32 to vector<16xf32>
      %parallel_loop3A_476 = arith.minimumf %parallel_loop3A_473, %parallel_loop3A_475 : vector<16xf32>
      %parallel_loop3A_477 = arith.constant 1.000000e+00 : f32
      %parallel_loop3A_478 = vector.broadcast %parallel_loop3A_477 : f32 to vector<16xf32>
      %parallel_loop3A_479 = arith.addf %parallel_loop3A_476, %parallel_loop3A_478 : vector<16xf32>
      %parallel_loop3A_480 = arith.constant 2.000000e+00 : f32
      %parallel_loop3A_481 = vector.broadcast %parallel_loop3A_480 : f32 to vector<16xf32>
      %parallel_loop3A_482 = arith.divf %parallel_loop3A_479, %parallel_loop3A_481 : vector<16xf32>
      %parallel_loop3A_483 = arith.constant 1.000000e+06 : f32
      %parallel_loop3A_484 = vector.broadcast %parallel_loop3A_483 : f32 to vector<16xf32>
      %parallel_loop3A_485 = arith.mulf %parallel_loop3A_482, %parallel_loop3A_484 : vector<16xf32>
      %parallel_loop3A_486 = arith.fptosi %parallel_loop3A_485 : vector<16xf32> to vector<16xi32>
      %parallel_loop3A_487 = arith.index_cast %parallel_loop3A_467 : i32 to index
      %parallel_loop3A_488 = tpu.vector_load %arg9[%parallel_loop3A_487] {strides = array<i32>} : memref<8192xi32, #tpu.memory_space<vmem>>, vector<16xi32>,
      %parallel_loop3A_489 = vector.shape_cast %parallel_loop3A_488 : vector<16xi32> to vector<16xi32>
      %parallel_loop3A_490 = vector.shape_cast %parallel_loop3A_486 : vector<16xi32> to vector<16xi32>
      tpu.vector_store %arg9[%parallel_loop3A_487], %parallel_loop3A_490 {strides = array<i32>} : memref<8192xi32, #tpu.memory_space<vmem>>, vector<16xi32>,
    } {sc.loop_unroll_factor = 8 : i64, sc.parallel_access}
    %mul3A_138 = arith.constant 8192 : i32
    %mul3A_139 = arith.muli %arg1, %mul3A_138 : i32
    %add3A_140 = arith.constant 524288 : i32
    %add3A_141 = arith.addi %add3A_140, %mul3A_139 : i32
    %add3A_142 = arith.constant 8192 : i32
    %add3A_143 = arith.addi %add3A_141, %add3A_142 : i32
    %le3A_144 = arith.constant 1000000 : i32
    %le3A_145 = arith.cmpi sle, %add3A_143, %le3A_144 : i32
    %convert_element_type3A_146 = arith.extui %le3A_145 : i1 to i32
    %cond3A_147 = arith.constant 0 : i32
    %cond3A_148 = arith.cmpi ne, %convert_element_type3A_146, %cond3A_147 : i32
    scf.if %cond3A_148 {
      %mul3A_467 = arith.constant 8192 : i32
      %mul3A_468 = arith.muli %arg1, %mul3A_467 : i32
      %add3A_469 = arith.constant 524288 : i32
      %add3A_470 = arith.addi %add3A_469, %mul3A_468 : i32
      %dma_wait3A_471 = tpu.memref_slice %arg3[%add3A_470] : memref<1000000xf32, #tpu.memory_space<hbm>> -> memref<8192xf32, #tpu.memory_space<hbm>>
      %dma_wait3A_472 = tpu.memref_slice %arg3[%add3A_470] : memref<1000000xf32, #tpu.memory_space<hbm>> -> memref<8192xf32, #tpu.memory_space<hbm>>
      tpu.wait_dma2 semaphore(%arg20 : memref<!tpu.dma_semaphore, #tpu.memory_space<semaphore_mem>>) src(%dma_wait3A_472 : memref<8192xf32, #tpu.memory_space<hbm>>) dst(%arg10 : memref<8192xf32, #tpu.memory_space<vmem>>)
      %mul3A_473 = arith.constant 8192 : i32
      %mul3A_474 = arith.muli %arg1, %mul3A_473 : i32
      %add3A_475 = arith.constant 524288 : i32
      %add3A_476 = arith.addi %add3A_475, %mul3A_474 : i32
      %dma_start3A_477 = tpu.memref_slice %arg5[%add3A_476] : memref<1000000xf32, #tpu.memory_space<vmem_shared>> -> memref<8192xf32, #tpu.memory_space<vmem_shared>>
      %dma_start3A_478 = tpu.memref_slice %arg5[%add3A_476] : memref<1000000xf32, #tpu.memory_space<vmem_shared>> -> memref<8192xf32, #tpu.memory_space<vmem_shared>>
      tpu.enqueue_dma source(%arg10 : memref<8192xf32, #tpu.memory_space<vmem>>) target(%dma_start3A_478 : memref<8192xf32, #tpu.memory_space<vmem_shared>>) target_semaphore(%arg21 : memref<!tpu.dma_semaphore, #tpu.memory_space<semaphore_mem>>)
    } else {
    }
    %mul3A_149 = arith.constant 8192 : i32
    %mul3A_150 = arith.muli %arg1, %mul3A_149 : i32
    %add3A_151 = arith.constant 131072 : i32
    %add3A_152 = arith.addi %add3A_151, %mul3A_150 : i32
    %add3A_153 = arith.constant 8192 : i32
    %add3A_154 = arith.addi %add3A_152, %add3A_153 : i32
    %le3A_155 = arith.constant 1000000 : i32
    %le3A_156 = arith.cmpi sle, %add3A_154, %le3A_155 : i32
    %convert_element_type3A_157 = arith.extui %le3A_156 : i1 to i32
    %cond3A_158 = arith.constant 0 : i32
    %cond3A_159 = arith.cmpi ne, %convert_element_type3A_157, %cond3A_158 : i32
    scf.if %cond3A_159 {
      %mul3A_467 = arith.constant 8192 : i32
      %mul3A_468 = arith.muli %arg1, %mul3A_467 : i32
      %add3A_469 = arith.constant 131072 : i32
      %add3A_470 = arith.addi %add3A_469, %mul3A_468 : i32
      %dma_wait3A_471 = tpu.memref_slice %arg5[%add3A_470] : memref<1000000xf32, #tpu.memory_space<vmem_shared>> -> memref<8192xf32, #tpu.memory_space<vmem_shared>>
      %dma_wait3A_472 = tpu.memref_slice %arg5[%add3A_470] : memref<1000000xf32, #tpu.memory_space<vmem_shared>> -> memref<8192xf32, #tpu.memory_space<vmem_shared>>
      tpu.wait_dma2 semaphore(%arg21 : memref<!tpu.dma_semaphore, #tpu.memory_space<semaphore_mem>>) src(%arg11 : memref<8192xf32, #tpu.memory_space<vmem>>) dst(%dma_wait3A_472 : memref<8192xf32, #tpu.memory_space<vmem_shared>>)
    } else {
    }
    %mul3A_160 = arith.constant 8192 : i32
    %mul3A_161 = arith.muli %arg1, %mul3A_160 : i32
    %add3A_162 = arith.constant 655360 : i32
    %add3A_163 = arith.addi %add3A_162, %mul3A_161 : i32
    %add3A_164 = arith.constant 8192 : i32
    %add3A_165 = arith.addi %add3A_163, %add3A_164 : i32
    %le3A_166 = arith.constant 1000000 : i32
    %le3A_167 = arith.cmpi sle, %add3A_165, %le3A_166 : i32
    %convert_element_type3A_168 = arith.extui %le3A_167 : i1 to i32
    %cond3A_169 = arith.constant 0 : i32
    %cond3A_170 = arith.cmpi ne, %convert_element_type3A_168, %cond3A_169 : i32
    scf.if %cond3A_170 {
      %mul3A_467 = arith.constant 8192 : i32
      %mul3A_468 = arith.muli %arg1, %mul3A_467 : i32
      %add3A_469 = arith.constant 655360 : i32
      %add3A_470 = arith.addi %add3A_469, %mul3A_468 : i32
      %dma_start3A_471 = tpu.memref_slice %arg3[%add3A_470] : memref<1000000xf32, #tpu.memory_space<hbm>> -> memref<8192xf32, #tpu.memory_space<hbm>>
      %dma_start3A_472 = tpu.memref_slice %arg3[%add3A_470] : memref<1000000xf32, #tpu.memory_space<hbm>> -> memref<8192xf32, #tpu.memory_space<hbm>>
      tpu.enqueue_dma source(%dma_start3A_472 : memref<8192xf32, #tpu.memory_space<hbm>>) target(%arg11 : memref<8192xf32, #tpu.memory_space<vmem>>) target_semaphore(%arg20 : memref<!tpu.dma_semaphore, #tpu.memory_space<semaphore_mem>>)
    } else {
    }
    %parallel_loop3A_171 = arith.constant 2048 : i32
    %parallel_loop3A_172 = arith.constant 4096 : i32
    %parallel_loop3A_173 = arith.constant 16 : i32
    scf.for %parallel_loop3A_467 = %parallel_loop3A_171 to %parallel_loop3A_172 step %parallel_loop3A_173  : i32 {
      %parallel_loop3A_468 = arith.index_cast %parallel_loop3A_467 : i32 to index
      %parallel_loop3A_469 = tpu.vector_load %arg7[%parallel_loop3A_468] {strides = array<i32>} : memref<8192xf32, #tpu.memory_space<vmem>>, vector<16xf32>,
      %parallel_loop3A_470 = vector.shape_cast %parallel_loop3A_469 : vector<16xf32> to vector<16xf32>
      %parallel_loop3A_471 = arith.constant -9.990000e-01 : f32
      %parallel_loop3A_472 = vector.broadcast %parallel_loop3A_471 : f32 to vector<16xf32>
      %parallel_loop3A_473 = arith.maximumf %parallel_loop3A_470, %parallel_loop3A_472 : vector<16xf32>
      %parallel_loop3A_474 = arith.constant 9.990000e-01 : f32
      %parallel_loop3A_475 = vector.broadcast %parallel_loop3A_474 : f32 to vector<16xf32>
      %parallel_loop3A_476 = arith.minimumf %parallel_loop3A_473, %parallel_loop3A_475 : vector<16xf32>
      %parallel_loop3A_477 = arith.constant 1.000000e+00 : f32
      %parallel_loop3A_478 = vector.broadcast %parallel_loop3A_477 : f32 to vector<16xf32>
      %parallel_loop3A_479 = arith.addf %parallel_loop3A_476, %parallel_loop3A_478 : vector<16xf32>
      %parallel_loop3A_480 = arith.constant 2.000000e+00 : f32
      %parallel_loop3A_481 = vector.broadcast %parallel_loop3A_480 : f32 to vector<16xf32>
      %parallel_loop3A_482 = arith.divf %parallel_loop3A_479, %parallel_loop3A_481 : vector<16xf32>
      %parallel_loop3A_483 = arith.constant 1.000000e+06 : f32
      %parallel_loop3A_484 = vector.broadcast %parallel_loop3A_483 : f32 to vector<16xf32>
      %parallel_loop3A_485 = arith.mulf %parallel_loop3A_482, %parallel_loop3A_484 : vector<16xf32>
      %parallel_loop3A_486 = arith.fptosi %parallel_loop3A_485 : vector<16xf32> to vector<16xi32>
      %parallel_loop3A_487 = arith.index_cast %parallel_loop3A_467 : i32 to index
      %parallel_loop3A_488 = tpu.vector_load %arg9[%parallel_loop3A_487] {strides = array<i32>} : memref<8192xi32, #tpu.memory_space<vmem>>, vector<16xi32>,
      %parallel_loop3A_489 = vector.shape_cast %parallel_loop3A_488 : vector<16xi32> to vector<16xi32>
      %parallel_loop3A_490 = vector.shape_cast %parallel_loop3A_486 : vector<16xi32> to vector<16xi32>
      tpu.vector_store %arg9[%parallel_loop3A_487], %parallel_loop3A_490 {strides = array<i32>} : memref<8192xi32, #tpu.memory_space<vmem>>, vector<16xi32>,
    } {sc.loop_unroll_factor = 8 : i64, sc.parallel_access}
    %mul3A_174 = arith.constant 8192 : i32
    %mul3A_175 = arith.muli %arg1, %mul3A_174 : i32
    %add3A_176 = arith.constant 655360 : i32
    %add3A_177 = arith.addi %add3A_176, %mul3A_175 : i32
    %add3A_178 = arith.constant 8192 : i32
    %add3A_179 = arith.addi %add3A_177, %add3A_178 : i32
    %le3A_180 = arith.constant 1000000 : i32
    %le3A_181 = arith.cmpi sle, %add3A_179, %le3A_180 : i32
    %convert_element_type3A_182 = arith.extui %le3A_181 : i1 to i32
    %cond3A_183 = arith.constant 0 : i32
    %cond3A_184 = arith.cmpi ne, %convert_element_type3A_182, %cond3A_183 : i32
    scf.if %cond3A_184 {
      %mul3A_467 = arith.constant 8192 : i32
      %mul3A_468 = arith.muli %arg1, %mul3A_467 : i32
      %add3A_469 = arith.constant 655360 : i32
      %add3A_470 = arith.addi %add3A_469, %mul3A_468 : i32
      %dma_wait3A_471 = tpu.memref_slice %arg3[%add3A_470] : memref<1000000xf32, #tpu.memory_space<hbm>> -> memref<8192xf32, #tpu.memory_space<hbm>>
      %dma_wait3A_472 = tpu.memref_slice %arg3[%add3A_470] : memref<1000000xf32, #tpu.memory_space<hbm>> -> memref<8192xf32, #tpu.memory_space<hbm>>
      tpu.wait_dma2 semaphore(%arg20 : memref<!tpu.dma_semaphore, #tpu.memory_space<semaphore_mem>>) src(%dma_wait3A_472 : memref<8192xf32, #tpu.memory_space<hbm>>) dst(%arg11 : memref<8192xf32, #tpu.memory_space<vmem>>)
      %mul3A_473 = arith.constant 8192 : i32
      %mul3A_474 = arith.muli %arg1, %mul3A_473 : i32
      %add3A_475 = arith.constant 655360 : i32
      %add3A_476 = arith.addi %add3A_475, %mul3A_474 : i32
      %dma_start3A_477 = tpu.memref_slice %arg5[%add3A_476] : memref<1000000xf32, #tpu.memory_space<vmem_shared>> -> memref<8192xf32, #tpu.memory_space<vmem_shared>>
      %dma_start3A_478 = tpu.memref_slice %arg5[%add3A_476] : memref<1000000xf32, #tpu.memory_space<vmem_shared>> -> memref<8192xf32, #tpu.memory_space<vmem_shared>>
      tpu.enqueue_dma source(%arg11 : memref<8192xf32, #tpu.memory_space<vmem>>) target(%dma_start3A_478 : memref<8192xf32, #tpu.memory_space<vmem_shared>>) target_semaphore(%arg21 : memref<!tpu.dma_semaphore, #tpu.memory_space<semaphore_mem>>)
    } else {
    }
    %mul3A_185 = arith.constant 8192 : i32
    %mul3A_186 = arith.muli %arg1, %mul3A_185 : i32
    %add3A_187 = arith.constant 262144 : i32
    %add3A_188 = arith.addi %add3A_187, %mul3A_186 : i32
    %add3A_189 = arith.constant 8192 : i32
    %add3A_190 = arith.addi %add3A_188, %add3A_189 : i32
    %le3A_191 = arith.constant 1000000 : i32
    %le3A_192 = arith.cmpi sle, %add3A_190, %le3A_191 : i32
    %convert_element_type3A_193 = arith.extui %le3A_192 : i1 to i32
    %cond3A_194 = arith.constant 0 : i32
    %cond3A_195 = arith.cmpi ne, %convert_element_type3A_193, %cond3A_194 : i32
    scf.if %cond3A_195 {
      %mul3A_467 = arith.constant 8192 : i32
      %mul3A_468 = arith.muli %arg1, %mul3A_467 : i32
      %add3A_469 = arith.constant 262144 : i32
      %add3A_470 = arith.addi %add3A_469, %mul3A_468 : i32
      %dma_wait3A_471 = tpu.memref_slice %arg5[%add3A_470] : memref<1000000xf32, #tpu.memory_space<vmem_shared>> -> memref<8192xf32, #tpu.memory_space<vmem_shared>>
      %dma_wait3A_472 = tpu.memref_slice %arg5[%add3A_470] : memref<1000000xf32, #tpu.memory_space<vmem_shared>> -> memref<8192xf32, #tpu.memory_space<vmem_shared>>
      tpu.wait_dma2 semaphore(%arg21 : memref<!tpu.dma_semaphore, #tpu.memory_space<semaphore_mem>>) src(%arg12 : memref<8192xf32, #tpu.memory_space<vmem>>) dst(%dma_wait3A_472 : memref<8192xf32, #tpu.memory_space<vmem_shared>>)
    } else {
    }
    %mul3A_196 = arith.constant 8192 : i32
    %mul3A_197 = arith.muli %arg1, %mul3A_196 : i32
    %add3A_198 = arith.constant 786432 : i32
    %add3A_199 = arith.addi %add3A_198, %mul3A_197 : i32
    %add3A_200 = arith.constant 8192 : i32
    %add3A_201 = arith.addi %add3A_199, %add3A_200 : i32
    %le3A_202 = arith.constant 1000000 : i32
    %le3A_203 = arith.cmpi sle, %add3A_201, %le3A_202 : i32
    %convert_element_type3A_204 = arith.extui %le3A_203 : i1 to i32
    %cond3A_205 = arith.constant 0 : i32
    %cond3A_206 = arith.cmpi ne, %convert_element_type3A_204, %cond3A_205 : i32
    scf.if %cond3A_206 {
      %mul3A_467 = arith.constant 8192 : i32
      %mul3A_468 = arith.muli %arg1, %mul3A_467 : i32
      %add3A_469 = arith.constant 786432 : i32
      %add3A_470 = arith.addi %add3A_469, %mul3A_468 : i32
      %dma_start3A_471 = tpu.memref_slice %arg3[%add3A_470] : memref<1000000xf32, #tpu.memory_space<hbm>> -> memref<8192xf32, #tpu.memory_space<hbm>>
      %dma_start3A_472 = tpu.memref_slice %arg3[%add3A_470] : memref<1000000xf32, #tpu.memory_space<hbm>> -> memref<8192xf32, #tpu.memory_space<hbm>>
      tpu.enqueue_dma source(%dma_start3A_472 : memref<8192xf32, #tpu.memory_space<hbm>>) target(%arg12 : memref<8192xf32, #tpu.memory_space<vmem>>) target_semaphore(%arg20 : memref<!tpu.dma_semaphore, #tpu.memory_space<semaphore_mem>>)
    } else {
    }
    %parallel_loop3A_207 = arith.constant 4096 : i32
    %parallel_loop3A_208 = arith.constant 6144 : i32
    %parallel_loop3A_209 = arith.constant 16 : i32
    scf.for %parallel_loop3A_467 = %parallel_loop3A_207 to %parallel_loop3A_208 step %parallel_loop3A_209  : i32 {
      %parallel_loop3A_468 = arith.index_cast %parallel_loop3A_467 : i32 to index
      %parallel_loop3A_469 = tpu.vector_load %arg7[%parallel_loop3A_468] {strides = array<i32>} : memref<8192xf32, #tpu.memory_space<vmem>>, vector<16xf32>,
      %parallel_loop3A_470 = vector.shape_cast %parallel_loop3A_469 : vector<16xf32> to vector<16xf32>
      %parallel_loop3A_471 = arith.constant -9.990000e-01 : f32
      %parallel_loop3A_472 = vector.broadcast %parallel_loop3A_471 : f32 to vector<16xf32>
      %parallel_loop3A_473 = arith.maximumf %parallel_loop3A_470, %parallel_loop3A_472 : vector<16xf32>
      %parallel_loop3A_474 = arith.constant 9.990000e-01 : f32
      %parallel_loop3A_475 = vector.broadcast %parallel_loop3A_474 : f32 to vector<16xf32>
      %parallel_loop3A_476 = arith.minimumf %parallel_loop3A_473, %parallel_loop3A_475 : vector<16xf32>
      %parallel_loop3A_477 = arith.constant 1.000000e+00 : f32
      %parallel_loop3A_478 = vector.broadcast %parallel_loop3A_477 : f32 to vector<16xf32>
      %parallel_loop3A_479 = arith.addf %parallel_loop3A_476, %parallel_loop3A_478 : vector<16xf32>
      %parallel_loop3A_480 = arith.constant 2.000000e+00 : f32
      %parallel_loop3A_481 = vector.broadcast %parallel_loop3A_480 : f32 to vector<16xf32>
      %parallel_loop3A_482 = arith.divf %parallel_loop3A_479, %parallel_loop3A_481 : vector<16xf32>
      %parallel_loop3A_483 = arith.constant 1.000000e+06 : f32
      %parallel_loop3A_484 = vector.broadcast %parallel_loop3A_483 : f32 to vector<16xf32>
      %parallel_loop3A_485 = arith.mulf %parallel_loop3A_482, %parallel_loop3A_484 : vector<16xf32>
      %parallel_loop3A_486 = arith.fptosi %parallel_loop3A_485 : vector<16xf32> to vector<16xi32>
      %parallel_loop3A_487 = arith.index_cast %parallel_loop3A_467 : i32 to index
      %parallel_loop3A_488 = tpu.vector_load %arg9[%parallel_loop3A_487] {strides = array<i32>} : memref<8192xi32, #tpu.memory_space<vmem>>, vector<16xi32>,
      %parallel_loop3A_489 = vector.shape_cast %parallel_loop3A_488 : vector<16xi32> to vector<16xi32>
      %parallel_loop3A_490 = vector.shape_cast %parallel_loop3A_486 : vector<16xi32> to vector<16xi32>
      tpu.vector_store %arg9[%parallel_loop3A_487], %parallel_loop3A_490 {strides = array<i32>} : memref<8192xi32, #tpu.memory_space<vmem>>, vector<16xi32>,
    } {sc.loop_unroll_factor = 8 : i64, sc.parallel_access}
    %mul3A_210 = arith.constant 8192 : i32
    %mul3A_211 = arith.muli %arg1, %mul3A_210 : i32
    %add3A_212 = arith.constant 786432 : i32
    %add3A_213 = arith.addi %add3A_212, %mul3A_211 : i32
    %add3A_214 = arith.constant 8192 : i32
    %add3A_215 = arith.addi %add3A_213, %add3A_214 : i32
    %le3A_216 = arith.constant 1000000 : i32
    %le3A_217 = arith.cmpi sle, %add3A_215, %le3A_216 : i32
    %convert_element_type3A_218 = arith.extui %le3A_217 : i1 to i32
    %cond3A_219 = arith.constant 0 : i32
    %cond3A_220 = arith.cmpi ne, %convert_element_type3A_218, %cond3A_219 : i32
    scf.if %cond3A_220 {
      %mul3A_467 = arith.constant 8192 : i32
      %mul3A_468 = arith.muli %arg1, %mul3A_467 : i32
      %add3A_469 = arith.constant 786432 : i32
      %add3A_470 = arith.addi %add3A_469, %mul3A_468 : i32
      %dma_wait3A_471 = tpu.memref_slice %arg3[%add3A_470] : memref<1000000xf32, #tpu.memory_space<hbm>> -> memref<8192xf32, #tpu.memory_space<hbm>>
      %dma_wait3A_472 = tpu.memref_slice %arg3[%add3A_470] : memref<1000000xf32, #tpu.memory_space<hbm>> -> memref<8192xf32, #tpu.memory_space<hbm>>
      tpu.wait_dma2 semaphore(%arg20 : memref<!tpu.dma_semaphore, #tpu.memory_space<semaphore_mem>>) src(%dma_wait3A_472 : memref<8192xf32, #tpu.memory_space<hbm>>) dst(%arg12 : memref<8192xf32, #tpu.memory_space<vmem>>)
      %mul3A_473 = arith.constant 8192 : i32
      %mul3A_474 = arith.muli %arg1, %mul3A_473 : i32
      %add3A_475 = arith.constant 786432 : i32
      %add3A_476 = arith.addi %add3A_475, %mul3A_474 : i32
      %dma_start3A_477 = tpu.memref_slice %arg5[%add3A_476] : memref<1000000xf32, #tpu.memory_space<vmem_shared>> -> memref<8192xf32, #tpu.memory_space<vmem_shared>>
      %dma_start3A_478 = tpu.memref_slice %arg5[%add3A_476] : memref<1000000xf32, #tpu.memory_space<vmem_shared>> -> memref<8192xf32, #tpu.memory_space<vmem_shared>>
      tpu.enqueue_dma source(%arg12 : memref<8192xf32, #tpu.memory_space<vmem>>) target(%dma_start3A_478 : memref<8192xf32, #tpu.memory_space<vmem_shared>>) target_semaphore(%arg21 : memref<!tpu.dma_semaphore, #tpu.memory_space<semaphore_mem>>)
    } else {
    }
    %mul3A_221 = arith.constant 8192 : i32
    %mul3A_222 = arith.muli %arg1, %mul3A_221 : i32
    %add3A_223 = arith.constant 393216 : i32
    %add3A_224 = arith.addi %add3A_223, %mul3A_222 : i32
    %add3A_225 = arith.constant 8192 : i32
    %add3A_226 = arith.addi %add3A_224, %add3A_225 : i32
    %le3A_227 = arith.constant 1000000 : i32
    %le3A_228 = arith.cmpi sle, %add3A_226, %le3A_227 : i32
    %convert_element_type3A_229 = arith.extui %le3A_228 : i1 to i32
    %cond3A_230 = arith.constant 0 : i32
    %cond3A_231 = arith.cmpi ne, %convert_element_type3A_229, %cond3A_230 : i32
    scf.if %cond3A_231 {
      %mul3A_467 = arith.constant 8192 : i32
      %mul3A_468 = arith.muli %arg1, %mul3A_467 : i32
      %add3A_469 = arith.constant 393216 : i32
      %add3A_470 = arith.addi %add3A_469, %mul3A_468 : i32
      %dma_wait3A_471 = tpu.memref_slice %arg5[%add3A_470] : memref<1000000xf32, #tpu.memory_space<vmem_shared>> -> memref<8192xf32, #tpu.memory_space<vmem_shared>>
      %dma_wait3A_472 = tpu.memref_slice %arg5[%add3A_470] : memref<1000000xf32, #tpu.memory_space<vmem_shared>> -> memref<8192xf32, #tpu.memory_space<vmem_shared>>
      tpu.wait_dma2 semaphore(%arg21 : memref<!tpu.dma_semaphore, #tpu.memory_space<semaphore_mem>>) src(%arg13 : memref<8192xf32, #tpu.memory_space<vmem>>) dst(%dma_wait3A_472 : memref<8192xf32, #tpu.memory_space<vmem_shared>>)
    } else {
    }
    %mul3A_232 = arith.constant 8192 : i32
    %mul3A_233 = arith.muli %arg1, %mul3A_232 : i32
    %add3A_234 = arith.constant 917504 : i32
    %add3A_235 = arith.addi %add3A_234, %mul3A_233 : i32
    %add3A_236 = arith.constant 8192 : i32
    %add3A_237 = arith.addi %add3A_235, %add3A_236 : i32
    %le3A_238 = arith.constant 1000000 : i32
    %le3A_239 = arith.cmpi sle, %add3A_237, %le3A_238 : i32
    %convert_element_type3A_240 = arith.extui %le3A_239 : i1 to i32
    %cond3A_241 = arith.constant 0 : i32
    %cond3A_242 = arith.cmpi ne, %convert_element_type3A_240, %cond3A_241 : i32
    scf.if %cond3A_242 {
      %mul3A_467 = arith.constant 8192 : i32
      %mul3A_468 = arith.muli %arg1, %mul3A_467 : i32
      %add3A_469 = arith.constant 917504 : i32
      %add3A_470 = arith.addi %add3A_469, %mul3A_468 : i32
      %dma_start3A_471 = tpu.memref_slice %arg3[%add3A_470] : memref<1000000xf32, #tpu.memory_space<hbm>> -> memref<8192xf32, #tpu.memory_space<hbm>>
      %dma_start3A_472 = tpu.memref_slice %arg3[%add3A_470] : memref<1000000xf32, #tpu.memory_space<hbm>> -> memref<8192xf32, #tpu.memory_space<hbm>>
      tpu.enqueue_dma source(%dma_start3A_472 : memref<8192xf32, #tpu.memory_space<hbm>>) target(%arg13 : memref<8192xf32, #tpu.memory_space<vmem>>) target_semaphore(%arg20 : memref<!tpu.dma_semaphore, #tpu.memory_space<semaphore_mem>>)
    } else {
    }
    %parallel_loop3A_243 = arith.constant 6144 : i32
    %parallel_loop3A_244 = arith.constant 8192 : i32
    %parallel_loop3A_245 = arith.constant 16 : i32
    scf.for %parallel_loop3A_467 = %parallel_loop3A_243 to %parallel_loop3A_244 step %parallel_loop3A_245  : i32 {
      %parallel_loop3A_468 = arith.index_cast %parallel_loop3A_467 : i32 to index
      %parallel_loop3A_469 = tpu.vector_load %arg7[%parallel_loop3A_468] {strides = array<i32>} : memref<8192xf32, #tpu.memory_space<vmem>>, vector<16xf32>,
      %parallel_loop3A_470 = vector.shape_cast %parallel_loop3A_469 : vector<16xf32> to vector<16xf32>
      %parallel_loop3A_471 = arith.constant -9.990000e-01 : f32
      %parallel_loop3A_472 = vector.broadcast %parallel_loop3A_471 : f32 to vector<16xf32>
      %parallel_loop3A_473 = arith.maximumf %parallel_loop3A_470, %parallel_loop3A_472 : vector<16xf32>
      %parallel_loop3A_474 = arith.constant 9.990000e-01 : f32
      %parallel_loop3A_475 = vector.broadcast %parallel_loop3A_474 : f32 to vector<16xf32>
      %parallel_loop3A_476 = arith.minimumf %parallel_loop3A_473, %parallel_loop3A_475 : vector<16xf32>
      %parallel_loop3A_477 = arith.constant 1.000000e+00 : f32
      %parallel_loop3A_478 = vector.broadcast %parallel_loop3A_477 : f32 to vector<16xf32>
      %parallel_loop3A_479 = arith.addf %parallel_loop3A_476, %parallel_loop3A_478 : vector<16xf32>
      %parallel_loop3A_480 = arith.constant 2.000000e+00 : f32
      %parallel_loop3A_481 = vector.broadcast %parallel_loop3A_480 : f32 to vector<16xf32>
      %parallel_loop3A_482 = arith.divf %parallel_loop3A_479, %parallel_loop3A_481 : vector<16xf32>
      %parallel_loop3A_483 = arith.constant 1.000000e+06 : f32
      %parallel_loop3A_484 = vector.broadcast %parallel_loop3A_483 : f32 to vector<16xf32>
      %parallel_loop3A_485 = arith.mulf %parallel_loop3A_482, %parallel_loop3A_484 : vector<16xf32>
      %parallel_loop3A_486 = arith.fptosi %parallel_loop3A_485 : vector<16xf32> to vector<16xi32>
      %parallel_loop3A_487 = arith.index_cast %parallel_loop3A_467 : i32 to index
      %parallel_loop3A_488 = tpu.vector_load %arg9[%parallel_loop3A_487] {strides = array<i32>} : memref<8192xi32, #tpu.memory_space<vmem>>, vector<16xi32>,
      %parallel_loop3A_489 = vector.shape_cast %parallel_loop3A_488 : vector<16xi32> to vector<16xi32>
      %parallel_loop3A_490 = vector.shape_cast %parallel_loop3A_486 : vector<16xi32> to vector<16xi32>
      tpu.vector_store %arg9[%parallel_loop3A_487], %parallel_loop3A_490 {strides = array<i32>} : memref<8192xi32, #tpu.memory_space<vmem>>, vector<16xi32>,
    } {sc.loop_unroll_factor = 8 : i64, sc.parallel_access}
    %mul3A_246 = arith.constant 8192 : i32
    %mul3A_247 = arith.muli %arg1, %mul3A_246 : i32
    %add3A_248 = arith.constant 917504 : i32
    %add3A_249 = arith.addi %add3A_248, %mul3A_247 : i32
    %add3A_250 = arith.constant 8192 : i32
    %add3A_251 = arith.addi %add3A_249, %add3A_250 : i32
    %le3A_252 = arith.constant 1000000 : i32
    %le3A_253 = arith.cmpi sle, %add3A_251, %le3A_252 : i32
    %convert_element_type3A_254 = arith.extui %le3A_253 : i1 to i32
    %cond3A_255 = arith.constant 0 : i32
    %cond3A_256 = arith.cmpi ne, %convert_element_type3A_254, %cond3A_255 : i32
    scf.if %cond3A_256 {
      %mul3A_467 = arith.constant 8192 : i32
      %mul3A_468 = arith.muli %arg1, %mul3A_467 : i32
      %add3A_469 = arith.constant 917504 : i32
      %add3A_470 = arith.addi %add3A_469, %mul3A_468 : i32
      %dma_wait3A_471 = tpu.memref_slice %arg3[%add3A_470] : memref<1000000xf32, #tpu.memory_space<hbm>> -> memref<8192xf32, #tpu.memory_space<hbm>>
      %dma_wait3A_472 = tpu.memref_slice %arg3[%add3A_470] : memref<1000000xf32, #tpu.memory_space<hbm>> -> memref<8192xf32, #tpu.memory_space<hbm>>
      tpu.wait_dma2 semaphore(%arg20 : memref<!tpu.dma_semaphore, #tpu.memory_space<semaphore_mem>>) src(%dma_wait3A_472 : memref<8192xf32, #tpu.memory_space<hbm>>) dst(%arg13 : memref<8192xf32, #tpu.memory_space<vmem>>)
      %mul3A_473 = arith.constant 8192 : i32
      %mul3A_474 = arith.muli %arg1, %mul3A_473 : i32
      %add3A_475 = arith.constant 917504 : i32
      %add3A_476 = arith.addi %add3A_475, %mul3A_474 : i32
      %dma_start3A_477 = tpu.memref_slice %arg5[%add3A_476] : memref<1000000xf32, #tpu.memory_space<vmem_shared>> -> memref<8192xf32, #tpu.memory_space<vmem_shared>>
      %dma_start3A_478 = tpu.memref_slice %arg5[%add3A_476] : memref<1000000xf32, #tpu.memory_space<vmem_shared>> -> memref<8192xf32, #tpu.memory_space<vmem_shared>>
      tpu.enqueue_dma source(%arg13 : memref<8192xf32, #tpu.memory_space<vmem>>) target(%dma_start3A_478 : memref<8192xf32, #tpu.memory_space<vmem_shared>>) target_semaphore(%arg21 : memref<!tpu.dma_semaphore, #tpu.memory_space<semaphore_mem>>)
    } else {
    }
    %mul3A_257 = arith.constant 8192 : i32
    %mul3A_258 = arith.muli %arg1, %mul3A_257 : i32
    %add3A_259 = arith.constant 524288 : i32
    %add3A_260 = arith.addi %add3A_259, %mul3A_258 : i32
    %add3A_261 = arith.constant 8192 : i32
    %add3A_262 = arith.addi %add3A_260, %add3A_261 : i32
    %le3A_263 = arith.constant 1000000 : i32
    %le3A_264 = arith.cmpi sle, %add3A_262, %le3A_263 : i32
    %convert_element_type3A_265 = arith.extui %le3A_264 : i1 to i32
    %cond3A_266 = arith.constant 0 : i32
    %cond3A_267 = arith.cmpi ne, %convert_element_type3A_265, %cond3A_266 : i32
    scf.if %cond3A_267 {
      %mul3A_467 = arith.constant 8192 : i32
      %mul3A_468 = arith.muli %arg1, %mul3A_467 : i32
      %add3A_469 = arith.constant 524288 : i32
      %add3A_470 = arith.addi %add3A_469, %mul3A_468 : i32
      %dma_wait3A_471 = tpu.memref_slice %arg5[%add3A_470] : memref<1000000xf32, #tpu.memory_space<vmem_shared>> -> memref<8192xf32, #tpu.memory_space<vmem_shared>>
      %dma_wait3A_472 = tpu.memref_slice %arg5[%add3A_470] : memref<1000000xf32, #tpu.memory_space<vmem_shared>> -> memref<8192xf32, #tpu.memory_space<vmem_shared>>
      tpu.wait_dma2 semaphore(%arg21 : memref<!tpu.dma_semaphore, #tpu.memory_space<semaphore_mem>>) src(%arg10 : memref<8192xf32, #tpu.memory_space<vmem>>) dst(%dma_wait3A_472 : memref<8192xf32, #tpu.memory_space<vmem_shared>>)
    } else {
    }
    %mul3A_268 = arith.constant 8192 : i32
    %mul3A_269 = arith.muli %arg1, %mul3A_268 : i32
    %add3A_270 = arith.constant 655360 : i32
    %add3A_271 = arith.addi %add3A_270, %mul3A_269 : i32
    %add3A_272 = arith.constant 8192 : i32
    %add3A_273 = arith.addi %add3A_271, %add3A_272 : i32
    %le3A_274 = arith.constant 1000000 : i32
    %le3A_275 = arith.cmpi sle, %add3A_273, %le3A_274 : i32
    %convert_element_type3A_276 = arith.extui %le3A_275 : i1 to i32
    %cond3A_277 = arith.constant 0 : i32
    %cond3A_278 = arith.cmpi ne, %convert_element_type3A_276, %cond3A_277 : i32
    scf.if %cond3A_278 {
      %mul3A_467 = arith.constant 8192 : i32
      %mul3A_468 = arith.muli %arg1, %mul3A_467 : i32
      %add3A_469 = arith.constant 655360 : i32
      %add3A_470 = arith.addi %add3A_469, %mul3A_468 : i32
      %dma_wait3A_471 = tpu.memref_slice %arg5[%add3A_470] : memref<1000000xf32, #tpu.memory_space<vmem_shared>> -> memref<8192xf32, #tpu.memory_space<vmem_shared>>
      %dma_wait3A_472 = tpu.memref_slice %arg5[%add3A_470] : memref<1000000xf32, #tpu.memory_space<vmem_shared>> -> memref<8192xf32, #tpu.memory_space<vmem_shared>>
      tpu.wait_dma2 semaphore(%arg21 : memref<!tpu.dma_semaphore, #tpu.memory_space<semaphore_mem>>) src(%arg11 : memref<8192xf32, #tpu.memory_space<vmem>>) dst(%dma_wait3A_472 : memref<8192xf32, #tpu.memory_space<vmem_shared>>)
    } else {
    }
    %mul3A_279 = arith.constant 8192 : i32
    %mul3A_280 = arith.muli %arg1, %mul3A_279 : i32
    %add3A_281 = arith.constant 786432 : i32
    %add3A_282 = arith.addi %add3A_281, %mul3A_280 : i32
    %add3A_283 = arith.constant 8192 : i32
    %add3A_284 = arith.addi %add3A_282, %add3A_283 : i32
    %le3A_285 = arith.constant 1000000 : i32
    %le3A_286 = arith.cmpi sle, %add3A_284, %le3A_285 : i32
    %convert_element_type3A_287 = arith.extui %le3A_286 : i1 to i32
    %cond3A_288 = arith.constant 0 : i32
    %cond3A_289 = arith.cmpi ne, %convert_element_type3A_287, %cond3A_288 : i32
    scf.if %cond3A_289 {
      %mul3A_467 = arith.constant 8192 : i32
      %mul3A_468 = arith.muli %arg1, %mul3A_467 : i32
      %add3A_469 = arith.constant 786432 : i32
      %add3A_470 = arith.addi %add3A_469, %mul3A_468 : i32
      %dma_wait3A_471 = tpu.memref_slice %arg5[%add3A_470] : memref<1000000xf32, #tpu.memory_space<vmem_shared>> -> memref<8192xf32, #tpu.memory_space<vmem_shared>>
      %dma_wait3A_472 = tpu.memref_slice %arg5[%add3A_470] : memref<1000000xf32, #tpu.memory_space<vmem_shared>> -> memref<8192xf32, #tpu.memory_space<vmem_shared>>
      tpu.wait_dma2 semaphore(%arg21 : memref<!tpu.dma_semaphore, #tpu.memory_space<semaphore_mem>>) src(%arg12 : memref<8192xf32, #tpu.memory_space<vmem>>) dst(%dma_wait3A_472 : memref<8192xf32, #tpu.memory_space<vmem_shared>>)
    } else {
    }
    %mul3A_290 = arith.constant 8192 : i32
    %mul3A_291 = arith.muli %arg1, %mul3A_290 : i32
    %add3A_292 = arith.constant 917504 : i32
    %add3A_293 = arith.addi %add3A_292, %mul3A_291 : i32
    %add3A_294 = arith.constant 8192 : i32
    %add3A_295 = arith.addi %add3A_293, %add3A_294 : i32
    %le3A_296 = arith.constant 1000000 : i32
    %le3A_297 = arith.cmpi sle, %add3A_295, %le3A_296 : i32
    %convert_element_type3A_298 = arith.extui %le3A_297 : i1 to i32
    %cond3A_299 = arith.constant 0 : i32
    %cond3A_300 = arith.cmpi ne, %convert_element_type3A_298, %cond3A_299 : i32
    scf.if %cond3A_300 {
      %mul3A_467 = arith.constant 8192 : i32
      %mul3A_468 = arith.muli %arg1, %mul3A_467 : i32
      %add3A_469 = arith.constant 917504 : i32
      %add3A_470 = arith.addi %add3A_469, %mul3A_468 : i32
      %dma_wait3A_471 = tpu.memref_slice %arg5[%add3A_470] : memref<1000000xf32, #tpu.memory_space<vmem_shared>> -> memref<8192xf32, #tpu.memory_space<vmem_shared>>
      %dma_wait3A_472 = tpu.memref_slice %arg5[%add3A_470] : memref<1000000xf32, #tpu.memory_space<vmem_shared>> -> memref<8192xf32, #tpu.memory_space<vmem_shared>>
      tpu.wait_dma2 semaphore(%arg21 : memref<!tpu.dma_semaphore, #tpu.memory_space<semaphore_mem>>) src(%arg13 : memref<8192xf32, #tpu.memory_space<vmem>>) dst(%dma_wait3A_472 : memref<8192xf32, #tpu.memory_space<vmem_shared>>)
    } else {
    }
    %eq3A = arith.constant 15 : i32
    %eq3A_301 = arith.cmpi eq, %arg1, %eq3A : i32
    %convert_element_type3A_302 = arith.extui %eq3A_301 : i1 to i32
    %cond3A_303 = arith.constant 0 : i32
    %cond3A_304 = arith.cmpi ne, %convert_element_type3A_302, %cond3A_303 : i32
    scf.if %cond3A_304 {
      "tpu.region"() ({
        %run_scoped3A = tpu.sem_alloc : memref<!tpu.dma_semaphore, #tpu.memory_space<semaphore_mem>>
        %dma_start3A_467 = arith.constant 0 : i32
        %dma_start3A_468 = tpu.memref_slice %arg10[%dma_start3A_467] : memref<8192xf32, #tpu.memory_space<vmem>> -> memref<576xf32, #tpu.memory_space<vmem>>
        %dma_start3A_469 = arith.constant 999424 : i32
        %dma_start3A_470 = tpu.memref_slice %arg3[%dma_start3A_469] : memref<1000000xf32, #tpu.memory_space<hbm>> -> memref<576xf32, #tpu.memory_space<hbm>>
        %dma_start3A_471 = arith.constant 0 : i32
        %dma_start3A_472 = tpu.memref_slice %arg10[%dma_start3A_471] : memref<8192xf32, #tpu.memory_space<vmem>> -> memref<576xf32, #tpu.memory_space<vmem>>
        %dma_start3A_473 = arith.constant 999424 : i32
        %dma_start3A_474 = tpu.memref_slice %arg3[%dma_start3A_473] : memref<1000000xf32, #tpu.memory_space<hbm>> -> memref<576xf32, #tpu.memory_space<hbm>>
        tpu.enqueue_dma source(%dma_start3A_474 : memref<576xf32, #tpu.memory_space<hbm>>) target(%dma_start3A_472 : memref<576xf32, #tpu.memory_space<vmem>>) target_semaphore(%run_scoped3A : memref<!tpu.dma_semaphore, #tpu.memory_space<semaphore_mem>>)
        %dma_wait3A_475 = arith.constant 0 : i32
        %dma_wait3A_476 = tpu.memref_slice %arg10[%dma_wait3A_475] : memref<8192xf32, #tpu.memory_space<vmem>> -> memref<576xf32, #tpu.memory_space<vmem>>
        %dma_wait3A_477 = arith.constant 999424 : i32
        %dma_wait3A_478 = tpu.memref_slice %arg3[%dma_wait3A_477] : memref<1000000xf32, #tpu.memory_space<hbm>> -> memref<576xf32, #tpu.memory_space<hbm>>
        %dma_wait3A_479 = arith.constant 0 : i32
        %dma_wait3A_480 = tpu.memref_slice %arg10[%dma_wait3A_479] : memref<8192xf32, #tpu.memory_space<vmem>> -> memref<576xf32, #tpu.memory_space<vmem>>
        %dma_wait3A_481 = arith.constant 999424 : i32
        %dma_wait3A_482 = tpu.memref_slice %arg3[%dma_wait3A_481] : memref<1000000xf32, #tpu.memory_space<hbm>> -> memref<576xf32, #tpu.memory_space<hbm>>
        tpu.wait_dma2 semaphore(%run_scoped3A : memref<!tpu.dma_semaphore, #tpu.memory_space<semaphore_mem>>) src(%dma_wait3A_482 : memref<576xf32, #tpu.memory_space<hbm>>) dst(%dma_wait3A_480 : memref<576xf32, #tpu.memory_space<vmem>>)
        tpu.yield
      }) : () -> ()
      "tpu.region"() ({
        %run_scoped3A = tpu.sem_alloc : memref<!tpu.dma_semaphore, #tpu.memory_space<semaphore_mem>>
        %dma_start3A_467 = arith.constant 0 : i32
        %dma_start3A_468 = tpu.memref_slice %arg10[%dma_start3A_467] : memref<8192xf32, #tpu.memory_space<vmem>> -> memref<576xf32, #tpu.memory_space<vmem>>
        %dma_start3A_469 = arith.constant 999424 : i32
        %dma_start3A_470 = tpu.memref_slice %arg5[%dma_start3A_469] : memref<1000000xf32, #tpu.memory_space<vmem_shared>> -> memref<576xf32, #tpu.memory_space<vmem_shared>>
        %dma_start3A_471 = arith.constant 999424 : i32
        %dma_start3A_472 = tpu.memref_slice %arg5[%dma_start3A_471] : memref<1000000xf32, #tpu.memory_space<vmem_shared>> -> memref<576xf32, #tpu.memory_space<vmem_shared>>
        %dma_start3A_473 = arith.constant 0 : i32
        %dma_start3A_474 = tpu.memref_slice %arg10[%dma_start3A_473] : memref<8192xf32, #tpu.memory_space<vmem>> -> memref<576xf32, #tpu.memory_space<vmem>>
        tpu.enqueue_dma source(%dma_start3A_474 : memref<576xf32, #tpu.memory_space<vmem>>) target(%dma_start3A_472 : memref<576xf32, #tpu.memory_space<vmem_shared>>) target_semaphore(%run_scoped3A : memref<!tpu.dma_semaphore, #tpu.memory_space<semaphore_mem>>)
        %dma_wait3A_475 = arith.constant 0 : i32
        %dma_wait3A_476 = tpu.memref_slice %arg10[%dma_wait3A_475] : memref<8192xf32, #tpu.memory_space<vmem>> -> memref<576xf32, #tpu.memory_space<vmem>>
        %dma_wait3A_477 = arith.constant 999424 : i32
        %dma_wait3A_478 = tpu.memref_slice %arg5[%dma_wait3A_477] : memref<1000000xf32, #tpu.memory_space<vmem_shared>> -> memref<576xf32, #tpu.memory_space<vmem_shared>>
        %dma_wait3A_479 = arith.constant 999424 : i32
        %dma_wait3A_480 = tpu.memref_slice %arg5[%dma_wait3A_479] : memref<1000000xf32, #tpu.memory_space<vmem_shared>> -> memref<576xf32, #tpu.memory_space<vmem_shared>>
        %dma_wait3A_481 = arith.constant 0 : i32
        %dma_wait3A_482 = tpu.memref_slice %arg10[%dma_wait3A_481] : memref<8192xf32, #tpu.memory_space<vmem>> -> memref<576xf32, #tpu.memory_space<vmem>>
        tpu.wait_dma2 semaphore(%run_scoped3A : memref<!tpu.dma_semaphore, #tpu.memory_space<semaphore_mem>>) src(%dma_wait3A_482 : memref<576xf32, #tpu.memory_space<vmem>>) dst(%dma_wait3A_480 : memref<576xf32, #tpu.memory_space<vmem_shared>>)
        tpu.yield
      }) : () -> ()
    } else {
    }
    %barrier3A = arith.constant 0 : index
    tpu.barrier barrier_id(%barrier3A)
    %add3A_305 = arith.constant 16384 : i32
    %add3A_306 = arith.addi %mul3A_2, %add3A_305 : i32
    %dma_start3A_307 = tpu.memref_slice %arg2[%add3A_306] : memref<2097152xf32, #tpu.memory_space<hbm>> -> memref<8192xf32, #tpu.memory_space<hbm>>
    %dma_start3A_308 = tpu.memref_slice %arg2[%add3A_306] : memref<2097152xf32, #tpu.memory_space<hbm>> -> memref<8192xf32, #tpu.memory_space<hbm>>
    tpu.enqueue_dma source(%dma_start3A_308 : memref<8192xf32, #tpu.memory_space<hbm>>) target(%arg6 : memref<8192xf32, #tpu.memory_space<vmem>>) target_semaphore(%arg14 : memref<!tpu.dma_semaphore, #tpu.memory_space<semaphore_mem>>)
    %dma_start3A_309 = arith.constant 0 : i32
    %dma_start3A_310 = tpu.memref_slice %arg5[%dma_start3A_309] : memref<1000000xf32, #tpu.memory_space<vmem_shared>> -> memref<1000000xf32, #tpu.memory_space<vmem_shared>>
    tpu.enqueue_indirect_dma source(%dma_start3A_310 : memref<1000000xf32, #tpu.memory_space<vmem_shared>>) target(%arg10 : memref<8192xf32, #tpu.memory_space<vmem>>) offsets(%arg8 : memref<8192xi32, #tpu.memory_space<vmem>>) semaphore(%arg16 : memref<!tpu.dma_semaphore, #tpu.memory_space<semaphore_mem>>)
    %add3A_311 = arith.constant 24576 : i32
    %add3A_312 = arith.addi %mul3A_2, %add3A_311 : i32
    %dma_start3A_313 = tpu.memref_slice %arg2[%add3A_312] : memref<2097152xf32, #tpu.memory_space<hbm>> -> memref<8192xf32, #tpu.memory_space<hbm>>
    %dma_start3A_314 = tpu.memref_slice %arg2[%add3A_312] : memref<2097152xf32, #tpu.memory_space<hbm>> -> memref<8192xf32, #tpu.memory_space<hbm>>
    tpu.enqueue_dma source(%dma_start3A_314 : memref<8192xf32, #tpu.memory_space<hbm>>) target(%arg7 : memref<8192xf32, #tpu.memory_space<vmem>>) target_semaphore(%arg15 : memref<!tpu.dma_semaphore, #tpu.memory_space<semaphore_mem>>)
    %dma_start3A_315 = arith.constant 0 : i32
    %dma_start3A_316 = tpu.memref_slice %arg5[%dma_start3A_315] : memref<1000000xf32, #tpu.memory_space<vmem_shared>> -> memref<1000000xf32, #tpu.memory_space<vmem_shared>>
    tpu.enqueue_indirect_dma source(%dma_start3A_316 : memref<1000000xf32, #tpu.memory_space<vmem_shared>>) target(%arg11 : memref<8192xf32, #tpu.memory_space<vmem>>) offsets(%arg9 : memref<8192xi32, #tpu.memory_space<vmem>>) semaphore(%arg17 : memref<!tpu.dma_semaphore, #tpu.memory_space<semaphore_mem>>)
    %dma_wait3A_317 = arith.constant 0 : i32
    %dma_wait3A_318 = tpu.memref_slice %arg5[%dma_wait3A_317] : memref<1000000xf32, #tpu.memory_space<vmem_shared>> -> memref<1000000xf32, #tpu.memory_space<vmem_shared>>
    tpu.wait_indirect_dma semaphore(%arg16 : memref<!tpu.dma_semaphore, #tpu.memory_space<semaphore_mem>>) src(%dma_wait3A_318 : memref<1000000xf32, #tpu.memory_space<vmem_shared>>) dst(%arg10 : memref<8192xf32, #tpu.memory_space<vmem>>)
    %add3A_319 = arith.constant 0 : i32
    %add3A_320 = arith.addi %mul3A_2, %add3A_319 : i32
    %dma_start3A_321 = tpu.memref_slice %arg4[%add3A_320] : memref<2097152xf32, #tpu.memory_space<hbm>> -> memref<8192xf32, #tpu.memory_space<hbm>>
    %dma_start3A_322 = tpu.memref_slice %arg4[%add3A_320] : memref<2097152xf32, #tpu.memory_space<hbm>> -> memref<8192xf32, #tpu.memory_space<hbm>>
    tpu.enqueue_dma source(%arg10 : memref<8192xf32, #tpu.memory_space<vmem>>) target(%dma_start3A_322 : memref<8192xf32, #tpu.memory_space<hbm>>) target_semaphore(%arg18 : memref<!tpu.dma_semaphore, #tpu.memory_space<semaphore_mem>>)
    %add3A_323 = arith.constant 16384 : i32
    %add3A_324 = arith.addi %mul3A_2, %add3A_323 : i32
    %dma_wait3A_325 = tpu.memref_slice %arg2[%add3A_324] : memref<2097152xf32, #tpu.memory_space<hbm>> -> memref<8192xf32, #tpu.memory_space<hbm>>
    %dma_wait3A_326 = tpu.memref_slice %arg2[%add3A_324] : memref<2097152xf32, #tpu.memory_space<hbm>> -> memref<8192xf32, #tpu.memory_space<hbm>>
    tpu.wait_dma2 semaphore(%arg14 : memref<!tpu.dma_semaphore, #tpu.memory_space<semaphore_mem>>) src(%dma_wait3A_326 : memref<8192xf32, #tpu.memory_space<hbm>>) dst(%arg6 : memref<8192xf32, #tpu.memory_space<vmem>>)
    %parallel_loop3A_327 = arith.constant 0 : i32
    %parallel_loop3A_328 = arith.constant 8192 : i32
    %parallel_loop3A_329 = arith.constant 16 : i32
    scf.for %parallel_loop3A_467 = %parallel_loop3A_327 to %parallel_loop3A_328 step %parallel_loop3A_329  : i32 {
      %parallel_loop3A_468 = arith.index_cast %parallel_loop3A_467 : i32 to index
      %parallel_loop3A_469 = tpu.vector_load %arg6[%parallel_loop3A_468] {strides = array<i32>} : memref<8192xf32, #tpu.memory_space<vmem>>, vector<16xf32>,
      %parallel_loop3A_470 = vector.shape_cast %parallel_loop3A_469 : vector<16xf32> to vector<16xf32>
      %parallel_loop3A_471 = arith.constant -9.990000e-01 : f32
      %parallel_loop3A_472 = vector.broadcast %parallel_loop3A_471 : f32 to vector<16xf32>
      %parallel_loop3A_473 = arith.maximumf %parallel_loop3A_470, %parallel_loop3A_472 : vector<16xf32>
      %parallel_loop3A_474 = arith.constant 9.990000e-01 : f32
      %parallel_loop3A_475 = vector.broadcast %parallel_loop3A_474 : f32 to vector<16xf32>
      %parallel_loop3A_476 = arith.minimumf %parallel_loop3A_473, %parallel_loop3A_475 : vector<16xf32>
      %parallel_loop3A_477 = arith.constant 1.000000e+00 : f32
      %parallel_loop3A_478 = vector.broadcast %parallel_loop3A_477 : f32 to vector<16xf32>
      %parallel_loop3A_479 = arith.addf %parallel_loop3A_476, %parallel_loop3A_478 : vector<16xf32>
      %parallel_loop3A_480 = arith.constant 2.000000e+00 : f32
      %parallel_loop3A_481 = vector.broadcast %parallel_loop3A_480 : f32 to vector<16xf32>
      %parallel_loop3A_482 = arith.divf %parallel_loop3A_479, %parallel_loop3A_481 : vector<16xf32>
      %parallel_loop3A_483 = arith.constant 1.000000e+06 : f32
      %parallel_loop3A_484 = vector.broadcast %parallel_loop3A_483 : f32 to vector<16xf32>
      %parallel_loop3A_485 = arith.mulf %parallel_loop3A_482, %parallel_loop3A_484 : vector<16xf32>
      %parallel_loop3A_486 = arith.fptosi %parallel_loop3A_485 : vector<16xf32> to vector<16xi32>
      %parallel_loop3A_487 = arith.index_cast %parallel_loop3A_467 : i32 to index
      %parallel_loop3A_488 = tpu.vector_load %arg8[%parallel_loop3A_487] {strides = array<i32>} : memref<8192xi32, #tpu.memory_space<vmem>>, vector<16xi32>,
      %parallel_loop3A_489 = vector.shape_cast %parallel_loop3A_488 : vector<16xi32> to vector<16xi32>
      %parallel_loop3A_490 = vector.shape_cast %parallel_loop3A_486 : vector<16xi32> to vector<16xi32>
      tpu.vector_store %arg8[%parallel_loop3A_487], %parallel_loop3A_490 {strides = array<i32>} : memref<8192xi32, #tpu.memory_space<vmem>>, vector<16xi32>,
    } {sc.loop_unroll_factor = 8 : i64, sc.parallel_access}
    %add3A_330 = arith.constant 32768 : i32
    %add3A_331 = arith.addi %mul3A_2, %add3A_330 : i32
    %dma_start3A_332 = tpu.memref_slice %arg2[%add3A_331] : memref<2097152xf32, #tpu.memory_space<hbm>> -> memref<8192xf32, #tpu.memory_space<hbm>>
    %dma_start3A_333 = tpu.memref_slice %arg2[%add3A_331] : memref<2097152xf32, #tpu.memory_space<hbm>> -> memref<8192xf32, #tpu.memory_space<hbm>>
    tpu.enqueue_dma source(%dma_start3A_333 : memref<8192xf32, #tpu.memory_space<hbm>>) target(%arg6 : memref<8192xf32, #tpu.memory_space<vmem>>) target_semaphore(%arg14 : memref<!tpu.dma_semaphore, #tpu.memory_space<semaphore_mem>>)
    %add3A_334 = arith.constant 0 : i32
    %add3A_335 = arith.addi %mul3A_2, %add3A_334 : i32
    %dma_wait3A_336 = tpu.memref_slice %arg4[%add3A_335] : memref<2097152xf32, #tpu.memory_space<hbm>> -> memref<8192xf32, #tpu.memory_space<hbm>>
    %dma_wait3A_337 = tpu.memref_slice %arg4[%add3A_335] : memref<2097152xf32, #tpu.memory_space<hbm>> -> memref<8192xf32, #tpu.memory_space<hbm>>
    tpu.wait_dma2 semaphore(%arg18 : memref<!tpu.dma_semaphore, #tpu.memory_space<semaphore_mem>>) src(%arg10 : memref<8192xf32, #tpu.memory_space<vmem>>) dst(%dma_wait3A_337 : memref<8192xf32, #tpu.memory_space<hbm>>)
    %dma_start3A_338 = arith.constant 0 : i32
    %dma_start3A_339 = tpu.memref_slice %arg5[%dma_start3A_338] : memref<1000000xf32, #tpu.memory_space<vmem_shared>> -> memref<1000000xf32, #tpu.memory_space<vmem_shared>>
    tpu.enqueue_indirect_dma source(%dma_start3A_339 : memref<1000000xf32, #tpu.memory_space<vmem_shared>>) target(%arg10 : memref<8192xf32, #tpu.memory_space<vmem>>) offsets(%arg8 : memref<8192xi32, #tpu.memory_space<vmem>>) semaphore(%arg16 : memref<!tpu.dma_semaphore, #tpu.memory_space<semaphore_mem>>)
    %dma_wait3A_340 = arith.constant 0 : i32
    %dma_wait3A_341 = tpu.memref_slice %arg5[%dma_wait3A_340] : memref<1000000xf32, #tpu.memory_space<vmem_shared>> -> memref<1000000xf32, #tpu.memory_space<vmem_shared>>
    tpu.wait_indirect_dma semaphore(%arg17 : memref<!tpu.dma_semaphore, #tpu.memory_space<semaphore_mem>>) src(%dma_wait3A_341 : memref<1000000xf32, #tpu.memory_space<vmem_shared>>) dst(%arg11 : memref<8192xf32, #tpu.memory_space<vmem>>)
    %add3A_342 = arith.constant 8192 : i32
    %add3A_343 = arith.addi %mul3A_2, %add3A_342 : i32
    %dma_start3A_344 = tpu.memref_slice %arg4[%add3A_343] : memref<2097152xf32, #tpu.memory_space<hbm>> -> memref<8192xf32, #tpu.memory_space<hbm>>
    %dma_start3A_345 = tpu.memref_slice %arg4[%add3A_343] : memref<2097152xf32, #tpu.memory_space<hbm>> -> memref<8192xf32, #tpu.memory_space<hbm>>
    tpu.enqueue_dma source(%arg11 : memref<8192xf32, #tpu.memory_space<vmem>>) target(%dma_start3A_345 : memref<8192xf32, #tpu.memory_space<hbm>>) target_semaphore(%arg19 : memref<!tpu.dma_semaphore, #tpu.memory_space<semaphore_mem>>)
    %add3A_346 = arith.constant 24576 : i32
    %add3A_347 = arith.addi %mul3A_2, %add3A_346 : i32
    %dma_wait3A_348 = tpu.memref_slice %arg2[%add3A_347] : memref<2097152xf32, #tpu.memory_space<hbm>> -> memref<8192xf32, #tpu.memory_space<hbm>>
    %dma_wait3A_349 = tpu.memref_slice %arg2[%add3A_347] : memref<2097152xf32, #tpu.memory_space<hbm>> -> memref<8192xf32, #tpu.memory_space<hbm>>
    tpu.wait_dma2 semaphore(%arg15 : memref<!tpu.dma_semaphore, #tpu.memory_space<semaphore_mem>>) src(%dma_wait3A_349 : memref<8192xf32, #tpu.memory_space<hbm>>) dst(%arg7 : memref<8192xf32, #tpu.memory_space<vmem>>)
    %parallel_loop3A_350 = arith.constant 0 : i32
    %parallel_loop3A_351 = arith.constant 8192 : i32
    %parallel_loop3A_352 = arith.constant 16 : i32
    scf.for %parallel_loop3A_467 = %parallel_loop3A_350 to %parallel_loop3A_351 step %parallel_loop3A_352  : i32 {
      %parallel_loop3A_468 = arith.index_cast %parallel_loop3A_467 : i32 to index
      %parallel_loop3A_469 = tpu.vector_load %arg7[%parallel_loop3A_468] {strides = array<i32>} : memref<8192xf32, #tpu.memory_space<vmem>>, vector<16xf32>,
      %parallel_loop3A_470 = vector.shape_cast %parallel_loop3A_469 : vector<16xf32> to vector<16xf32>
      %parallel_loop3A_471 = arith.constant -9.990000e-01 : f32
      %parallel_loop3A_472 = vector.broadcast %parallel_loop3A_471 : f32 to vector<16xf32>
      %parallel_loop3A_473 = arith.maximumf %parallel_loop3A_470, %parallel_loop3A_472 : vector<16xf32>
      %parallel_loop3A_474 = arith.constant 9.990000e-01 : f32
      %parallel_loop3A_475 = vector.broadcast %parallel_loop3A_474 : f32 to vector<16xf32>
      %parallel_loop3A_476 = arith.minimumf %parallel_loop3A_473, %parallel_loop3A_475 : vector<16xf32>
      %parallel_loop3A_477 = arith.constant 1.000000e+00 : f32
      %parallel_loop3A_478 = vector.broadcast %parallel_loop3A_477 : f32 to vector<16xf32>
      %parallel_loop3A_479 = arith.addf %parallel_loop3A_476, %parallel_loop3A_478 : vector<16xf32>
      %parallel_loop3A_480 = arith.constant 2.000000e+00 : f32
      %parallel_loop3A_481 = vector.broadcast %parallel_loop3A_480 : f32 to vector<16xf32>
      %parallel_loop3A_482 = arith.divf %parallel_loop3A_479, %parallel_loop3A_481 : vector<16xf32>
      %parallel_loop3A_483 = arith.constant 1.000000e+06 : f32
      %parallel_loop3A_484 = vector.broadcast %parallel_loop3A_483 : f32 to vector<16xf32>
      %parallel_loop3A_485 = arith.mulf %parallel_loop3A_482, %parallel_loop3A_484 : vector<16xf32>
      %parallel_loop3A_486 = arith.fptosi %parallel_loop3A_485 : vector<16xf32> to vector<16xi32>
      %parallel_loop3A_487 = arith.index_cast %parallel_loop3A_467 : i32 to index
      %parallel_loop3A_488 = tpu.vector_load %arg9[%parallel_loop3A_487] {strides = array<i32>} : memref<8192xi32, #tpu.memory_space<vmem>>, vector<16xi32>,
      %parallel_loop3A_489 = vector.shape_cast %parallel_loop3A_488 : vector<16xi32> to vector<16xi32>
      %parallel_loop3A_490 = vector.shape_cast %parallel_loop3A_486 : vector<16xi32> to vector<16xi32>
      tpu.vector_store %arg9[%parallel_loop3A_487], %parallel_loop3A_490 {strides = array<i32>} : memref<8192xi32, #tpu.memory_space<vmem>>, vector<16xi32>,
    } {sc.loop_unroll_factor = 8 : i64, sc.parallel_access}
    %add3A_353 = arith.constant 40960 : i32
    %add3A_354 = arith.addi %mul3A_2, %add3A_353 : i32
    %dma_start3A_355 = tpu.memref_slice %arg2[%add3A_354] : memref<2097152xf32, #tpu.memory_space<hbm>> -> memref<8192xf32, #tpu.memory_space<hbm>>
    %dma_start3A_356 = tpu.memref_slice %arg2[%add3A_354] : memref<2097152xf32, #tpu.memory_space<hbm>> -> memref<8192xf32, #tpu.memory_space<hbm>>
    tpu.enqueue_dma source(%dma_start3A_356 : memref<8192xf32, #tpu.memory_space<hbm>>) target(%arg7 : memref<8192xf32, #tpu.memory_space<vmem>>) target_semaphore(%arg15 : memref<!tpu.dma_semaphore, #tpu.memory_space<semaphore_mem>>)
    %add3A_357 = arith.constant 8192 : i32
    %add3A_358 = arith.addi %mul3A_2, %add3A_357 : i32
    %dma_wait3A_359 = tpu.memref_slice %arg4[%add3A_358] : memref<2097152xf32, #tpu.memory_space<hbm>> -> memref<8192xf32, #tpu.memory_space<hbm>>
    %dma_wait3A_360 = tpu.memref_slice %arg4[%add3A_358] : memref<2097152xf32, #tpu.memory_space<hbm>> -> memref<8192xf32, #tpu.memory_space<hbm>>
    tpu.wait_dma2 semaphore(%arg19 : memref<!tpu.dma_semaphore, #tpu.memory_space<semaphore_mem>>) src(%arg11 : memref<8192xf32, #tpu.memory_space<vmem>>) dst(%dma_wait3A_360 : memref<8192xf32, #tpu.memory_space<hbm>>)
    %dma_start3A_361 = arith.constant 0 : i32
    %dma_start3A_362 = tpu.memref_slice %arg5[%dma_start3A_361] : memref<1000000xf32, #tpu.memory_space<vmem_shared>> -> memref<1000000xf32, #tpu.memory_space<vmem_shared>>
    tpu.enqueue_indirect_dma source(%dma_start3A_362 : memref<1000000xf32, #tpu.memory_space<vmem_shared>>) target(%arg11 : memref<8192xf32, #tpu.memory_space<vmem>>) offsets(%arg9 : memref<8192xi32, #tpu.memory_space<vmem>>) semaphore(%arg17 : memref<!tpu.dma_semaphore, #tpu.memory_space<semaphore_mem>>)
    %dma_wait3A_363 = arith.constant 0 : i32
    %dma_wait3A_364 = tpu.memref_slice %arg5[%dma_wait3A_363] : memref<1000000xf32, #tpu.memory_space<vmem_shared>> -> memref<1000000xf32, #tpu.memory_space<vmem_shared>>
    tpu.wait_indirect_dma semaphore(%arg16 : memref<!tpu.dma_semaphore, #tpu.memory_space<semaphore_mem>>) src(%dma_wait3A_364 : memref<1000000xf32, #tpu.memory_space<vmem_shared>>) dst(%arg10 : memref<8192xf32, #tpu.memory_space<vmem>>)
    %add3A_365 = arith.constant 16384 : i32
    %add3A_366 = arith.addi %mul3A_2, %add3A_365 : i32
    %dma_start3A_367 = tpu.memref_slice %arg4[%add3A_366] : memref<2097152xf32, #tpu.memory_space<hbm>> -> memref<8192xf32, #tpu.memory_space<hbm>>
    %dma_start3A_368 = tpu.memref_slice %arg4[%add3A_366] : memref<2097152xf32, #tpu.memory_space<hbm>> -> memref<8192xf32, #tpu.memory_space<hbm>>
    tpu.enqueue_dma source(%arg10 : memref<8192xf32, #tpu.memory_space<vmem>>) target(%dma_start3A_368 : memref<8192xf32, #tpu.memory_space<hbm>>) target_semaphore(%arg18 : memref<!tpu.dma_semaphore, #tpu.memory_space<semaphore_mem>>)
    %add3A_369 = arith.constant 32768 : i32
    %add3A_370 = arith.addi %mul3A_2, %add3A_369 : i32
    %dma_wait3A_371 = tpu.memref_slice %arg2[%add3A_370] : memref<2097152xf32, #tpu.memory_space<hbm>> -> memref<8192xf32, #tpu.memory_space<hbm>>
    %dma_wait3A_372 = tpu.memref_slice %arg2[%add3A_370] : memref<2097152xf32, #tpu.memory_space<hbm>> -> memref<8192xf32, #tpu.memory_space<hbm>>
    tpu.wait_dma2 semaphore(%arg14 : memref<!tpu.dma_semaphore, #tpu.memory_space<semaphore_mem>>) src(%dma_wait3A_372 : memref<8192xf32, #tpu.memory_space<hbm>>) dst(%arg6 : memref<8192xf32, #tpu.memory_space<vmem>>)
    %parallel_loop3A_373 = arith.constant 0 : i32
    %parallel_loop3A_374 = arith.constant 8192 : i32
    %parallel_loop3A_375 = arith.constant 16 : i32
    scf.for %parallel_loop3A_467 = %parallel_loop3A_373 to %parallel_loop3A_374 step %parallel_loop3A_375  : i32 {
      %parallel_loop3A_468 = arith.index_cast %parallel_loop3A_467 : i32 to index
      %parallel_loop3A_469 = tpu.vector_load %arg6[%parallel_loop3A_468] {strides = array<i32>} : memref<8192xf32, #tpu.memory_space<vmem>>, vector<16xf32>,
      %parallel_loop3A_470 = vector.shape_cast %parallel_loop3A_469 : vector<16xf32> to vector<16xf32>
      %parallel_loop3A_471 = arith.constant -9.990000e-01 : f32
      %parallel_loop3A_472 = vector.broadcast %parallel_loop3A_471 : f32 to vector<16xf32>
      %parallel_loop3A_473 = arith.maximumf %parallel_loop3A_470, %parallel_loop3A_472 : vector<16xf32>
      %parallel_loop3A_474 = arith.constant 9.990000e-01 : f32
      %parallel_loop3A_475 = vector.broadcast %parallel_loop3A_474 : f32 to vector<16xf32>
      %parallel_loop3A_476 = arith.minimumf %parallel_loop3A_473, %parallel_loop3A_475 : vector<16xf32>
      %parallel_loop3A_477 = arith.constant 1.000000e+00 : f32
      %parallel_loop3A_478 = vector.broadcast %parallel_loop3A_477 : f32 to vector<16xf32>
      %parallel_loop3A_479 = arith.addf %parallel_loop3A_476, %parallel_loop3A_478 : vector<16xf32>
      %parallel_loop3A_480 = arith.constant 2.000000e+00 : f32
      %parallel_loop3A_481 = vector.broadcast %parallel_loop3A_480 : f32 to vector<16xf32>
      %parallel_loop3A_482 = arith.divf %parallel_loop3A_479, %parallel_loop3A_481 : vector<16xf32>
      %parallel_loop3A_483 = arith.constant 1.000000e+06 : f32
      %parallel_loop3A_484 = vector.broadcast %parallel_loop3A_483 : f32 to vector<16xf32>
      %parallel_loop3A_485 = arith.mulf %parallel_loop3A_482, %parallel_loop3A_484 : vector<16xf32>
      %parallel_loop3A_486 = arith.fptosi %parallel_loop3A_485 : vector<16xf32> to vector<16xi32>
      %parallel_loop3A_487 = arith.index_cast %parallel_loop3A_467 : i32 to index
      %parallel_loop3A_488 = tpu.vector_load %arg8[%parallel_loop3A_487] {strides = array<i32>} : memref<8192xi32, #tpu.memory_space<vmem>>, vector<16xi32>,
      %parallel_loop3A_489 = vector.shape_cast %parallel_loop3A_488 : vector<16xi32> to vector<16xi32>
      %parallel_loop3A_490 = vector.shape_cast %parallel_loop3A_486 : vector<16xi32> to vector<16xi32>
      tpu.vector_store %arg8[%parallel_loop3A_487], %parallel_loop3A_490 {strides = array<i32>} : memref<8192xi32, #tpu.memory_space<vmem>>, vector<16xi32>,
    } {sc.loop_unroll_factor = 8 : i64, sc.parallel_access}
    %add3A_376 = arith.constant 49152 : i32
    %add3A_377 = arith.addi %mul3A_2, %add3A_376 : i32
    %dma_start3A_378 = tpu.memref_slice %arg2[%add3A_377] : memref<2097152xf32, #tpu.memory_space<hbm>> -> memref<8192xf32, #tpu.memory_space<hbm>>
    %dma_start3A_379 = tpu.memref_slice %arg2[%add3A_377] : memref<2097152xf32, #tpu.memory_space<hbm>> -> memref<8192xf32, #tpu.memory_space<hbm>>
    tpu.enqueue_dma source(%dma_start3A_379 : memref<8192xf32, #tpu.memory_space<hbm>>) target(%arg6 : memref<8192xf32, #tpu.memory_space<vmem>>) target_semaphore(%arg14 : memref<!tpu.dma_semaphore, #tpu.memory_space<semaphore_mem>>)
    %add3A_380 = arith.constant 16384 : i32
    %add3A_381 = arith.addi %mul3A_2, %add3A_380 : i32
    %dma_wait3A_382 = tpu.memref_slice %arg4[%add3A_381] : memref<2097152xf32, #tpu.memory_space<hbm>> -> memref<8192xf32, #tpu.memory_space<hbm>>
    %dma_wait3A_383 = tpu.memref_slice %arg4[%add3A_381] : memref<2097152xf32, #tpu.memory_space<hbm>> -> memref<8192xf32, #tpu.memory_space<hbm>>
    tpu.wait_dma2 semaphore(%arg18 : memref<!tpu.dma_semaphore, #tpu.memory_space<semaphore_mem>>) src(%arg10 : memref<8192xf32, #tpu.memory_space<vmem>>) dst(%dma_wait3A_383 : memref<8192xf32, #tpu.memory_space<hbm>>)
    %dma_start3A_384 = arith.constant 0 : i32
    %dma_start3A_385 = tpu.memref_slice %arg5[%dma_start3A_384] : memref<1000000xf32, #tpu.memory_space<vmem_shared>> -> memref<1000000xf32, #tpu.memory_space<vmem_shared>>
    tpu.enqueue_indirect_dma source(%dma_start3A_385 : memref<1000000xf32, #tpu.memory_space<vmem_shared>>) target(%arg10 : memref<8192xf32, #tpu.memory_space<vmem>>) offsets(%arg8 : memref<8192xi32, #tpu.memory_space<vmem>>) semaphore(%arg16 : memref<!tpu.dma_semaphore, #tpu.memory_space<semaphore_mem>>)
    %dma_wait3A_386 = arith.constant 0 : i32
    %dma_wait3A_387 = tpu.memref_slice %arg5[%dma_wait3A_386] : memref<1000000xf32, #tpu.memory_space<vmem_shared>> -> memref<1000000xf32, #tpu.memory_space<vmem_shared>>
    tpu.wait_indirect_dma semaphore(%arg17 : memref<!tpu.dma_semaphore, #tpu.memory_space<semaphore_mem>>) src(%dma_wait3A_387 : memref<1000000xf32, #tpu.memory_space<vmem_shared>>) dst(%arg11 : memref<8192xf32, #tpu.memory_space<vmem>>)
    %add3A_388 = arith.constant 24576 : i32
    %add3A_389 = arith.addi %mul3A_2, %add3A_388 : i32
    %dma_start3A_390 = tpu.memref_slice %arg4[%add3A_389] : memref<2097152xf32, #tpu.memory_space<hbm>> -> memref<8192xf32, #tpu.memory_space<hbm>>
    %dma_start3A_391 = tpu.memref_slice %arg4[%add3A_389] : memref<2097152xf32, #tpu.memory_space<hbm>> -> memref<8192xf32, #tpu.memory_space<hbm>>
    tpu.enqueue_dma source(%arg11 : memref<8192xf32, #tpu.memory_space<vmem>>) target(%dma_start3A_391 : memref<8192xf32, #tpu.memory_space<hbm>>) target_semaphore(%arg19 : memref<!tpu.dma_semaphore, #tpu.memory_space<semaphore_mem>>)
    %add3A_392 = arith.constant 40960 : i32
    %add3A_393 = arith.addi %mul3A_2, %add3A_392 : i32
    %dma_wait3A_394 = tpu.memref_slice %arg2[%add3A_393] : memref<2097152xf32, #tpu.memory_space<hbm>> -> memref<8192xf32, #tpu.memory_space<hbm>>
    %dma_wait3A_395 = tpu.memref_slice %arg2[%add3A_393] : memref<2097152xf32, #tpu.memory_space<hbm>> -> memref<8192xf32, #tpu.memory_space<hbm>>
    tpu.wait_dma2 semaphore(%arg15 : memref<!tpu.dma_semaphore, #tpu.memory_space<semaphore_mem>>) src(%dma_wait3A_395 : memref<8192xf32, #tpu.memory_space<hbm>>) dst(%arg7 : memref<8192xf32, #tpu.memory_space<vmem>>)
    %parallel_loop3A_396 = arith.constant 0 : i32
    %parallel_loop3A_397 = arith.constant 8192 : i32
    %parallel_loop3A_398 = arith.constant 16 : i32
    scf.for %parallel_loop3A_467 = %parallel_loop3A_396 to %parallel_loop3A_397 step %parallel_loop3A_398  : i32 {
      %parallel_loop3A_468 = arith.index_cast %parallel_loop3A_467 : i32 to index
      %parallel_loop3A_469 = tpu.vector_load %arg7[%parallel_loop3A_468] {strides = array<i32>} : memref<8192xf32, #tpu.memory_space<vmem>>, vector<16xf32>,
      %parallel_loop3A_470 = vector.shape_cast %parallel_loop3A_469 : vector<16xf32> to vector<16xf32>
      %parallel_loop3A_471 = arith.constant -9.990000e-01 : f32
      %parallel_loop3A_472 = vector.broadcast %parallel_loop3A_471 : f32 to vector<16xf32>
      %parallel_loop3A_473 = arith.maximumf %parallel_loop3A_470, %parallel_loop3A_472 : vector<16xf32>
      %parallel_loop3A_474 = arith.constant 9.990000e-01 : f32
      %parallel_loop3A_475 = vector.broadcast %parallel_loop3A_474 : f32 to vector<16xf32>
      %parallel_loop3A_476 = arith.minimumf %parallel_loop3A_473, %parallel_loop3A_475 : vector<16xf32>
      %parallel_loop3A_477 = arith.constant 1.000000e+00 : f32
      %parallel_loop3A_478 = vector.broadcast %parallel_loop3A_477 : f32 to vector<16xf32>
      %parallel_loop3A_479 = arith.addf %parallel_loop3A_476, %parallel_loop3A_478 : vector<16xf32>
      %parallel_loop3A_480 = arith.constant 2.000000e+00 : f32
      %parallel_loop3A_481 = vector.broadcast %parallel_loop3A_480 : f32 to vector<16xf32>
      %parallel_loop3A_482 = arith.divf %parallel_loop3A_479, %parallel_loop3A_481 : vector<16xf32>
      %parallel_loop3A_483 = arith.constant 1.000000e+06 : f32
      %parallel_loop3A_484 = vector.broadcast %parallel_loop3A_483 : f32 to vector<16xf32>
      %parallel_loop3A_485 = arith.mulf %parallel_loop3A_482, %parallel_loop3A_484 : vector<16xf32>
      %parallel_loop3A_486 = arith.fptosi %parallel_loop3A_485 : vector<16xf32> to vector<16xi32>
      %parallel_loop3A_487 = arith.index_cast %parallel_loop3A_467 : i32 to index
      %parallel_loop3A_488 = tpu.vector_load %arg9[%parallel_loop3A_487] {strides = array<i32>} : memref<8192xi32, #tpu.memory_space<vmem>>, vector<16xi32>,
      %parallel_loop3A_489 = vector.shape_cast %parallel_loop3A_488 : vector<16xi32> to vector<16xi32>
      %parallel_loop3A_490 = vector.shape_cast %parallel_loop3A_486 : vector<16xi32> to vector<16xi32>
      tpu.vector_store %arg9[%parallel_loop3A_487], %parallel_loop3A_490 {strides = array<i32>} : memref<8192xi32, #tpu.memory_space<vmem>>, vector<16xi32>,
    } {sc.loop_unroll_factor = 8 : i64, sc.parallel_access}
    %add3A_399 = arith.constant 57344 : i32
    %add3A_400 = arith.addi %mul3A_2, %add3A_399 : i32
    %dma_start3A_401 = tpu.memref_slice %arg2[%add3A_400] : memref<2097152xf32, #tpu.memory_space<hbm>> -> memref<8192xf32, #tpu.memory_space<hbm>>
    %dma_start3A_402 = tpu.memref_slice %arg2[%add3A_400] : memref<2097152xf32, #tpu.memory_space<hbm>> -> memref<8192xf32, #tpu.memory_space<hbm>>
    tpu.enqueue_dma source(%dma_start3A_402 : memref<8192xf32, #tpu.memory_space<hbm>>) target(%arg7 : memref<8192xf32, #tpu.memory_space<vmem>>) target_semaphore(%arg15 : memref<!tpu.dma_semaphore, #tpu.memory_space<semaphore_mem>>)
    %add3A_403 = arith.constant 24576 : i32
    %add3A_404 = arith.addi %mul3A_2, %add3A_403 : i32
    %dma_wait3A_405 = tpu.memref_slice %arg4[%add3A_404] : memref<2097152xf32, #tpu.memory_space<hbm>> -> memref<8192xf32, #tpu.memory_space<hbm>>
    %dma_wait3A_406 = tpu.memref_slice %arg4[%add3A_404] : memref<2097152xf32, #tpu.memory_space<hbm>> -> memref<8192xf32, #tpu.memory_space<hbm>>
    tpu.wait_dma2 semaphore(%arg19 : memref<!tpu.dma_semaphore, #tpu.memory_space<semaphore_mem>>) src(%arg11 : memref<8192xf32, #tpu.memory_space<vmem>>) dst(%dma_wait3A_406 : memref<8192xf32, #tpu.memory_space<hbm>>)
    %dma_start3A_407 = arith.constant 0 : i32
    %dma_start3A_408 = tpu.memref_slice %arg5[%dma_start3A_407] : memref<1000000xf32, #tpu.memory_space<vmem_shared>> -> memref<1000000xf32, #tpu.memory_space<vmem_shared>>
    tpu.enqueue_indirect_dma source(%dma_start3A_408 : memref<1000000xf32, #tpu.memory_space<vmem_shared>>) target(%arg11 : memref<8192xf32, #tpu.memory_space<vmem>>) offsets(%arg9 : memref<8192xi32, #tpu.memory_space<vmem>>) semaphore(%arg17 : memref<!tpu.dma_semaphore, #tpu.memory_space<semaphore_mem>>)
    %dma_wait3A_409 = arith.constant 0 : i32
    %dma_wait3A_410 = tpu.memref_slice %arg5[%dma_wait3A_409] : memref<1000000xf32, #tpu.memory_space<vmem_shared>> -> memref<1000000xf32, #tpu.memory_space<vmem_shared>>
    tpu.wait_indirect_dma semaphore(%arg16 : memref<!tpu.dma_semaphore, #tpu.memory_space<semaphore_mem>>) src(%dma_wait3A_410 : memref<1000000xf32, #tpu.memory_space<vmem_shared>>) dst(%arg10 : memref<8192xf32, #tpu.memory_space<vmem>>)
    %add3A_411 = arith.constant 32768 : i32
    %add3A_412 = arith.addi %mul3A_2, %add3A_411 : i32
    %dma_start3A_413 = tpu.memref_slice %arg4[%add3A_412] : memref<2097152xf32, #tpu.memory_space<hbm>> -> memref<8192xf32, #tpu.memory_space<hbm>>
    %dma_start3A_414 = tpu.memref_slice %arg4[%add3A_412] : memref<2097152xf32, #tpu.memory_space<hbm>> -> memref<8192xf32, #tpu.memory_space<hbm>>
    tpu.enqueue_dma source(%arg10 : memref<8192xf32, #tpu.memory_space<vmem>>) target(%dma_start3A_414 : memref<8192xf32, #tpu.memory_space<hbm>>) target_semaphore(%arg18 : memref<!tpu.dma_semaphore, #tpu.memory_space<semaphore_mem>>)
    %add3A_415 = arith.constant 49152 : i32
    %add3A_416 = arith.addi %mul3A_2, %add3A_415 : i32
    %dma_wait3A_417 = tpu.memref_slice %arg2[%add3A_416] : memref<2097152xf32, #tpu.memory_space<hbm>> -> memref<8192xf32, #tpu.memory_space<hbm>>
    %dma_wait3A_418 = tpu.memref_slice %arg2[%add3A_416] : memref<2097152xf32, #tpu.memory_space<hbm>> -> memref<8192xf32, #tpu.memory_space<hbm>>
    tpu.wait_dma2 semaphore(%arg14 : memref<!tpu.dma_semaphore, #tpu.memory_space<semaphore_mem>>) src(%dma_wait3A_418 : memref<8192xf32, #tpu.memory_space<hbm>>) dst(%arg6 : memref<8192xf32, #tpu.memory_space<vmem>>)
    %parallel_loop3A_419 = arith.constant 0 : i32
    %parallel_loop3A_420 = arith.constant 8192 : i32
    %parallel_loop3A_421 = arith.constant 16 : i32
    scf.for %parallel_loop3A_467 = %parallel_loop3A_419 to %parallel_loop3A_420 step %parallel_loop3A_421  : i32 {
      %parallel_loop3A_468 = arith.index_cast %parallel_loop3A_467 : i32 to index
      %parallel_loop3A_469 = tpu.vector_load %arg6[%parallel_loop3A_468] {strides = array<i32>} : memref<8192xf32, #tpu.memory_space<vmem>>, vector<16xf32>,
      %parallel_loop3A_470 = vector.shape_cast %parallel_loop3A_469 : vector<16xf32> to vector<16xf32>
      %parallel_loop3A_471 = arith.constant -9.990000e-01 : f32
      %parallel_loop3A_472 = vector.broadcast %parallel_loop3A_471 : f32 to vector<16xf32>
      %parallel_loop3A_473 = arith.maximumf %parallel_loop3A_470, %parallel_loop3A_472 : vector<16xf32>
      %parallel_loop3A_474 = arith.constant 9.990000e-01 : f32
      %parallel_loop3A_475 = vector.broadcast %parallel_loop3A_474 : f32 to vector<16xf32>
      %parallel_loop3A_476 = arith.minimumf %parallel_loop3A_473, %parallel_loop3A_475 : vector<16xf32>
      %parallel_loop3A_477 = arith.constant 1.000000e+00 : f32
      %parallel_loop3A_478 = vector.broadcast %parallel_loop3A_477 : f32 to vector<16xf32>
      %parallel_loop3A_479 = arith.addf %parallel_loop3A_476, %parallel_loop3A_478 : vector<16xf32>
      %parallel_loop3A_480 = arith.constant 2.000000e+00 : f32
      %parallel_loop3A_481 = vector.broadcast %parallel_loop3A_480 : f32 to vector<16xf32>
      %parallel_loop3A_482 = arith.divf %parallel_loop3A_479, %parallel_loop3A_481 : vector<16xf32>
      %parallel_loop3A_483 = arith.constant 1.000000e+06 : f32
      %parallel_loop3A_484 = vector.broadcast %parallel_loop3A_483 : f32 to vector<16xf32>
      %parallel_loop3A_485 = arith.mulf %parallel_loop3A_482, %parallel_loop3A_484 : vector<16xf32>
      %parallel_loop3A_486 = arith.fptosi %parallel_loop3A_485 : vector<16xf32> to vector<16xi32>
      %parallel_loop3A_487 = arith.index_cast %parallel_loop3A_467 : i32 to index
      %parallel_loop3A_488 = tpu.vector_load %arg8[%parallel_loop3A_487] {strides = array<i32>} : memref<8192xi32, #tpu.memory_space<vmem>>, vector<16xi32>,
      %parallel_loop3A_489 = vector.shape_cast %parallel_loop3A_488 : vector<16xi32> to vector<16xi32>
      %parallel_loop3A_490 = vector.shape_cast %parallel_loop3A_486 : vector<16xi32> to vector<16xi32>
      tpu.vector_store %arg8[%parallel_loop3A_487], %parallel_loop3A_490 {strides = array<i32>} : memref<8192xi32, #tpu.memory_space<vmem>>, vector<16xi32>,
    } {sc.loop_unroll_factor = 8 : i64, sc.parallel_access}
    %add3A_422 = arith.constant 32768 : i32
    %add3A_423 = arith.addi %mul3A_2, %add3A_422 : i32
    %dma_wait3A_424 = tpu.memref_slice %arg4[%add3A_423] : memref<2097152xf32, #tpu.memory_space<hbm>> -> memref<8192xf32, #tpu.memory_space<hbm>>
    %dma_wait3A_425 = tpu.memref_slice %arg4[%add3A_423] : memref<2097152xf32, #tpu.memory_space<hbm>> -> memref<8192xf32, #tpu.memory_space<hbm>>
    tpu.wait_dma2 semaphore(%arg18 : memref<!tpu.dma_semaphore, #tpu.memory_space<semaphore_mem>>) src(%arg10 : memref<8192xf32, #tpu.memory_space<vmem>>) dst(%dma_wait3A_425 : memref<8192xf32, #tpu.memory_space<hbm>>)
    %dma_start3A_426 = arith.constant 0 : i32
    %dma_start3A_427 = tpu.memref_slice %arg5[%dma_start3A_426] : memref<1000000xf32, #tpu.memory_space<vmem_shared>> -> memref<1000000xf32, #tpu.memory_space<vmem_shared>>
    tpu.enqueue_indirect_dma source(%dma_start3A_427 : memref<1000000xf32, #tpu.memory_space<vmem_shared>>) target(%arg10 : memref<8192xf32, #tpu.memory_space<vmem>>) offsets(%arg8 : memref<8192xi32, #tpu.memory_space<vmem>>) semaphore(%arg16 : memref<!tpu.dma_semaphore, #tpu.memory_space<semaphore_mem>>)
    %dma_wait3A_428 = arith.constant 0 : i32
    %dma_wait3A_429 = tpu.memref_slice %arg5[%dma_wait3A_428] : memref<1000000xf32, #tpu.memory_space<vmem_shared>> -> memref<1000000xf32, #tpu.memory_space<vmem_shared>>
    tpu.wait_indirect_dma semaphore(%arg17 : memref<!tpu.dma_semaphore, #tpu.memory_space<semaphore_mem>>) src(%dma_wait3A_429 : memref<1000000xf32, #tpu.memory_space<vmem_shared>>) dst(%arg11 : memref<8192xf32, #tpu.memory_space<vmem>>)
    %add3A_430 = arith.constant 40960 : i32
    %add3A_431 = arith.addi %mul3A_2, %add3A_430 : i32
    %dma_start3A_432 = tpu.memref_slice %arg4[%add3A_431] : memref<2097152xf32, #tpu.memory_space<hbm>> -> memref<8192xf32, #tpu.memory_space<hbm>>
    %dma_start3A_433 = tpu.memref_slice %arg4[%add3A_431] : memref<2097152xf32, #tpu.memory_space<hbm>> -> memref<8192xf32, #tpu.memory_space<hbm>>
    tpu.enqueue_dma source(%arg11 : memref<8192xf32, #tpu.memory_space<vmem>>) target(%dma_start3A_433 : memref<8192xf32, #tpu.memory_space<hbm>>) target_semaphore(%arg19 : memref<!tpu.dma_semaphore, #tpu.memory_space<semaphore_mem>>)
    %add3A_434 = arith.constant 57344 : i32
    %add3A_435 = arith.addi %mul3A_2, %add3A_434 : i32
    %dma_wait3A_436 = tpu.memref_slice %arg2[%add3A_435] : memref<2097152xf32, #tpu.memory_space<hbm>> -> memref<8192xf32, #tpu.memory_space<hbm>>
    %dma_wait3A_437 = tpu.memref_slice %arg2[%add3A_435] : memref<2097152xf32, #tpu.memory_space<hbm>> -> memref<8192xf32, #tpu.memory_space<hbm>>
    tpu.wait_dma2 semaphore(%arg15 : memref<!tpu.dma_semaphore, #tpu.memory_space<semaphore_mem>>) src(%dma_wait3A_437 : memref<8192xf32, #tpu.memory_space<hbm>>) dst(%arg7 : memref<8192xf32, #tpu.memory_space<vmem>>)
    %parallel_loop3A_438 = arith.constant 0 : i32
    %parallel_loop3A_439 = arith.constant 8192 : i32
    %parallel_loop3A_440 = arith.constant 16 : i32
    scf.for %parallel_loop3A_467 = %parallel_loop3A_438 to %parallel_loop3A_439 step %parallel_loop3A_440  : i32 {
      %parallel_loop3A_468 = arith.index_cast %parallel_loop3A_467 : i32 to index
      %parallel_loop3A_469 = tpu.vector_load %arg7[%parallel_loop3A_468] {strides = array<i32>} : memref<8192xf32, #tpu.memory_space<vmem>>, vector<16xf32>,
      %parallel_loop3A_470 = vector.shape_cast %parallel_loop3A_469 : vector<16xf32> to vector<16xf32>
      %parallel_loop3A_471 = arith.constant -9.990000e-01 : f32
      %parallel_loop3A_472 = vector.broadcast %parallel_loop3A_471 : f32 to vector<16xf32>
      %parallel_loop3A_473 = arith.maximumf %parallel_loop3A_470, %parallel_loop3A_472 : vector<16xf32>
      %parallel_loop3A_474 = arith.constant 9.990000e-01 : f32
      %parallel_loop3A_475 = vector.broadcast %parallel_loop3A_474 : f32 to vector<16xf32>
      %parallel_loop3A_476 = arith.minimumf %parallel_loop3A_473, %parallel_loop3A_475 : vector<16xf32>
      %parallel_loop3A_477 = arith.constant 1.000000e+00 : f32
      %parallel_loop3A_478 = vector.broadcast %parallel_loop3A_477 : f32 to vector<16xf32>
      %parallel_loop3A_479 = arith.addf %parallel_loop3A_476, %parallel_loop3A_478 : vector<16xf32>
      %parallel_loop3A_480 = arith.constant 2.000000e+00 : f32
      %parallel_loop3A_481 = vector.broadcast %parallel_loop3A_480 : f32 to vector<16xf32>
      %parallel_loop3A_482 = arith.divf %parallel_loop3A_479, %parallel_loop3A_481 : vector<16xf32>
      %parallel_loop3A_483 = arith.constant 1.000000e+06 : f32
      %parallel_loop3A_484 = vector.broadcast %parallel_loop3A_483 : f32 to vector<16xf32>
      %parallel_loop3A_485 = arith.mulf %parallel_loop3A_482, %parallel_loop3A_484 : vector<16xf32>
      %parallel_loop3A_486 = arith.fptosi %parallel_loop3A_485 : vector<16xf32> to vector<16xi32>
      %parallel_loop3A_487 = arith.index_cast %parallel_loop3A_467 : i32 to index
      %parallel_loop3A_488 = tpu.vector_load %arg9[%parallel_loop3A_487] {strides = array<i32>} : memref<8192xi32, #tpu.memory_space<vmem>>, vector<16xi32>,
      %parallel_loop3A_489 = vector.shape_cast %parallel_loop3A_488 : vector<16xi32> to vector<16xi32>
      %parallel_loop3A_490 = vector.shape_cast %parallel_loop3A_486 : vector<16xi32> to vector<16xi32>
      tpu.vector_store %arg9[%parallel_loop3A_487], %parallel_loop3A_490 {strides = array<i32>} : memref<8192xi32, #tpu.memory_space<vmem>>, vector<16xi32>,
    } {sc.loop_unroll_factor = 8 : i64, sc.parallel_access}
    %add3A_441 = arith.constant 40960 : i32
    %add3A_442 = arith.addi %mul3A_2, %add3A_441 : i32
    %dma_wait3A_443 = tpu.memref_slice %arg4[%add3A_442] : memref<2097152xf32, #tpu.memory_space<hbm>> -> memref<8192xf32, #tpu.memory_space<hbm>>
    %dma_wait3A_444 = tpu.memref_slice %arg4[%add3A_442] : memref<2097152xf32, #tpu.memory_space<hbm>> -> memref<8192xf32, #tpu.memory_space<hbm>>
    tpu.wait_dma2 semaphore(%arg19 : memref<!tpu.dma_semaphore, #tpu.memory_space<semaphore_mem>>) src(%arg11 : memref<8192xf32, #tpu.memory_space<vmem>>) dst(%dma_wait3A_444 : memref<8192xf32, #tpu.memory_space<hbm>>)
    %dma_start3A_445 = arith.constant 0 : i32
    %dma_start3A_446 = tpu.memref_slice %arg5[%dma_start3A_445] : memref<1000000xf32, #tpu.memory_space<vmem_shared>> -> memref<1000000xf32, #tpu.memory_space<vmem_shared>>
    tpu.enqueue_indirect_dma source(%dma_start3A_446 : memref<1000000xf32, #tpu.memory_space<vmem_shared>>) target(%arg11 : memref<8192xf32, #tpu.memory_space<vmem>>) offsets(%arg9 : memref<8192xi32, #tpu.memory_space<vmem>>) semaphore(%arg17 : memref<!tpu.dma_semaphore, #tpu.memory_space<semaphore_mem>>)
    %dma_wait3A_447 = arith.constant 0 : i32
    %dma_wait3A_448 = tpu.memref_slice %arg5[%dma_wait3A_447] : memref<1000000xf32, #tpu.memory_space<vmem_shared>> -> memref<1000000xf32, #tpu.memory_space<vmem_shared>>
    tpu.wait_indirect_dma semaphore(%arg16 : memref<!tpu.dma_semaphore, #tpu.memory_space<semaphore_mem>>) src(%dma_wait3A_448 : memref<1000000xf32, #tpu.memory_space<vmem_shared>>) dst(%arg10 : memref<8192xf32, #tpu.memory_space<vmem>>)
    %add3A_449 = arith.constant 49152 : i32
    %add3A_450 = arith.addi %mul3A_2, %add3A_449 : i32
    %dma_start3A_451 = tpu.memref_slice %arg4[%add3A_450] : memref<2097152xf32, #tpu.memory_space<hbm>> -> memref<8192xf32, #tpu.memory_space<hbm>>
    %dma_start3A_452 = tpu.memref_slice %arg4[%add3A_450] : memref<2097152xf32, #tpu.memory_space<hbm>> -> memref<8192xf32, #tpu.memory_space<hbm>>
    tpu.enqueue_dma source(%arg10 : memref<8192xf32, #tpu.memory_space<vmem>>) target(%dma_start3A_452 : memref<8192xf32, #tpu.memory_space<hbm>>) target_semaphore(%arg18 : memref<!tpu.dma_semaphore, #tpu.memory_space<semaphore_mem>>)
    %dma_wait3A_453 = arith.constant 0 : i32
    %dma_wait3A_454 = tpu.memref_slice %arg5[%dma_wait3A_453] : memref<1000000xf32, #tpu.memory_space<vmem_shared>> -> memref<1000000xf32, #tpu.memory_space<vmem_shared>>
    tpu.wait_indirect_dma semaphore(%arg17 : memref<!tpu.dma_semaphore, #tpu.memory_space<semaphore_mem>>) src(%dma_wait3A_454 : memref<1000000xf32, #tpu.memory_space<vmem_shared>>) dst(%arg11 : memref<8192xf32, #tpu.memory_space<vmem>>)
    %add3A_455 = arith.constant 57344 : i32
    %add3A_456 = arith.addi %mul3A_2, %add3A_455 : i32
    %dma_start3A_457 = tpu.memref_slice %arg4[%add3A_456] : memref<2097152xf32, #tpu.memory_space<hbm>> -> memref<8192xf32, #tpu.memory_space<hbm>>
    %dma_start3A_458 = tpu.memref_slice %arg4[%add3A_456] : memref<2097152xf32, #tpu.memory_space<hbm>> -> memref<8192xf32, #tpu.memory_space<hbm>>
    tpu.enqueue_dma source(%arg11 : memref<8192xf32, #tpu.memory_space<vmem>>) target(%dma_start3A_458 : memref<8192xf32, #tpu.memory_space<hbm>>) target_semaphore(%arg19 : memref<!tpu.dma_semaphore, #tpu.memory_space<semaphore_mem>>)
    %add3A_459 = arith.constant 49152 : i32
    %add3A_460 = arith.addi %mul3A_2, %add3A_459 : i32
    %dma_wait3A_461 = tpu.memref_slice %arg4[%add3A_460] : memref<2097152xf32, #tpu.memory_space<hbm>> -> memref<8192xf32, #tpu.memory_space<hbm>>
    %dma_wait3A_462 = tpu.memref_slice %arg4[%add3A_460] : memref<2097152xf32, #tpu.memory_space<hbm>> -> memref<8192xf32, #tpu.memory_space<hbm>>
    tpu.wait_dma2 semaphore(%arg18 : memref<!tpu.dma_semaphore, #tpu.memory_space<semaphore_mem>>) src(%arg10 : memref<8192xf32, #tpu.memory_space<vmem>>) dst(%dma_wait3A_462 : memref<8192xf32, #tpu.memory_space<hbm>>)
    %add3A_463 = arith.constant 57344 : i32
    %add3A_464 = arith.addi %mul3A_2, %add3A_463 : i32
    %dma_wait3A_465 = tpu.memref_slice %arg4[%add3A_464] : memref<2097152xf32, #tpu.memory_space<hbm>> -> memref<8192xf32, #tpu.memory_space<hbm>>
    %dma_wait3A_466 = tpu.memref_slice %arg4[%add3A_464] : memref<2097152xf32, #tpu.memory_space<hbm>> -> memref<8192xf32, #tpu.memory_space<hbm>>
    tpu.wait_dma2 semaphore(%arg19 : memref<!tpu.dma_semaphore, #tpu.memory_space<semaphore_mem>>) src(%arg11 : memref<8192xf32, #tpu.memory_space<vmem>>) dst(%dma_wait3A_466 : memref<8192xf32, #tpu.memory_space<hbm>>)
    return
  }
}

</mosaic_0001>

<sc_bundles>
// kernel: kernel.3.cloned.1.call-start
scs
__scs_entry_jumppad:
0x0: {  	(pc) =	sbr.rel $0x88, $3  }
0x1: {  	(tag) =	ssettag $0x0;
	lr =	simm.s32 $0x1  }
0x2: {  	[smem:$0x3F9F] =	sst lr;
	_ =	strace $0xD0000000  }
0x3: {  	_ = 	snop  }
0x4: {  	_ = 	snop  }
0x5: {  	_ = 	snop  }
0x6: {  	_ = 	snop  }
0x7: {  	_ = 	snop  }
__scs_overlays_trampoline_lowered:
0x8: {  	[smem:$0x3FAE] =	sst s0  }
0x9: {  	[smem:$0x3FAF] =	sst s1  }
0xa: {  	[smem:$0x3FB0] =	sst s2  }
0xb: {  	[smem:$0x3FB1] =	sst s3  }
0xc: {  	[smem:$0x3FB2] =	sst s4  }
0xd: {  	[smem:$0x3FB3] =	sst s5  }
0xe: {  	[smem:$0x3FB4] =	sst s6  }
0xf: {  	[smem:$0x3FB5] =	sst s7  }
0x10: {  	[smem:$0x3FB6] =	sst s8  }
0x11: {  	[smem:$0x3FB7] =	sst s9;
	s0 =	simm.s32 @!p0 $0x0  }
0x12: {  	s1 =	sld [smem:$0x3F9D];
	s0 =	simm.s32 @p0 $0x1  }
0x13: {  	[smem:$0x3FB8] =	sst s0;
	s0 =	simm.s32 @!p1 $0x0  }
0x14: {  	s2 =	sld [smem:$0x3F9C];
	s0 =	simm.s32 @p1 $0x1  }
0x15: {  	[smem:$0x3FB9] =	sst s0;
	s0 =	simm.s32 @!p2 $0x0  }
0x16: {  	s3 =	sld [smem:$0x3FDB];
	s0 =	simm.s32 @p2 $0x1  }
0x17: {  	s4 =	simm.s32 $0x1BF5;
	[smem:$0x3FBB] =	sst s0  }
0x18: {  	s0 =	sld [smem:$0x3F9E];
	_ =	swait.ge [sflag:s4], $0x0  }
0x19: {  	s7 =	sld [smem:$0x3F9F]  }
0x1a: {  	s8 =	sadd.s32 $0xFFFFE003, lr  }
0x1b: {  	s9 =	sadd.s32 $0xFFFFFEF7, lr;
	s5 =	simm.s32 $0xFFFFFFFF;
	p2 =	slt.u32 s8, $0xFFFFF086  }
0x1c: {  	p1 =	slt.u32 s9, $0xF7A;
	s5 =	simm.s32 @!p2 $0x0  }
0x1d: {  	s5 =	simm.s32 @p1 $0x1;
	p0 =	seq.s32 s7, s2  }
0x1e: {  	s7 =	smul.u32 @!p0 $0xF7A, s2;
	p2 =	seq.s32 @!p0 s5, $0x0  }
0x1f: {  	s9 =	smul.u32 $0xF7A, s1;
	s8 =	simm.s32 @!p0 $0x1BF5;
	p2 =	por !p2, p0  }
0x20: {  	[sflag:s8] =	ssyncset.s32 @!p0 $0xFFFFF086;
	s6 =	sadd.s32 @!p0 s3, s7;
	s7 =	simm.s32 @!p0 $0x108  }
0x21: {  	s3 =	sadd.s32 s3, s9;
	s6 =	sadd.s32 @!p0 $0x88, s6;
	s7 =	simm.s32 @p2 $0x1082  }
0x22: {  	[simem:s7], [sflag:s8] =	dma.local @!p0 [hbm:s6], $0xF7A  }
0x23: {  	s9 =	sor.u32 $0xD0000000, s2;
	s6 =	simm.s32 $0x108;
	_ =	swait.ge @!p0 [sflag:s8], $0x0  }
0x24: {  	s3 =	sadd.s32 $0x88, s3;
	s6 =	simm.s32 @!p1 $0x1082;
	[sflag:s4] =	ssyncset.s32 $0xFFFFF086  }
0x25: {  	[simem:s6], [sflag:s4] =	dma.local [hbm:s3], $0xF7A  }
0x26: {  	[smem:$0x3F9F] =	sst s1;
	(tag) =	ssettag s2;
	_ =	strace s9  }
0x27: {  	s1 =	sld [smem:$0x3FAF]  }
0x28: {  	s2 =	sld [smem:$0x3FB0]  }
0x29: {  	s4 =	sld [smem:$0x3FB2]  }
0x2a: {  	p0 =	seq.s32 s5, $0x0;
	s5 =	sld [smem:$0x3FB3]  }
0x2b: {  	s6 =	sld [smem:$0x3FB4]  }
0x2c: {  	s7 =	sld [smem:$0x3FB5]  }
0x2d: {  	s3 =	simm.s32 $0x108;
	s8 =	sld [smem:$0x3FB6]  }
0x2e: {  	s3 =	simm.s32 @!p0 $0x1082;
	s9 =	sld [smem:$0x3FB7]  }
0x2f: {  	lr =	sadd.s32 s0, s3;
	s0 =	sld [smem:$0x3FAE]  }
0x30: {  	s3 =	sld [smem:$0x3FB1]  }
0x31: {  	[smem:$0x3FBA] =	sst s10  }
0x32: {  	s10 =	sld [smem:$0x3FB8];
	_ =	sdelay $0x3  }
0x33: {  	p0 =	seq.s32 s10, $0x1;
	s10 =	sld [smem:$0x3FBA];
	_ =	sdelay $0x3  }
0x34: {  	[smem:$0x3FBA] =	sst s10  }
0x35: {  	s10 =	sld [smem:$0x3FB9];
	_ =	sdelay $0x3  }
0x36: {  	p1 =	seq.s32 s10, $0x1;
	s10 =	sld [smem:$0x3FBA];
	_ =	sdelay $0x3  }
0x37: {  	[smem:$0x3FBA] =	sst s10  }
0x38: {  	s10 =	sld [smem:$0x3FBB]  }
0x39: {  	_ = 	snop;
	(pc) =	sbr.ind lr, $3  }
0x3a: {  	_ = 	snop  }
0x3b: {  	_ = 	snop  }
0x3c: {  	p2 =	seq.s32 s10, $0x1;
	s10 =	sld [smem:$0x3FBA]  }
0x3d: {  	_ =	shalt  }
0x3e: {  	_ =	shalt  }
0x3f: {  	_ =	shalt  }
0x40: {  	_ =	shalt  }
0x41: {  	_ =	shalt  }
0x42: {  	_ =	shalt  }
0x43: {  	_ =	shalt  }
0x44: {  	_ =	shalt  }
0x45: {  	_ =	shalt  }
0x46: {  	_ =	shalt  }
0x47: {  	_ =	shalt  }
0x48: {  	_ =	shalt  }
0x49: {  	_ =	shalt  }
0x4a: {  	_ =	shalt  }
0x4b: {  	_ =	shalt  }
0x4c: {  	_ =	shalt  }
0x4d: {  	_ =	shalt  }
0x4e: {  	_ =	shalt  }
0x4f: {  	_ =	shalt  }
0x50: {  	_ =	shalt  }
0x51: {  	_ =	shalt  }
0x52: {  	_ =	shalt  }
0x53: {  	_ =	shalt  }
0x54: {  	_ =	shalt  }
0x55: {  	_ =	shalt  }
0x56: {  	_ =	shalt  }
0x57: {  	_ =	shalt  }
0x58: {  	_ =	shalt  }
0x59: {  	_ =	shalt  }
0x5a: {  	_ =	shalt  }
0x5b: {  	_ =	shalt  }
0x5c: {  	_ =	shalt  }
0x5d: {  	_ =	shalt  }
0x5e: {  	_ =	shalt  }
0x5f: {  	_ =	shalt  }
0x60: {  	_ =	shalt  }
0x61: {  	_ =	shalt  }
0x62: {  	_ =	shalt  }
0x63: {  	_ =	shalt  }
0x64: {  	_ =	shalt  }
0x65: {  	_ =	shalt  }
0x66: {  	_ =	shalt  }
0x67: {  	_ =	shalt  }
0x68: {  	_ =	shalt  }
0x69: {  	_ =	shalt  }
0x6a: {  	_ =	shalt  }
0x6b: {  	_ =	shalt  }
0x6c: {  	_ =	shalt  }
0x6d: {  	_ =	shalt  }
0x6e: {  	_ =	shalt  }
0x6f: {  	_ =	shalt  }
0x70: {  	_ =	shalt  }
0x71: {  	_ =	shalt  }
0x72: {  	_ =	shalt  }
0x73: {  	_ =	shalt  }
0x74: {  	_ =	shalt  }
0x75: {  	_ =	shalt  }
0x76: {  	_ =	shalt  }
0x77: {  	_ =	shalt  }
0x78: {  	_ =	shalt  }
0x79: {  	_ =	shalt  }
0x7a: {  	_ =	shalt  }
0x7b: {  	_ =	shalt  }
0x7c: {  	_ =	shalt  }
0x7d: {  	_ =	shalt  }
0x7e: {  	_ =	shalt  }
0x7f: {  	_ =	shalt  }
0x80: {  	_ =	shalt  }
0x81: {  	_ =	shalt  }
0x82: {  	_ =	shalt  }
0x83: {  	_ =	shalt  }
0x84: {  	_ =	shalt  }
0x85: {  	_ =	shalt  }
0x86: {  	_ =	shalt  }
0x87: {  	_ =	shalt  }
.Lfunc_end0:
.L_simem_size_0:
called_computation_lowered:
.L_overlay_start_0:
0x88: {  	s2 =	sld [smem:$0x3FD9]  }
0x89: {  	s3 =	sld [smem:$0x3FFE];
	_ =	sdelay $0x1  }
0x8a: {  	s1 =	srdreg.scid  }
0x8b: {  	s0 =	sand.u32 $0x1, s1  }
0x8c: {  	s18 =	sshll.u32 s0, $0xA;
	s2 =	sadd.s32 s3, s2  }
0x8d: {  	s2 =	sadd.s32 s2, s18  }
0x8e: {  	[smem:$0x3FC6] =	sst s2  }
0x8f: {  	_ = 	snop  }
0x90: {  	s2 =	sld [smem:$0x3FC9]  }
0x91: {  	s19 =	sld [smem:$0x3FC8]  }
0x92: {  	s4 =	sld [smem:$0x3FD0];
	(tm) =	ssettm $0x1  }
0x93: {  	s5 =	sld [smem:$0x3FFB];
	_ =	sdelay $0x3  }
0x94: {  	_ =	strace s5  }
0x95: {  	s5 =	sld [smem:$0x3FFC];
	_ =	sdelay $0x3  }
0x96: {  	_ =	strace s5  }
0x97: {  	s5 =	sld [smem:$0x3FFD];
	_ =	sdelay $0x3  }
0x98: {  	_ =	strace s5  }
0x99: {  	_ =	strace $0x8FFFFFFF  }
0x9a: {  	s20 =	sld [smem:$0x3FDB];
	_ =	sdelay $0x1  }
0x9b: {  	s6 =	simm.s32 $_scs_section_size  }
0x9c: {  	s7 =	simm.s32 $_size__tile_overlayer_lowered;
	s8 =	simm.s32 $_tile_overlayer_lowered  }
0x9d: {  	s23 =	simm.s32 $0x1BFF;
	s22 =	sshll.u32 s8, $0x1;
	s5 =	sadd.s32 s6, s20  }
0x9e: {  	s9 =	simm.s32 $0x0;
	s21 =	sshll.u32 s7, $0x1;
	s7 =	sadd.s32 s22, s5  }
0x9f: {  	[timem:s9], [sflag:s23] =	dma.local [hbm:s7], s21  }
0xa0: {  	_ =	swait.ge [sflag:s23], s21  }
0xa1: {  	s6 =	ssub.s32 $0x0, s21;
	[sflag:s23] =	ssyncset.done $0x0  }
0xa2: {  	[sflag:s23] =	ssyncadd.s32 s6;
	_ =	sdelay $0x1  }
0xa3: {  	s24 =	simm.s32 $0x1B8B  }
0xa4: {  	_ =	swait.ge [sflag:s24], $0x1  }
0xa5: {  	[sflag:s24] =	ssyncset.done $0x0  }
0xa6: {  	s25 =	simm.s32 $0x1B8E;
	[sflag:s24] =	ssyncadd.s32 $0xFFFFFFFF  }
0xa7: {  	s26 =	simm.s32 $execute0_lowered;
	[smem:$0x3FD2] =	sst s25  }
0xa8: {  	s6 =	sshll.u32 s26, $0x1;
	_ =	strace $0x80000046;
	[dreg:$0x1] =	wrdreg $0xFFFFFFFF  }
0xa9: {  	s28 =	simm.s32 $_size_execute0_lowered;
	s5 =	sadd.s32 s5, s6;
	[dreg:$0x0] =	wrdreg $0x0  }
0xaa: {  	s6 =	sshll.u32 s28, $0x1;
	[dreg:$0x2] =	wrdreg s5  }
0xab: {  	[dreg:$0x3] =	wrdreg s6  }
0xac: {  	[dreg:$0x4] =	wrdreg $0xC0  }
0xad: {  	_ =	task [dreg:s9], $0x5FFFF  }
0xae: {  	[dreg:$0x1] =	wrdreg $0xFFFFFFFF  }
0xaf: {  	[dreg:$0x0] =	wrdreg $0x60  }
0xb0: {  	[dreg:$0x2] =	wrdreg s19  }
0xb1: {  	[dreg:$0x3] =	wrdreg s2  }
0xb2: {  	[dreg:$0x4] =	wrdreg s4  }
0xb3: {  	[dreg:$0x5] =	wrdreg $0x0  }
0xb4: {  	[dreg:$0x6] =	wrdreg $0x9  }
0xb5: {  	_ =	task.clear_ibuf [dreg:s9], $0x7FFFF;
	_ =	strace $0x90000046  }
0xb6: {  	s29 =	simm.s32 $0x9;
	_ =	strace $0x80000048  }
0xb7: {  	_ =	swait.ge [sflag:s29], $0x1  }
0xb8: {  	[sflag:s29] =	ssyncadd.s32 $0xFFFFFFFF  }
0xb9: {  	_ =	strace $0x90000048  }
0xba: {  	_ =	sfence  }
0xbb: {  	s30 =	sld [smem:$0x0];
	_ =	sdelay $0x2  }
0xbc: {  	s31 =	sshll.u32 s1, $0xD;
	s1 =	sshrl.u32 s1, $0x2  }
0xbd: {  	s3 =	sand.u32 $0x4000, s31;
	s1 =	sadd.s32 s1, s30  }
0xbe: {  	s0 =	sor.u32 s3, s0;
	s1 =	sshll.u32 s1, $0x11  }
0xbf: {  	s0 =	sor.u32 s1, s0  }
0xc0: {  	s0 =	sadd.s32 $0x8F2B, s0  }
0xc1: {  	[sflag:s0] =	ssyncadd.remote.s32 $0x1  }
0xc2: {  	_ =	sfence.sel $0xFFFF  }
0xc3: {  	[dreg:$0x0] =	wrdreg $0xFFFFFFFF;
	(pc) =	sbr.abs _section_cstart, $3  }
0xc4: {  	[dreg:$0x1] =	wrdreg $0xFFFFFFFF  }
0xc5: {  	_ =	task.clear_ibuf [dreg:s9], $0x2FFFF;
	_ =	strace $0x9FFFFFFF  }
0xc6: {  	(tm) =	ssettm $0x7FFFFFFF  }
0xc7: {  	_ =	shalt  }
tec
execute0_lowered:
.L_overlay_start_1:
0x0: {  	(tag) =	ssettag $0x1  }
0x1: {  	s0 =	rddreg [dreg:$0x0]  }
0x2: {  	s2 =	rddreg [dreg:$0x1]  }
0x3: {  	s4 =	rddreg [dreg:$0x2]  }
0x4: {  	s1 =	rddreg [dreg:$0x3];
	s3 =	simm.s32 $0x0;
	s5 =	srdreg.scid  }
0x5: {  	s13 =	stileid.u32;
	[smem:$0x7FF] =	sst s3;
	s5 =	sand.u32 $0x1, s5  }
0x6: {  	s7 =	sshll.u32 s13, $0xE;
	s6 =	ssub.s32 $0x2, s5;
	s5 =	sshll.u32 s5, $0xD  }
0x7: {  	s17 =	sshll.u32 s13, $0xA;
	s8 =	sshrl.u32 s6, $0x1;
	s5 =	sor.u32 s5, s7  }
0x8: {  	_ =	strace $0x80000047;
	s7 =	ssub.s32 s6, s8;
	s9 =	sadd.s32 s0, s5  }
0x9: {  	s16 =	sor.u32 $0x400, s5;
	s23 =	sadd.s32 s4, s5;
	[dreg:$0x5] =	wrdreg s9  }
0xa: {  	s6 =	sadd.s32 s2, s17;
	s18 =	sadd.s32 s0, s16;
	[dreg:$0xb] =	wrdreg s23  }
0xb: {  	s19 =	sadd.s32 $0x4000, s6;
	[dreg:$0x6] =	wrdreg s18  }
0xc: {  	s20 =	sor.u32 $0x800, s5;
	s11 =	sadd.s32 $0x8000, s6;
	[dreg:$0x7] =	wrdreg s19  }
0xd: {  	s10 =	sor.u32 $0xC00, s5;
	s21 =	sadd.s32 s0, s20;
	[dreg:$0x8] =	wrdreg s11  }
0xe: {  	s24 =	sor.u32 $0x1000, s5;
	s22 =	sadd.s32 s0, s10;
	[dreg:$0x9] =	wrdreg s21  }
0xf: {  	s14 =	sadd.s32 s0, s24;
	[dreg:$0xa] =	wrdreg s22  }
0x10: {  	s12 =	sor.u32 $0x1400, s5;
	s8 =	sadd.s32 s4, s16;
	[dreg:$0xc] =	wrdreg s14  }
0x11: {  	s25 =	sadd.s32 s0, s12;
	[dreg:$0xd] =	wrdreg s8  }
0x12: {  	s30 =	sor.u32 $0x1800, s5;
	s26 =	sadd.s32 s4, s20;
	[dreg:$0xe] =	wrdreg s25  }
0x13: {  	s28 =	simm.s32 $0x6;
	s31 =	sadd.s32 s0, s30;
	[dreg:$0xf] =	wrdreg s26  }
0x14: {  	s5 =	sor.u32 $0x1C00, s5;
	s10 =	sadd.s32 s4, s10;
	[dreg:$0x10] =	wrdreg s31  }
0x15: {  	s29 =	simm.s32 $0x0;
	s0 =	sadd.s32 s0, s5;
	[dreg:$0x11] =	wrdreg s10  }
0x16: {  	p0 =	sgt.u32 s13, $0x9;
	s15 =	sadd.s32 s4, s30;
	[dreg:$0x12] =	wrdreg s0  }
0x17: {  	p1 =	sne.s32 @p0 s13, $0xF;
	s16 =	sadd.s32 s4, s5;
	[dreg:$0x15] =	wrdreg s15  }
0x18: {  	p1 =	por p1, !p0;
	s20 =	sadd.s32 $0xC000, s6;
	[dreg:$0x16] =	wrdreg s16  }
0x19: {  	s17 =	sshll.u32 s13, $0xD;
	s30 =	sadd.s32 $0x14000, s6;
	[dreg:$0x19] =	wrdreg s20  }
0x1a: {  	s13 =	simm.s32 $0x17428;
	s11 =	sadd.s32 s4, s24;
	[dreg:$0x1f] =	wrdreg s30  }
0x1b: {  	s23 =	sadd.s32 s17, s1;
	s14 =	sadd.s32 s4, s12;
	[dreg:$0x13] =	wrdreg s11  }
0x1c: {  	s5 =	sadd.s32 $0x18000, s6;
	s18 =	sadd.s32 $0x1E800, s2;
	[dreg:$0x14] =	wrdreg s14  }
0x1d: {  	v0 =	vimm.f32 $2.000000000e+00;
	s9 =	sadd.s32 $0xF4000, s1;
	s19 =	smax.u32 s7, $0x1;
	[dreg:$0x17] =	wrdreg s18  }
0x1e: {  	(erf) = vrcp.f32 v0;
	s17 =	simm.s32 $0x7;
	s21 =	sadd.s32 $0x20000, s23;
	[dreg:$0x18] =	wrdreg s19  }
0x1f: {  	s22 =	sadd.s32 $0x40000, s23;
	s24 =	sadd.s32 $0x60000, s23;
	[dreg:$0x1a] =	wrdreg s21  }
0x20: {  	s25 =	sadd.s32 $0x10000, s6;
	s26 =	sadd.s32 $0x80000, s23;
	[dreg:$0x1b] =	wrdreg s22  }
0x21: {  	s31 =	sadd.s32 $0xA0000, s23;
	s7 =	sadd.s32 $0xC0000, s23;
	[dreg:$0x1c] =	wrdreg s24  }
0x22: {  	s8 =	sadd.s32 $0x1C000, s6;
	s10 =	sadd.s32 $0xE0000, s23;
	[dreg:$0x1d] =	wrdreg s25  }
0x23: {  	s12 =	simm.s32 $0x11428;
	s15 =	simm.s32 $0x1B428;
	[dreg:$0x1e] =	wrdreg s26  }
0x24: {  	s16 =	simm.s32 $0x1;
	s20 =	simm.s32 $0x2000;
	[smem:$0x7FD] =	sst s31  }
0x25: {  	s11 =	simm.s32 $0xF428;
	s14 =	simm.s32 $0x19428;
	s18 =	simm.s32 $0x8  }
0x26: {  	s19 =	simm.s32 $0x2;
	s21 =	simm.s32 $0x13428;
	s22 =	simm.s32 $0x15428  }
0x27: {  	s24 =	simm.s32 $0x3;
	s25 =	simm.s32 $0x5;
	s26 =	simm.s32 $0x4;
	v0 =	vpop (erf)  }
.LBB2_1:
0x28: {  	s0 =	rddreg [dreg:$0x5]  }
0x29: {  	[tilespmem:s11], [sflag:$0x1] =	stream.linear.gather [hbm4b:s0+s3], $0x2000, $0x38;
	[tilespmem:$0x1F428] =	vst v63  }
0x2a: {  	s2 =	rddreg [dreg:$0x6]  }
0x2b: {  	[tilespmem:s12], [sflag:$0x2] =	stream.linear.gather [hbm4b:s2+s3], $0x2000, $0x38;
	[tilespmem:$0x1F428] =	vst v63  }
0x2c: {  	_ = 	snop  }
0x2d: {  	[tilespmem:s13], [sflag:$0x7] =	stream.linear.gather [hbm4b:s6+s3], $0x2000, $0x38;
	[tilespmem:$0x1F428] =	vst v63  }
0x2e: {  	s4 =	rddreg [dreg:$0x7]  }
0x2f: {  	[tilespmem:s14], [sflag:$0x7] =	stream.linear.gather [hbm4b:s4+s3], $0x2000, $0x38;
	[tilespmem:$0x1F428] =	vst v63  }
0x30: {  	s2 =	rddreg [dreg:$0x8]  }
0x31: {  	[tilespmem:s15], [sflag:$0x7] =	stream.linear.gather [hbm4b:s2+s3], $0x2000, $0x38;
	[tilespmem:$0x1F428] =	vst v63  }
0x32: {  	s4 =	rddreg [dreg:$0x19];
	s2 =	simm.s32 $0x1D428  }
0x33: {  	[tilespmem:s2], [sflag:$0x7] =	stream.linear.gather [hbm4b:s4+s3], $0x2000, $0x38;
	[tilespmem:$0x1F428] =	vst v63  }
0x34: {  	_ =	swait.ge [sflag:s16], $0x2000  }
0x35: {  	[sflag:s16] =	ssyncset.done $0x0  }
0x36: {  	s4 =	simm.s32 $0xF468;
	[sflag:s16] =	ssyncadd.s32 $0xFFFFE000  }
0x37: {  	v1 =	vld [tilespmem:s4+$0xFFFFFFD0]  }
0x38: {  	v2 =	vld [tilespmem:s4+$0x20]  }
0x39: {  	v3 =	vld [tilespmem:s4+$0x30]  }
0x3a: {  	v4 =	vld [tilespmem:s4+$0xFFFFFFE0]  }
0x3b: {  	v5 =	vld [tilespmem:s4+$0x10]  }
0x3c: {  	v6 =	vld [tilespmem:s4+$0x0]  }
0x3d: {  	v7 =	vld [tilespmem:s4+$0xFFFFFFC0]  }
0x3e: {  	v8 =	vld [tilespmem:s4+$0xFFFFFFF0];
	_ =	sdelay $0x1  }
0x3f: {  	v1 =	vmax.f32 v1, $-9.990000120e-01;
	v2 =	vmax.f32 v2, $-9.990000120e-01;
	v3 =	vmax.f32 v3, $-9.990000120e-01  }
0x40: {  	s4 =	simm.s32 $0xF4E8;
	v4 =	vmax.f32 v4, $-9.990000120e-01;
	v1 =	vmin.f32 v1, $9.990000120e-01;
	v2 =	vmin.f32 v2, $9.990000120e-01  }
0x41: {  	v11 =	vld [tilespmem:s4+$0x20];
	v5 =	vmax.f32 v5, $-9.990000120e-01;
	v1 =	vadd.f32 $1.000000000e+00, v1;
	v2 =	vadd.f32 $1.000000000e+00, v2  }
0x42: {  	v7 =	vmax.f32 v7, $-9.990000120e-01;
	v6 =	vmax.f32 v6, $-9.990000120e-01;
	v8 =	vmax.f32 v8, $-9.990000120e-01  }
0x43: {  	v4 =	vmin.f32 v4, $9.990000120e-01;
	v1 =	vmul.f32 v1, v0;
	v2 =	vmul.f32 v2, v0  }
0x44: {  	v10 =	vld [tilespmem:s4+$0x30];
	v3 =	vmin.f32 v3, $9.990000120e-01;
	v5 =	vmin.f32 v5, $9.990000120e-01;
	v4 =	vadd.f32 $1.000000000e+00, v4  }
0x45: {  	v6 =	vmin.f32 v6, $9.990000120e-01;
	v1 =	vmul.f32 $1.000000000e+06, v1;
	v2 =	vmul.f32 $1.000000000e+06, v2  }
0x46: {  	v8 =	vmin.f32 v8, $9.990000120e-01;
	v11 =	vmax.f32 v11, $-9.990000120e-01;
	v4 =	vmul.f32 v4, v0  }
0x47: {  	v9 =	vtrunc.f32 v1;
	v1 =	vmin.f32 v7, $9.990000120e-01;
	v2 =	vtrunc.f32 v2  }
0x48: {  	v4 =	vmul.f32 $1.000000000e+06, v4;
	v7 =	vadd.f32 $1.000000000e+00, v1;
	v1 =	vcvt.f32.s32 v2;
	v2 =	vld [tilespmem:s4+$0xFFFFFFD0]  }
0x49: {  	v10 =	vmax.f32 v10, $-9.990000120e-01;
	v3 =	vadd.f32 $1.000000000e+00, v3;
	v6 =	vadd.f32 $1.000000000e+00, v6  }
0x4a: {  	v8 =	vadd.f32 $1.000000000e+00, v8;
	v5 =	vadd.f32 $1.000000000e+00, v5;
	v4 =	vtrunc.f32 v4  }
0x4b: {  	v10 =	vmin.f32 v10, $9.990000120e-01;
	v3 =	vmul.f32 v3, v0;
	v12 =	vcvt.f32.s32 v4;
	v4 =	vld [tilespmem:s4+$0xFFFFFFE0]  }
0x4c: {  	v11 =	vmin.f32 v11, $9.990000120e-01;
	v6 =	vmul.f32 v6, v0;
	v7 =	vmul.f32 v7, v0  }
0x4d: {  	v5 =	vmul.f32 v5, v0;
	v3 =	vmul.f32 $1.000000000e+06, v3;
	v2 =	vmax.f32 v2, $-9.990000120e-01  }
0x4e: {  	v13 =	vld [tilespmem:s4+$0x10];
	v8 =	vmul.f32 v8, v0;
	v7 =	vmul.f32 $1.000000000e+06, v7;
	v2 =	vmin.f32 v2, $9.990000120e-01  }
0x4f: {  	v16 =	vld [tilespmem:s4+$0xFFFFFFC0];
	v6 =	vmul.f32 $1.000000000e+06, v6;
	v3 =	vtrunc.f32 v3;
	v2 =	vadd.f32 $1.000000000e+00, v2  }
0x50: {  	v9 =	vcvt.f32.s32 v9;
	v4 =	vmax.f32 v4, $-9.990000120e-01;
	v7 =	vtrunc.f32 v7  }
0x51: {  	v15 =	vcvt.f32.s32 v7;
	v7 =	vadd.f32 $1.000000000e+00, v11;
	v2 =	vmul.f32 v2, v0  }
0x52: {  	v11 =	vmin.f32 v4, $9.990000120e-01;
	v4 =	vtrunc.f32 v6;
	v6 =	vmul.f32 $1.000000000e+06, v8  }
0x53: {  	v14 =	vld [tilespmem:s4+$0x0];
	v8 =	vmax.f32 v13, $-9.990000120e-01;
	v17 =	vmul.f32 v7, v0;
	v2 =	vmul.f32 $1.000000000e+06, v2  }
0x54: {  	v13 =	vmul.f32 $1.000000000e+06, v5;
	v5 =	vmax.f32 v16, $-9.990000120e-01;
	v7 =	vadd.f32 $1.000000000e+00, v11  }
0x55: {  	s30 =	simm.s32 $0x13468;
	v11 =	vmul.f32 $1.000000000e+06, v17;
	v63 =	vtrunc.f32 v2;
	v2 =	vmin.f32 v5, $9.990000120e-01  }
0x56: {  	v10 =	vadd.f32 $1.000000000e+00, v10;
	v3 =	vcvt.f32.s32 v3;
	[tilespmem:s30+$0xFFFFFFD0] =	vst v9;
	v9 =	vadd.f32 $1.000000000e+00, v2;
	v2 =	vld [tilespmem:s4+$0xFFFFFFF0]  }
0x57: {  	[tilespmem:s30+$0xFFFFFFE0] =	vst v12;
	v5 =	vmin.f32 v8, $9.990000120e-01;
	v8 =	vtrunc.f32 v11  }
0x58: {  	s31 =	simm.s32 $0x134E8;
	v14 =	vmax.f32 v14, $-9.990000120e-01;
	v10 =	vmul.f32 v10, v0;
	[tilespmem:s30+$0x30] =	vst v3;
	v3 =	vcvt.f32.s32 v8  }
0x59: {  	s0 =	simm.s32 $0x80;
	s2 =	simm.s32 $0x134E8;
	v12 =	vmin.f32 v14, $9.990000120e-01;
	[tilespmem:s30+$0xFFFFFFC0] =	vst v15;
	v11 =	vcvt.f32.s32 v63;
	s4 =	simm.s32 $0xF568;
	v8 =	vtrunc.f32 v13  }
.LBB2_2:
0x5a: {  	v13 =	vld [tilespmem:s4+$0xFFFFFFD0];
	s0 =	sadd.s32 $0x80, s0;
	v7 =	vmul.f32 v7, v0;
	v12 =	vadd.f32 $1.000000000e+00, v12;
	s2 =	sadd.s32 $0x80, s2;
	v6 =	vtrunc.f32 v6  }
0x5b: {  	v9 =	vmul.f32 v9, v0;
	v2 =	vmax.f32 v2, $-9.990000120e-01;
	v10 =	vmul.f32 $1.000000000e+06, v10;
	v14 =	vld [tilespmem:s4+$0x30];
	[tilespmem:s31+$0xFFFFFFD0] =	vst v11  }
0x5c: {  	v4 =	vcvt.f32.s32 v4;
	p2 =	slt.u32 s0, $0x780;
	v2 =	vmin.f32 v2, $9.990000120e-01;
	v11 =	vld [tilespmem:s4+$0x20];
	v7 =	vmul.f32 $1.000000000e+06, v7  }
0x5d: {  	v6 =	vcvt.f32.s32 v6;
	v9 =	vmul.f32 $1.000000000e+06, v9;
	v16 =	vadd.f32 $1.000000000e+00, v2;
	v15 =	vld [tilespmem:s4+$0x10];
	[tilespmem:s30+$0x20] =	vst v1;
	v1 =	vmovc v3  }
0x5e: {  	v5 =	vadd.f32 $1.000000000e+00, v5;
	v3 =	vld [tilespmem:s4+$0x0];
	v7 =	vtrunc.f32 v7;
	[tilespmem:s30+$0x0] =	vst v4;
	v4 =	vcvt.f32.s32 v8  }
0x5f: {  	v10 =	vtrunc.f32 v10;
	v8 =	vmax.f32 v13, $-9.990000120e-01;
	v2 =	vld [tilespmem:s4+$0xFFFFFFF0];
	v7 =	vcvt.f32.s32 v7;
	[tilespmem:s30+$0xFFFFFFF0] =	vst v6  }
0x60: {  	v12 =	vmul.f32 v12, v0;
	v9 =	vtrunc.f32 v9;
	v6 =	vld [tilespmem:s4+$0xFFFFFFE0];
	[tilespmem:s30+$0x10] =	vst v4;
	s30 =	smov.u32 s31;
	s31 =	smov.u32 s2  }
0x61: {  	v5 =	vmul.f32 v5, v0;
	v4 =	vmax.f32 v11, $-9.990000120e-01;
	v11 =	vmax.f32 v14, $-9.990000120e-01  }
0x62: {  	v8 =	vmin.f32 v8, $9.990000120e-01;
	v11 =	vmin.f32 v11, $9.990000120e-01;
	[tilespmem:s30+$0xFFFFFFE0] =	vst v7;
	v7 =	vcvt.f32.s32 v10  }
0x63: {  	v9 =	vcvt.f32.s32 v9;
	v8 =	vadd.f32 $1.000000000e+00, v8;
	v4 =	vmin.f32 v4, $9.990000120e-01  }
0x64: {  	v12 =	vmul.f32 $1.000000000e+06, v12;
	v4 =	vadd.f32 $1.000000000e+00, v4;
	v11 =	vadd.f32 $1.000000000e+00, v11;
	v10 =	vld [tilespmem:s4+$0xFFFFFFC0];
	[tilespmem:s30+$0x30] =	vst v7  }
0x65: {  	v7 =	vmul.f32 v8, v0;
	v8 =	vmul.f32 v16, v0;
	v6 =	vmax.f32 v6, $-9.990000120e-01  }
0x66: {  	v13 =	vmul.f32 v4, v0;
	v4 =	vtrunc.f32 v12;
	v6 =	vmin.f32 v6, $9.990000120e-01;
	[tilespmem:s30+$0xFFFFFFC0] =	vst v9  }
0x67: {  	v9 =	vmul.f32 $1.000000000e+06, v7;
	v7 =	vadd.f32 $1.000000000e+00, v6;
	v6 =	vmul.f32 $1.000000000e+06, v8  }
.Ltmp0:
0x68: {  	v8 =	vmax.f32 v15, $-9.990000120e-01;
	v12 =	vmul.f32 $1.000000000e+06, v13;
	v13 =	vmul.f32 $1.000000000e+06, v5;
	(pc) =	sbr.rel @p2 .LBB2_2-.Ltmp0, $4  }
0x69: {  	v15 =	vmax.f32 v3, $-9.990000120e-01;
	v14 =	vtrunc.f32 v9;
	v5 =	vmax.f32 v10, $-9.990000120e-01  }
0x6a: {  	v3 =	vmin.f32 v5, $9.990000120e-01;
	v5 =	vmin.f32 v8, $9.990000120e-01;
	v8 =	vtrunc.f32 v12  }
0x6b: {  	v10 =	vmul.f32 v11, v0;
	v9 =	vadd.f32 $1.000000000e+00, v3;
	v3 =	vcvt.f32.s32 v8  }
0x6c: {  	s4 =	sadd.s32 $0x80, s4;
	v11 =	vcvt.f32.s32 v14;
	v12 =	vmin.f32 v15, $9.990000120e-01;
	v8 =	vtrunc.f32 v13  }
0x6d: {  	v7 =	vmul.f32 v7, v0;
	v6 =	vtrunc.f32 v6;
	v12 =	vadd.f32 $1.000000000e+00, v12  }
0x6e: {  	v9 =	vmul.f32 v9, v0;
	v10 =	vmul.f32 $1.000000000e+06, v10;
	v2 =	vmax.f32 v2, $-9.990000120e-01  }
0x6f: {  	v4 =	vcvt.f32.s32 v4;
	v8 =	vcvt.f32.s32 v8;
	[tilespmem:s30+$0x20] =	vst v1;
	v1 =	vadd.f32 $1.000000000e+00, v5  }
0x70: {  	v2 =	vmin.f32 v2, $9.990000120e-01;
	v7 =	vmul.f32 $1.000000000e+06, v7;
	v9 =	vmul.f32 $1.000000000e+06, v9  }
0x71: {  	v6 =	vcvt.f32.s32 v6;
	v2 =	vadd.f32 $1.000000000e+00, v2;
	v1 =	vmul.f32 v1, v0  }
0x72: {  	[tilespmem:s30+$0x0] =	vst v4;
	v7 =	vtrunc.f32 v7;
	v4 =	vtrunc.f32 v9  }
0x73: {  	[tilespmem:s31+$0x20] =	vst v3;
	v9 =	vmul.f32 v12, v0;
	v2 =	vmul.f32 v2, v0  }
0x74: {  	[tilespmem:s31+$0xFFFFFFD0] =	vst v11;
	v1 =	vmul.f32 $1.000000000e+06, v1;
	v5 =	vcvt.f32.s32 v7  }
0x75: {  	[tilespmem:s30+$0x10] =	vst v8;
	v7 =	vtrunc.f32 v10;
	v4 =	vcvt.f32.s32 v4  }
0x76: {  	[tilespmem:s30+$0xFFFFFFF0] =	vst v6;
	v6 =	vcvt.f32.s32 v7;
	v7 =	vmul.f32 $1.000000000e+06, v9  }
0x77: {  	v2 =	vmul.f32 $1.000000000e+06, v2;
	v1 =	vtrunc.f32 v1;
	[tilespmem:s31+$0xFFFFFFE0] =	vst v5  }
0x78: {  	[tilespmem:s31+$0xFFFFFFC0] =	vst v4;
	v1 =	vcvt.f32.s32 v1;
	v5 =	vtrunc.f32 v7  }
0x79: {  	[tilespmem:s31+$0x30] =	vst v6;
	v2 =	vtrunc.f32 v2;
	v4 =	vcvt.f32.s32 v5  }
0x7a: {  	v2 =	vcvt.f32.s32 v2;
	[tilespmem:s31+$0x10] =	vst v1  }
0x7b: {  	[tilespmem:s31+$0x0] =	vst v4  }
0x7c: {  	[tilespmem:s31+$0xFFFFFFF0] =	vst v2  }
0x7d: {  	_ =	swait.ge [sflag:s17], $0x2000  }
0x7e: {  	[sflag:s17] =	ssyncset.done $0x0  }
0x7f: {  	s0 =	simm.s32 $0xFC98;
	[sflag:s17] =	ssyncadd.s32 $0xFFFFE000  }
0x80: {  	[spmem:s23] =	stream.linear.scatter [tilespmem:s13], [sflag:$0x8], $0x2000, $0x38;
	[tilespmem:$0x1F428] =	vst v63  }
0x81: {  	v1 =	vld [tilespmem:s0+$0xFFFFFFA0]  }
0x82: {  	v2 =	vld [tilespmem:s0+$0xFFFFFFF0]  }
0x83: {  	v3 =	vld [tilespmem:s0+$0x0]  }
0x84: {  	v4 =	vld [tilespmem:s0+$0xFFFFFFB0]  }
0x85: {  	v5 =	vld [tilespmem:s0+$0xFFFFFFE0]  }
0x86: {  	v6 =	vld [tilespmem:s0+$0xFFFFFFD0]  }
0x87: {  	v7 =	vld [tilespmem:s0+$0xFFFFFF90]  }
0x88: {  	s4 =	simm.s32 $0xFD18;
	v8 =	vld [tilespmem:s0+$0xFFFFFFC0]  }
0x89: {  	v10 =	vld [tilespmem:s4+$0x0]  }
0x8a: {  	v11 =	vld [tilespmem:s4+$0xFFFFFFF0];
	v1 =	vmax.f32 v1, $-9.990000120e-01;
	v2 =	vmax.f32 v2, $-9.990000120e-01;
	v3 =	vmax.f32 v3, $-9.990000120e-01  }
0x8b: {  	v4 =	vmax.f32 v4, $-9.990000120e-01;
	v1 =	vmin.f32 v1, $9.990000120e-01;
	v2 =	vmin.f32 v2, $9.990000120e-01  }
0x8c: {  	v5 =	vmax.f32 v5, $-9.990000120e-01;
	v1 =	vadd.f32 $1.000000000e+00, v1;
	v2 =	vadd.f32 $1.000000000e+00, v2  }
0x8d: {  	v7 =	vmax.f32 v7, $-9.990000120e-01;
	v6 =	vmax.f32 v6, $-9.990000120e-01;
	v8 =	vmax.f32 v8, $-9.990000120e-01  }
0x8e: {  	v4 =	vmin.f32 v4, $9.990000120e-01;
	v1 =	vmul.f32 v1, v0;
	v2 =	vmul.f32 v2, v0  }
0x8f: {  	v11 =	vmax.f32 v11, $-9.990000120e-01;
	v10 =	vmax.f32 v10, $-9.990000120e-01;
	v4 =	vadd.f32 $1.000000000e+00, v4  }
0x90: {  	v3 =	vmin.f32 v3, $9.990000120e-01;
	v1 =	vmul.f32 $1.000000000e+06, v1;
	v2 =	vmul.f32 $1.000000000e+06, v2  }
0x91: {  	v5 =	vmin.f32 v5, $9.990000120e-01;
	v6 =	vmin.f32 v6, $9.990000120e-01;
	v4 =	vmul.f32 v4, v0  }
0x92: {  	v9 =	vtrunc.f32 v1;
	v1 =	vmin.f32 v7, $9.990000120e-01;
	v2 =	vtrunc.f32 v2  }
0x93: {  	v4 =	vmul.f32 $1.000000000e+06, v4;
	v7 =	vadd.f32 $1.000000000e+00, v1;
	v1 =	vcvt.f32.s32 v2;
	v2 =	vld [tilespmem:s4+$0xFFFFFFA0]  }
0x94: {  	v8 =	vmin.f32 v8, $9.990000120e-01;
	v10 =	vmin.f32 v10, $9.990000120e-01;
	v3 =	vadd.f32 $1.000000000e+00, v3  }
0x95: {  	v11 =	vmin.f32 v11, $9.990000120e-01;
	v6 =	vadd.f32 $1.000000000e+00, v6;
	v4 =	vtrunc.f32 v4  }
0x96: {  	v5 =	vadd.f32 $1.000000000e+00, v5;
	v3 =	vmul.f32 v3, v0;
	v12 =	vcvt.f32.s32 v4;
	v4 =	vld [tilespmem:s4+$0xFFFFFFB0]  }
0x97: {  	v8 =	vadd.f32 $1.000000000e+00, v8;
	v6 =	vmul.f32 v6, v0;
	v7 =	vmul.f32 v7, v0  }
0x98: {  	v5 =	vmul.f32 v5, v0;
	v3 =	vmul.f32 $1.000000000e+06, v3;
	v2 =	vmax.f32 v2, $-9.990000120e-01  }
0x99: {  	v13 =	vld [tilespmem:s4+$0xFFFFFFE0];
	v8 =	vmul.f32 v8, v0;
	v7 =	vmul.f32 $1.000000000e+06, v7;
	v2 =	vmin.f32 v2, $9.990000120e-01  }
0x9a: {  	v16 =	vld [tilespmem:s4+$0xFFFFFF90];
	v6 =	vmul.f32 $1.000000000e+06, v6;
	v3 =	vtrunc.f32 v3;
	v2 =	vadd.f32 $1.000000000e+00, v2  }
0x9b: {  	v9 =	vcvt.f32.s32 v9;
	v4 =	vmax.f32 v4, $-9.990000120e-01;
	v7 =	vtrunc.f32 v7  }
0x9c: {  	v15 =	vcvt.f32.s32 v7;
	v7 =	vadd.f32 $1.000000000e+00, v11;
	v2 =	vmul.f32 v2, v0  }
0x9d: {  	v11 =	vmin.f32 v4, $9.990000120e-01;
	v4 =	vtrunc.f32 v6;
	v6 =	vmul.f32 $1.000000000e+06, v8  }
0x9e: {  	v14 =	vld [tilespmem:s4+$0xFFFFFFD0];
	v8 =	vmax.f32 v13, $-9.990000120e-01;
	v17 =	vmul.f32 v7, v0;
	v2 =	vmul.f32 $1.000000000e+06, v2  }
0x9f: {  	v13 =	vmul.f32 $1.000000000e+06, v5;
	v5 =	vmax.f32 v16, $-9.990000120e-01;
	v7 =	vadd.f32 $1.000000000e+00, v11  }
0xa0: {  	s30 =	simm.s32 $0x13C98;
	v11 =	vmul.f32 $1.000000000e+06, v17;
	v63 =	vtrunc.f32 v2;
	v2 =	vmin.f32 v5, $9.990000120e-01  }
0xa1: {  	v10 =	vadd.f32 $1.000000000e+00, v10;
	v3 =	vcvt.f32.s32 v3;
	[tilespmem:s30+$0xFFFFFFA0] =	vst v9;
	v9 =	vadd.f32 $1.000000000e+00, v2;
	v2 =	vld [tilespmem:s4+$0xFFFFFFC0]  }
0xa2: {  	[tilespmem:s30+$0xFFFFFFB0] =	vst v12;
	v5 =	vmin.f32 v8, $9.990000120e-01;
	v8 =	vtrunc.f32 v11  }
0xa3: {  	s2 =	simm.s32 $0x13D18;
	s31 =	simm.s32 $0x13D18;
	v14 =	vmax.f32 v14, $-9.990000120e-01;
	v10 =	vmul.f32 v10, v0;
	[tilespmem:s30+$0x0] =	vst v3;
	v3 =	vcvt.f32.s32 v8  }
0xa4: {  	s0 =	simm.s32 $0x880;
	v12 =	vmin.f32 v14, $9.990000120e-01;
	[tilespmem:s30+$0xFFFFFF90] =	vst v15;
	v11 =	vcvt.f32.s32 v63;
	s4 =	simm.s32 $0xFD98;
	v8 =	vtrunc.f32 v13  }
.LBB2_4:
0xa5: {  	v7 =	vmul.f32 v7, v0  }
0xa6: {  	v13 =	vld [tilespmem:s4+$0xFFFFFFA0];
	s0 =	sadd.s32 $0x80, s0;
	v12 =	vadd.f32 $1.000000000e+00, v12;
	s2 =	sadd.s32 $0x80, s2;
	v6 =	vtrunc.f32 v6;
	v2 =	vmax.f32 v2, $-9.990000120e-01  }
0xa7: {  	v9 =	vmul.f32 v9, v0;
	v10 =	vmul.f32 $1.000000000e+06, v10;
	v14 =	vld [tilespmem:s4+$0x0];
	p2 =	slt.u32 s0, $0xF80;
	[tilespmem:s31+$0xFFFFFFA0] =	vst v11  }
0xa8: {  	v4 =	vcvt.f32.s32 v4;
	v2 =	vmin.f32 v2, $9.990000120e-01;
	v11 =	vld [tilespmem:s4+$0xFFFFFFF0];
	v7 =	vmul.f32 $1.000000000e+06, v7  }
0xa9: {  	v6 =	vcvt.f32.s32 v6;
	v9 =	vmul.f32 $1.000000000e+06, v9;
	v16 =	vadd.f32 $1.000000000e+00, v2;
	v15 =	vld [tilespmem:s4+$0xFFFFFFE0];
	[tilespmem:s30+$0xFFFFFFF0] =	vst v1;
	v1 =	vmovc v3  }
0xaa: {  	v5 =	vadd.f32 $1.000000000e+00, v5;
	v3 =	vld [tilespmem:s4+$0xFFFFFFD0];
	v7 =	vtrunc.f32 v7;
	[tilespmem:s30+$0xFFFFFFD0] =	vst v4;
	v4 =	vcvt.f32.s32 v8  }
0xab: {  	v10 =	vtrunc.f32 v10;
	v8 =	vmax.f32 v13, $-9.990000120e-01;
	v2 =	vld [tilespmem:s4+$0xFFFFFFC0];
	v7 =	vcvt.f32.s32 v7;
	[tilespmem:s30+$0xFFFFFFC0] =	vst v6  }
0xac: {  	v12 =	vmul.f32 v12, v0;
	v9 =	vtrunc.f32 v9;
	v6 =	vld [tilespmem:s4+$0xFFFFFFB0];
	[tilespmem:s30+$0xFFFFFFE0] =	vst v4;
	s30 =	smov.u32 s31;
	s31 =	smov.u32 s2  }
0xad: {  	v5 =	vmul.f32 v5, v0;
	v4 =	vmax.f32 v11, $-9.990000120e-01;
	v11 =	vmax.f32 v14, $-9.990000120e-01  }
0xae: {  	v8 =	vmin.f32 v8, $9.990000120e-01;
	v11 =	vmin.f32 v11, $9.990000120e-01;
	[tilespmem:s30+$0xFFFFFFB0] =	vst v7;
	v7 =	vcvt.f32.s32 v10  }
0xaf: {  	v9 =	vcvt.f32.s32 v9;
	v8 =	vadd.f32 $1.000000000e+00, v8;
	v4 =	vmin.f32 v4, $9.990000120e-01  }
0xb0: {  	v12 =	vmul.f32 $1.000000000e+06, v12;
	v4 =	vadd.f32 $1.000000000e+00, v4;
	v11 =	vadd.f32 $1.000000000e+00, v11;
	v10 =	vld [tilespmem:s4+$0xFFFFFF90];
	[tilespmem:s30+$0x0] =	vst v7  }
0xb1: {  	v7 =	vmul.f32 v8, v0;
	v8 =	vmul.f32 v16, v0;
	v6 =	vmax.f32 v6, $-9.990000120e-01  }
0xb2: {  	v13 =	vmul.f32 v4, v0;
	v4 =	vtrunc.f32 v12;
	v6 =	vmin.f32 v6, $9.990000120e-01;
	[tilespmem:s30+$0xFFFFFF90] =	vst v9  }
0xb3: {  	v9 =	vmul.f32 $1.000000000e+06, v7;
	v7 =	vadd.f32 $1.000000000e+00, v6;
	v6 =	vmul.f32 $1.000000000e+06, v8  }
.Ltmp1:
0xb4: {  	v8 =	vmax.f32 v15, $-9.990000120e-01;
	v12 =	vmul.f32 $1.000000000e+06, v13;
	v13 =	vmul.f32 $1.000000000e+06, v5;
	(pc) =	sbr.rel @p2 .LBB2_4-.Ltmp1, $4  }
0xb5: {  	v15 =	vmax.f32 v3, $-9.990000120e-01;
	v14 =	vtrunc.f32 v9;
	v5 =	vmax.f32 v10, $-9.990000120e-01  }
0xb6: {  	v3 =	vmin.f32 v5, $9.990000120e-01;
	v5 =	vmin.f32 v8, $9.990000120e-01;
	v8 =	vtrunc.f32 v12  }
0xb7: {  	v10 =	vmul.f32 v11, v0;
	v9 =	vadd.f32 $1.000000000e+00, v3;
	v3 =	vcvt.f32.s32 v8  }
0xb8: {  	s4 =	sadd.s32 $0x80, s4;
	v11 =	vcvt.f32.s32 v14;
	v12 =	vmin.f32 v15, $9.990000120e-01;
	v8 =	vtrunc.f32 v13  }
0xb9: {  	v7 =	vmul.f32 v7, v0;
	v6 =	vtrunc.f32 v6;
	v12 =	vadd.f32 $1.000000000e+00, v12  }
0xba: {  	v9 =	vmul.f32 v9, v0;
	v10 =	vmul.f32 $1.000000000e+06, v10;
	v2 =	vmax.f32 v2, $-9.990000120e-01  }
0xbb: {  	v4 =	vcvt.f32.s32 v4;
	v8 =	vcvt.f32.s32 v8;
	[tilespmem:s30+$0xFFFFFFF0] =	vst v1;
	v1 =	vadd.f32 $1.000000000e+00, v5  }
0xbc: {  	v2 =	vmin.f32 v2, $9.990000120e-01;
	v7 =	vmul.f32 $1.000000000e+06, v7;
	v9 =	vmul.f32 $1.000000000e+06, v9  }
0xbd: {  	v6 =	vcvt.f32.s32 v6;
	v2 =	vadd.f32 $1.000000000e+00, v2;
	v1 =	vmul.f32 v1, v0  }
0xbe: {  	[tilespmem:s30+$0xFFFFFFD0] =	vst v4;
	v7 =	vtrunc.f32 v7;
	v4 =	vtrunc.f32 v9  }
0xbf: {  	[tilespmem:s31+$0xFFFFFFF0] =	vst v3;
	v9 =	vmul.f32 v12, v0;
	v2 =	vmul.f32 v2, v0  }
0xc0: {  	[tilespmem:s31+$0xFFFFFFA0] =	vst v11;
	v1 =	vmul.f32 $1.000000000e+06, v1;
	v5 =	vcvt.f32.s32 v7  }
0xc1: {  	[tilespmem:s30+$0xFFFFFFE0] =	vst v8;
	v7 =	vtrunc.f32 v10;
	v4 =	vcvt.f32.s32 v4  }
0xc2: {  	[tilespmem:s30+$0xFFFFFFC0] =	vst v6;
	v6 =	vcvt.f32.s32 v7;
	v7 =	vmul.f32 $1.000000000e+06, v9  }
0xc3: {  	v2 =	vmul.f32 $1.000000000e+06, v2;
	v1 =	vtrunc.f32 v1;
	[tilespmem:s31+$0xFFFFFFB0] =	vst v5  }
0xc4: {  	[tilespmem:s31+$0xFFFFFF90] =	vst v4;
	v1 =	vcvt.f32.s32 v1;
	v5 =	vtrunc.f32 v7  }
0xc5: {  	[tilespmem:s31+$0x0] =	vst v6;
	v2 =	vtrunc.f32 v2;
	v4 =	vcvt.f32.s32 v5  }
0xc6: {  	v2 =	vcvt.f32.s32 v2;
	[tilespmem:s31+$0xFFFFFFE0] =	vst v1  }
0xc7: {  	[tilespmem:s31+$0xFFFFFFD0] =	vst v4  }
0xc8: {  	[tilespmem:s31+$0xFFFFFFC0] =	vst v2  }
0xc9: {  	_ =	swait.ge [sflag:s17], $0x2000  }
0xca: {  	[sflag:s17] =	ssyncset.done $0x0  }
0xcb: {  	s4 =	simm.s32 $0x10498;
	s0 =	rddreg [dreg:$0x1a];
	[sflag:s17] =	ssyncadd.s32 $0xFFFFE000  }
0xcc: {  	[spmem:s0] =	stream.linear.scatter [tilespmem:s14], [sflag:$0x8], $0x2000, $0x38;
	[tilespmem:$0x1F428] =	vst v63  }
0xcd: {  	v1 =	vld [tilespmem:s4+$0xFFFFFFA0]  }
0xce: {  	v2 =	vld [tilespmem:s4+$0xFFFFFFF0]  }
0xcf: {  	v3 =	vld [tilespmem:s4+$0x0]  }
0xd0: {  	v4 =	vld [tilespmem:s4+$0xFFFFFFB0]  }
0xd1: {  	v5 =	vld [tilespmem:s4+$0xFFFFFFE0]  }
0xd2: {  	v6 =	vld [tilespmem:s4+$0xFFFFFFD0]  }
0xd3: {  	v7 =	vld [tilespmem:s4+$0xFFFFFF90]  }
0xd4: {  	v8 =	vld [tilespmem:s4+$0xFFFFFFC0];
	_ =	sdelay $0x1  }
0xd5: {  	v1 =	vmax.f32 v1, $-9.990000120e-01;
	v2 =	vmax.f32 v2, $-9.990000120e-01;
	v3 =	vmax.f32 v3, $-9.990000120e-01  }
0xd6: {  	s4 =	simm.s32 $0x10518;
	v4 =	vmax.f32 v4, $-9.990000120e-01;
	v1 =	vmin.f32 v1, $9.990000120e-01;
	v2 =	vmin.f32 v2, $9.990000120e-01  }
0xd7: {  	v11 =	vld [tilespmem:s4+$0xFFFFFFF0];
	v5 =	vmax.f32 v5, $-9.990000120e-01;
	v1 =	vadd.f32 $1.000000000e+00, v1;
	v2 =	vadd.f32 $1.000000000e+00, v2  }
0xd8: {  	v7 =	vmax.f32 v7, $-9.990000120e-01;
	v6 =	vmax.f32 v6, $-9.990000120e-01;
	v8 =	vmax.f32 v8, $-9.990000120e-01  }
0xd9: {  	v4 =	vmin.f32 v4, $9.990000120e-01;
	v1 =	vmul.f32 v1, v0;
	v2 =	vmul.f32 v2, v0  }
0xda: {  	v10 =	vld [tilespmem:s4+$0x0];
	v3 =	vmin.f32 v3, $9.990000120e-01;
	v5 =	vmin.f32 v5, $9.990000120e-01;
	v4 =	vadd.f32 $1.000000000e+00, v4  }
0xdb: {  	v6 =	vmin.f32 v6, $9.990000120e-01;
	v1 =	vmul.f32 $1.000000000e+06, v1;
	v2 =	vmul.f32 $1.000000000e+06, v2  }
0xdc: {  	v8 =	vmin.f32 v8, $9.990000120e-01;
	v11 =	vmax.f32 v11, $-9.990000120e-01;
	v4 =	vmul.f32 v4, v0  }
0xdd: {  	v9 =	vtrunc.f32 v1;
	v1 =	vmin.f32 v7, $9.990000120e-01;
	v2 =	vtrunc.f32 v2  }
0xde: {  	v4 =	vmul.f32 $1.000000000e+06, v4;
	v7 =	vadd.f32 $1.000000000e+00, v1;
	v1 =	vcvt.f32.s32 v2;
	v2 =	vld [tilespmem:s4+$0xFFFFFFA0]  }
0xdf: {  	v10 =	vmax.f32 v10, $-9.990000120e-01;
	v3 =	vadd.f32 $1.000000000e+00, v3;
	v6 =	vadd.f32 $1.000000000e+00, v6  }
0xe0: {  	v8 =	vadd.f32 $1.000000000e+00, v8;
	v5 =	vadd.f32 $1.000000000e+00, v5;
	v4 =	vtrunc.f32 v4  }
0xe1: {  	v10 =	vmin.f32 v10, $9.990000120e-01;
	v3 =	vmul.f32 v3, v0;
	v12 =	vcvt.f32.s32 v4;
	v4 =	vld [tilespmem:s4+$0xFFFFFFB0]  }
0xe2: {  	v11 =	vmin.f32 v11, $9.990000120e-01;
	v6 =	vmul.f32 v6, v0;
	v7 =	vmul.f32 v7, v0  }
0xe3: {  	v5 =	vmul.f32 v5, v0;
	v3 =	vmul.f32 $1.000000000e+06, v3;
	v2 =	vmax.f32 v2, $-9.990000120e-01  }
0xe4: {  	v13 =	vld [tilespmem:s4+$0xFFFFFFE0];
	v8 =	vmul.f32 v8, v0;
	v7 =	vmul.f32 $1.000000000e+06, v7;
	v2 =	vmin.f32 v2, $9.990000120e-01  }
0xe5: {  	v16 =	vld [tilespmem:s4+$0xFFFFFF90];
	v6 =	vmul.f32 $1.000000000e+06, v6;
	v3 =	vtrunc.f32 v3;
	v2 =	vadd.f32 $1.000000000e+00, v2  }
0xe6: {  	v9 =	vcvt.f32.s32 v9;
	v4 =	vmax.f32 v4, $-9.990000120e-01;
	v7 =	vtrunc.f32 v7  }
0xe7: {  	v15 =	vcvt.f32.s32 v7;
	v7 =	vadd.f32 $1.000000000e+00, v11;
	v2 =	vmul.f32 v2, v0  }
0xe8: {  	v11 =	vmin.f32 v4, $9.990000120e-01;
	v4 =	vtrunc.f32 v6;
	v6 =	vmul.f32 $1.000000000e+06, v8  }
0xe9: {  	v14 =	vld [tilespmem:s4+$0xFFFFFFD0];
	v8 =	vmax.f32 v13, $-9.990000120e-01;
	v17 =	vmul.f32 v7, v0;
	v2 =	vmul.f32 $1.000000000e+06, v2  }
0xea: {  	v13 =	vmul.f32 $1.000000000e+06, v5;
	v5 =	vmax.f32 v16, $-9.990000120e-01;
	v7 =	vadd.f32 $1.000000000e+00, v11  }
0xeb: {  	s30 =	simm.s32 $0x14498;
	v11 =	vmul.f32 $1.000000000e+06, v17;
	v63 =	vtrunc.f32 v2;
	v2 =	vmin.f32 v5, $9.990000120e-01  }
0xec: {  	v10 =	vadd.f32 $1.000000000e+00, v10;
	v3 =	vcvt.f32.s32 v3;
	[tilespmem:s30+$0xFFFFFFA0] =	vst v9;
	v9 =	vadd.f32 $1.000000000e+00, v2;
	v2 =	vld [tilespmem:s4+$0xFFFFFFC0]  }
0xed: {  	[tilespmem:s30+$0xFFFFFFB0] =	vst v12;
	v5 =	vmin.f32 v8, $9.990000120e-01;
	v8 =	vtrunc.f32 v11  }
0xee: {  	s2 =	simm.s32 $0x14518;
	s31 =	simm.s32 $0x14518;
	v14 =	vmax.f32 v14, $-9.990000120e-01;
	v10 =	vmul.f32 v10, v0;
	[tilespmem:s30+$0x0] =	vst v3;
	v3 =	vcvt.f32.s32 v8  }
0xef: {  	s0 =	simm.s32 $0x1080;
	v12 =	vmin.f32 v14, $9.990000120e-01;
	[tilespmem:s30+$0xFFFFFF90] =	vst v15;
	v11 =	vcvt.f32.s32 v63;
	s4 =	simm.s32 $0x10598;
	v8 =	vtrunc.f32 v13  }
.LBB2_6:
0xf0: {  	v7 =	vmul.f32 v7, v0  }
0xf1: {  	v13 =	vld [tilespmem:s4+$0xFFFFFFA0];
	s0 =	sadd.s32 $0x80, s0;
	v12 =	vadd.f32 $1.000000000e+00, v12;
	s2 =	sadd.s32 $0x80, s2;
	v6 =	vtrunc.f32 v6;
	v2 =	vmax.f32 v2, $-9.990000120e-01  }
0xf2: {  	v9 =	vmul.f32 v9, v0;
	v10 =	vmul.f32 $1.000000000e+06, v10;
	v14 =	vld [tilespmem:s4+$0x0];
	p2 =	slt.u32 s0, $0x1780;
	[tilespmem:s31+$0xFFFFFFA0] =	vst v11  }
0xf3: {  	v4 =	vcvt.f32.s32 v4;
	v2 =	vmin.f32 v2, $9.990000120e-01;
	v11 =	vld [tilespmem:s4+$0xFFFFFFF0];
	v7 =	vmul.f32 $1.000000000e+06, v7  }
0xf4: {  	v6 =	vcvt.f32.s32 v6;
	v9 =	vmul.f32 $1.000000000e+06, v9;
	v16 =	vadd.f32 $1.000000000e+00, v2;
	v15 =	vld [tilespmem:s4+$0xFFFFFFE0];
	[tilespmem:s30+$0xFFFFFFF0] =	vst v1;
	v1 =	vmovc v3  }
0xf5: {  	v5 =	vadd.f32 $1.000000000e+00, v5;
	v3 =	vld [tilespmem:s4+$0xFFFFFFD0];
	v7 =	vtrunc.f32 v7;
	[tilespmem:s30+$0xFFFFFFD0] =	vst v4;
	v4 =	vcvt.f32.s32 v8  }
0xf6: {  	v10 =	vtrunc.f32 v10;
	v8 =	vmax.f32 v13, $-9.990000120e-01;
	v2 =	vld [tilespmem:s4+$0xFFFFFFC0];
	v7 =	vcvt.f32.s32 v7;
	[tilespmem:s30+$0xFFFFFFC0] =	vst v6  }
0xf7: {  	v12 =	vmul.f32 v12, v0;
	v9 =	vtrunc.f32 v9;
	v6 =	vld [tilespmem:s4+$0xFFFFFFB0];
	[tilespmem:s30+$0xFFFFFFE0] =	vst v4;
	s30 =	smov.u32 s31;
	s31 =	smov.u32 s2  }
0xf8: {  	v5 =	vmul.f32 v5, v0;
	v4 =	vmax.f32 v11, $-9.990000120e-01;
	v11 =	vmax.f32 v14, $-9.990000120e-01  }
0xf9: {  	v8 =	vmin.f32 v8, $9.990000120e-01;
	v11 =	vmin.f32 v11, $9.990000120e-01;
	[tilespmem:s30+$0xFFFFFFB0] =	vst v7;
	v7 =	vcvt.f32.s32 v10  }
0xfa: {  	v9 =	vcvt.f32.s32 v9;
	v8 =	vadd.f32 $1.000000000e+00, v8;
	v4 =	vmin.f32 v4, $9.990000120e-01  }
0xfb: {  	v12 =	vmul.f32 $1.000000000e+06, v12;
	v4 =	vadd.f32 $1.000000000e+00, v4;
	v11 =	vadd.f32 $1.000000000e+00, v11;
	v10 =	vld [tilespmem:s4+$0xFFFFFF90];
	[tilespmem:s30+$0x0] =	vst v7  }
0xfc: {  	v7 =	vmul.f32 v8, v0;
	v8 =	vmul.f32 v16, v0;
	v6 =	vmax.f32 v6, $-9.990000120e-01  }
0xfd: {  	v13 =	vmul.f32 v4, v0;
	v4 =	vtrunc.f32 v12;
	v6 =	vmin.f32 v6, $9.990000120e-01;
	[tilespmem:s30+$0xFFFFFF90] =	vst v9  }
0xfe: {  	v9 =	vmul.f32 $1.000000000e+06, v7;
	v7 =	vadd.f32 $1.000000000e+00, v6;
	v6 =	vmul.f32 $1.000000000e+06, v8  }
.Ltmp2:
0xff: {  	v8 =	vmax.f32 v15, $-9.990000120e-01;
	v12 =	vmul.f32 $1.000000000e+06, v13;
	v13 =	vmul.f32 $1.000000000e+06, v5;
	(pc) =	sbr.rel @p2 .LBB2_6-.Ltmp2, $4  }
0x100: {  	v15 =	vmax.f32 v3, $-9.990000120e-01;
	v14 =	vtrunc.f32 v9;
	v5 =	vmax.f32 v10, $-9.990000120e-01  }
0x101: {  	v3 =	vmin.f32 v5, $9.990000120e-01;
	v5 =	vmin.f32 v8, $9.990000120e-01;
	v8 =	vtrunc.f32 v12  }
0x102: {  	v10 =	vmul.f32 v11, v0;
	v9 =	vadd.f32 $1.000000000e+00, v3;
	v3 =	vcvt.f32.s32 v8  }
0x103: {  	s4 =	sadd.s32 $0x80, s4;
	v11 =	vcvt.f32.s32 v14;
	v12 =	vmin.f32 v15, $9.990000120e-01;
	v8 =	vtrunc.f32 v13  }
0x104: {  	v7 =	vmul.f32 v7, v0;
	v6 =	vtrunc.f32 v6;
	v12 =	vadd.f32 $1.000000000e+00, v12  }
0x105: {  	v9 =	vmul.f32 v9, v0;
	v10 =	vmul.f32 $1.000000000e+06, v10;
	v2 =	vmax.f32 v2, $-9.990000120e-01  }
0x106: {  	v4 =	vcvt.f32.s32 v4;
	v8 =	vcvt.f32.s32 v8;
	[tilespmem:s30+$0xFFFFFFF0] =	vst v1;
	v1 =	vadd.f32 $1.000000000e+00, v5  }
0x107: {  	v2 =	vmin.f32 v2, $9.990000120e-01;
	v7 =	vmul.f32 $1.000000000e+06, v7;
	v9 =	vmul.f32 $1.000000000e+06, v9  }
0x108: {  	v6 =	vcvt.f32.s32 v6;
	v2 =	vadd.f32 $1.000000000e+00, v2;
	v1 =	vmul.f32 v1, v0  }
0x109: {  	[tilespmem:s30+$0xFFFFFFD0] =	vst v4;
	v7 =	vtrunc.f32 v7;
	v4 =	vtrunc.f32 v9  }
0x10a: {  	[tilespmem:s31+$0xFFFFFFF0] =	vst v3;
	v9 =	vmul.f32 v12, v0;
	v2 =	vmul.f32 v2, v0  }
0x10b: {  	[tilespmem:s31+$0xFFFFFFA0] =	vst v11;
	v1 =	vmul.f32 $1.000000000e+06, v1;
	v5 =	vcvt.f32.s32 v7  }
0x10c: {  	[tilespmem:s30+$0xFFFFFFE0] =	vst v8;
	v7 =	vtrunc.f32 v10;
	v4 =	vcvt.f32.s32 v4  }
0x10d: {  	[tilespmem:s30+$0xFFFFFFC0] =	vst v6;
	v6 =	vcvt.f32.s32 v7;
	v7 =	vmul.f32 $1.000000000e+06, v9  }
0x10e: {  	v2 =	vmul.f32 $1.000000000e+06, v2;
	v1 =	vtrunc.f32 v1;
	[tilespmem:s31+$0xFFFFFFB0] =	vst v5  }
0x10f: {  	[tilespmem:s31+$0xFFFFFF90] =	vst v4;
	v1 =	vcvt.f32.s32 v1;
	v5 =	vtrunc.f32 v7  }
0x110: {  	[tilespmem:s31+$0x0] =	vst v6;
	v2 =	vtrunc.f32 v2;
	v4 =	vcvt.f32.s32 v5  }
0x111: {  	v2 =	vcvt.f32.s32 v2;
	[tilespmem:s31+$0xFFFFFFE0] =	vst v1  }
0x112: {  	[tilespmem:s31+$0xFFFFFFD0] =	vst v4  }
0x113: {  	[tilespmem:s31+$0xFFFFFFC0] =	vst v2  }
0x114: {  	_ =	swait.ge [sflag:s17], $0x2000  }
0x115: {  	[sflag:s17] =	ssyncset.done $0x0  }
0x116: {  	s4 =	simm.s32 $0x10C98;
	s0 =	rddreg [dreg:$0x1b];
	[sflag:s17] =	ssyncadd.s32 $0xFFFFE000  }
0x117: {  	[spmem:s0] =	stream.linear.scatter [tilespmem:s15], [sflag:$0x8], $0x2000, $0x38;
	[tilespmem:$0x1F428] =	vst v63  }
0x118: {  	v1 =	vld [tilespmem:s4+$0xFFFFFFA0]  }
0x119: {  	v2 =	vld [tilespmem:s4+$0xFFFFFFF0]  }
0x11a: {  	v3 =	vld [tilespmem:s4+$0x0]  }
0x11b: {  	v4 =	vld [tilespmem:s4+$0xFFFFFFB0]  }
0x11c: {  	v5 =	vld [tilespmem:s4+$0xFFFFFFE0]  }
0x11d: {  	v6 =	vld [tilespmem:s4+$0xFFFFFFD0]  }
0x11e: {  	v7 =	vld [tilespmem:s4+$0xFFFFFF90]  }
0x11f: {  	v8 =	vld [tilespmem:s4+$0xFFFFFFC0];
	_ =	sdelay $0x1  }
0x120: {  	v1 =	vmax.f32 v1, $-9.990000120e-01;
	v2 =	vmax.f32 v2, $-9.990000120e-01;
	v3 =	vmax.f32 v3, $-9.990000120e-01  }
0x121: {  	s4 =	simm.s32 $0x10D18;
	v4 =	vmax.f32 v4, $-9.990000120e-01;
	v1 =	vmin.f32 v1, $9.990000120e-01;
	v2 =	vmin.f32 v2, $9.990000120e-01  }
0x122: {  	v11 =	vld [tilespmem:s4+$0xFFFFFFF0];
	v5 =	vmax.f32 v5, $-9.990000120e-01;
	v1 =	vadd.f32 $1.000000000e+00, v1;
	v2 =	vadd.f32 $1.000000000e+00, v2  }
0x123: {  	v7 =	vmax.f32 v7, $-9.990000120e-01;
	v6 =	vmax.f32 v6, $-9.990000120e-01;
	v8 =	vmax.f32 v8, $-9.990000120e-01  }
0x124: {  	v4 =	vmin.f32 v4, $9.990000120e-01;
	v1 =	vmul.f32 v1, v0;
	v2 =	vmul.f32 v2, v0  }
0x125: {  	v10 =	vld [tilespmem:s4+$0x0];
	v3 =	vmin.f32 v3, $9.990000120e-01;
	v5 =	vmin.f32 v5, $9.990000120e-01;
	v4 =	vadd.f32 $1.000000000e+00, v4  }
0x126: {  	v6 =	vmin.f32 v6, $9.990000120e-01;
	v1 =	vmul.f32 $1.000000000e+06, v1;
	v2 =	vmul.f32 $1.000000000e+06, v2  }
0x127: {  	v8 =	vmin.f32 v8, $9.990000120e-01;
	v11 =	vmax.f32 v11, $-9.990000120e-01;
	v4 =	vmul.f32 v4, v0  }
0x128: {  	v9 =	vtrunc.f32 v1;
	v1 =	vmin.f32 v7, $9.990000120e-01;
	v2 =	vtrunc.f32 v2  }
0x129: {  	v4 =	vmul.f32 $1.000000000e+06, v4;
	v7 =	vadd.f32 $1.000000000e+00, v1;
	v1 =	vcvt.f32.s32 v2;
	v2 =	vld [tilespmem:s4+$0xFFFFFFA0]  }
0x12a: {  	v10 =	vmax.f32 v10, $-9.990000120e-01;
	v3 =	vadd.f32 $1.000000000e+00, v3;
	v6 =	vadd.f32 $1.000000000e+00, v6  }
0x12b: {  	v8 =	vadd.f32 $1.000000000e+00, v8;
	v5 =	vadd.f32 $1.000000000e+00, v5;
	v4 =	vtrunc.f32 v4  }
0x12c: {  	v10 =	vmin.f32 v10, $9.990000120e-01;
	v3 =	vmul.f32 v3, v0;
	v12 =	vcvt.f32.s32 v4;
	v4 =	vld [tilespmem:s4+$0xFFFFFFB0]  }
0x12d: {  	v11 =	vmin.f32 v11, $9.990000120e-01;
	v6 =	vmul.f32 v6, v0;
	v7 =	vmul.f32 v7, v0  }
0x12e: {  	v5 =	vmul.f32 v5, v0;
	v3 =	vmul.f32 $1.000000000e+06, v3;
	v2 =	vmax.f32 v2, $-9.990000120e-01  }
0x12f: {  	v13 =	vld [tilespmem:s4+$0xFFFFFFE0];
	v8 =	vmul.f32 v8, v0;
	v7 =	vmul.f32 $1.000000000e+06, v7;
	v2 =	vmin.f32 v2, $9.990000120e-01  }
0x130: {  	v16 =	vld [tilespmem:s4+$0xFFFFFF90];
	v6 =	vmul.f32 $1.000000000e+06, v6;
	v3 =	vtrunc.f32 v3;
	v2 =	vadd.f32 $1.000000000e+00, v2  }
0x131: {  	v9 =	vcvt.f32.s32 v9;
	v4 =	vmax.f32 v4, $-9.990000120e-01;
	v7 =	vtrunc.f32 v7  }
0x132: {  	v15 =	vcvt.f32.s32 v7;
	v7 =	vadd.f32 $1.000000000e+00, v11;
	v2 =	vmul.f32 v2, v0  }
0x133: {  	v11 =	vmin.f32 v4, $9.990000120e-01;
	v4 =	vtrunc.f32 v6;
	v6 =	vmul.f32 $1.000000000e+06, v8  }
0x134: {  	v14 =	vld [tilespmem:s4+$0xFFFFFFD0];
	v8 =	vmax.f32 v13, $-9.990000120e-01;
	v17 =	vmul.f32 v7, v0;
	v2 =	vmul.f32 $1.000000000e+06, v2  }
0x135: {  	v13 =	vmul.f32 $1.000000000e+06, v5;
	v5 =	vmax.f32 v16, $-9.990000120e-01;
	v7 =	vadd.f32 $1.000000000e+00, v11  }
0x136: {  	s30 =	simm.s32 $0x14C98;
	v11 =	vmul.f32 $1.000000000e+06, v17;
	v63 =	vtrunc.f32 v2;
	v2 =	vmin.f32 v5, $9.990000120e-01  }
0x137: {  	v10 =	vadd.f32 $1.000000000e+00, v10;
	v3 =	vcvt.f32.s32 v3;
	[tilespmem:s30+$0xFFFFFFA0] =	vst v9;
	v9 =	vadd.f32 $1.000000000e+00, v2;
	v2 =	vld [tilespmem:s4+$0xFFFFFFC0]  }
0x138: {  	[tilespmem:s30+$0xFFFFFFB0] =	vst v12;
	v5 =	vmin.f32 v8, $9.990000120e-01;
	v8 =	vtrunc.f32 v11  }
0x139: {  	s2 =	simm.s32 $0x14D18;
	s31 =	simm.s32 $0x14D18;
	v14 =	vmax.f32 v14, $-9.990000120e-01;
	v10 =	vmul.f32 v10, v0;
	[tilespmem:s30+$0x0] =	vst v3;
	v3 =	vcvt.f32.s32 v8  }
0x13a: {  	s0 =	simm.s32 $0x1880;
	v12 =	vmin.f32 v14, $9.990000120e-01;
	[tilespmem:s30+$0xFFFFFF90] =	vst v15;
	v11 =	vcvt.f32.s32 v63;
	s4 =	simm.s32 $0x10D98;
	v8 =	vtrunc.f32 v13  }
.LBB2_8:
0x13b: {  	v7 =	vmul.f32 v7, v0  }
0x13c: {  	v13 =	vld [tilespmem:s4+$0xFFFFFFA0];
	s0 =	sadd.s32 $0x80, s0;
	v12 =	vadd.f32 $1.000000000e+00, v12;
	s2 =	sadd.s32 $0x80, s2;
	v6 =	vtrunc.f32 v6;
	v2 =	vmax.f32 v2, $-9.990000120e-01  }
0x13d: {  	v9 =	vmul.f32 v9, v0;
	v10 =	vmul.f32 $1.000000000e+06, v10;
	v14 =	vld [tilespmem:s4+$0x0];
	p2 =	slt.u32 s0, $0x1F80;
	[tilespmem:s31+$0xFFFFFFA0] =	vst v11  }
0x13e: {  	v4 =	vcvt.f32.s32 v4;
	v2 =	vmin.f32 v2, $9.990000120e-01;
	v11 =	vld [tilespmem:s4+$0xFFFFFFF0];
	v7 =	vmul.f32 $1.000000000e+06, v7  }
0x13f: {  	v6 =	vcvt.f32.s32 v6;
	v9 =	vmul.f32 $1.000000000e+06, v9;
	v16 =	vadd.f32 $1.000000000e+00, v2;
	v15 =	vld [tilespmem:s4+$0xFFFFFFE0];
	[tilespmem:s30+$0xFFFFFFF0] =	vst v1;
	v1 =	vmovc v3  }
0x140: {  	v5 =	vadd.f32 $1.000000000e+00, v5;
	v3 =	vld [tilespmem:s4+$0xFFFFFFD0];
	v7 =	vtrunc.f32 v7;
	[tilespmem:s30+$0xFFFFFFD0] =	vst v4;
	v4 =	vcvt.f32.s32 v8  }
0x141: {  	v10 =	vtrunc.f32 v10;
	v8 =	vmax.f32 v13, $-9.990000120e-01;
	v2 =	vld [tilespmem:s4+$0xFFFFFFC0];
	v7 =	vcvt.f32.s32 v7;
	[tilespmem:s30+$0xFFFFFFC0] =	vst v6  }
0x142: {  	v12 =	vmul.f32 v12, v0;
	v9 =	vtrunc.f32 v9;
	v6 =	vld [tilespmem:s4+$0xFFFFFFB0];
	[tilespmem:s30+$0xFFFFFFE0] =	vst v4;
	s30 =	smov.u32 s31;
	s31 =	smov.u32 s2  }
0x143: {  	v5 =	vmul.f32 v5, v0;
	v4 =	vmax.f32 v11, $-9.990000120e-01;
	v11 =	vmax.f32 v14, $-9.990000120e-01  }
0x144: {  	v8 =	vmin.f32 v8, $9.990000120e-01;
	v11 =	vmin.f32 v11, $9.990000120e-01;
	[tilespmem:s30+$0xFFFFFFB0] =	vst v7;
	v7 =	vcvt.f32.s32 v10  }
0x145: {  	v9 =	vcvt.f32.s32 v9;
	v8 =	vadd.f32 $1.000000000e+00, v8;
	v4 =	vmin.f32 v4, $9.990000120e-01  }
0x146: {  	v12 =	vmul.f32 $1.000000000e+06, v12;
	v4 =	vadd.f32 $1.000000000e+00, v4;
	v11 =	vadd.f32 $1.000000000e+00, v11;
	v10 =	vld [tilespmem:s4+$0xFFFFFF90];
	[tilespmem:s30+$0x0] =	vst v7  }
0x147: {  	v7 =	vmul.f32 v8, v0;
	v8 =	vmul.f32 v16, v0;
	v6 =	vmax.f32 v6, $-9.990000120e-01  }
0x148: {  	v13 =	vmul.f32 v4, v0;
	v4 =	vtrunc.f32 v12;
	v6 =	vmin.f32 v6, $9.990000120e-01;
	[tilespmem:s30+$0xFFFFFF90] =	vst v9  }
0x149: {  	v9 =	vmul.f32 $1.000000000e+06, v7;
	v7 =	vadd.f32 $1.000000000e+00, v6;
	v6 =	vmul.f32 $1.000000000e+06, v8  }
.Ltmp3:
0x14a: {  	v8 =	vmax.f32 v15, $-9.990000120e-01;
	v12 =	vmul.f32 $1.000000000e+06, v13;
	v13 =	vmul.f32 $1.000000000e+06, v5;
	(pc) =	sbr.rel @p2 .LBB2_8-.Ltmp3, $4  }
0x14b: {  	v15 =	vmax.f32 v3, $-9.990000120e-01;
	v14 =	vtrunc.f32 v9;
	v5 =	vmax.f32 v10, $-9.990000120e-01  }
0x14c: {  	v3 =	vmin.f32 v5, $9.990000120e-01;
	v5 =	vmin.f32 v8, $9.990000120e-01;
	v8 =	vtrunc.f32 v12  }
0x14d: {  	v10 =	vmul.f32 v11, v0;
	v9 =	vadd.f32 $1.000000000e+00, v3;
	v3 =	vcvt.f32.s32 v8  }
0x14e: {  	s4 =	sadd.s32 $0x80, s4;
	v11 =	vcvt.f32.s32 v14;
	v12 =	vmin.f32 v15, $9.990000120e-01;
	v8 =	vtrunc.f32 v13  }
0x14f: {  	v7 =	vmul.f32 v7, v0;
	v6 =	vtrunc.f32 v6;
	v12 =	vadd.f32 $1.000000000e+00, v12  }
0x150: {  	v9 =	vmul.f32 v9, v0;
	v10 =	vmul.f32 $1.000000000e+06, v10;
	v2 =	vmax.f32 v2, $-9.990000120e-01  }
0x151: {  	v4 =	vcvt.f32.s32 v4;
	v8 =	vcvt.f32.s32 v8;
	[tilespmem:s30+$0xFFFFFFF0] =	vst v1;
	v1 =	vadd.f32 $1.000000000e+00, v5  }
0x152: {  	v2 =	vmin.f32 v2, $9.990000120e-01;
	v7 =	vmul.f32 $1.000000000e+06, v7;
	v9 =	vmul.f32 $1.000000000e+06, v9  }
0x153: {  	v6 =	vcvt.f32.s32 v6;
	v2 =	vadd.f32 $1.000000000e+00, v2;
	v1 =	vmul.f32 v1, v0  }
0x154: {  	[tilespmem:s30+$0xFFFFFFD0] =	vst v4;
	v7 =	vtrunc.f32 v7;
	v4 =	vtrunc.f32 v9  }
0x155: {  	[tilespmem:s31+$0xFFFFFFF0] =	vst v3;
	v9 =	vmul.f32 v12, v0;
	v2 =	vmul.f32 v2, v0  }
0x156: {  	[tilespmem:s31+$0xFFFFFFA0] =	vst v11;
	v1 =	vmul.f32 $1.000000000e+06, v1;
	v5 =	vcvt.f32.s32 v7  }
0x157: {  	[tilespmem:s30+$0xFFFFFFE0] =	vst v8;
	v7 =	vtrunc.f32 v10;
	v4 =	vcvt.f32.s32 v4  }
0x158: {  	[tilespmem:s30+$0xFFFFFFC0] =	vst v6;
	v6 =	vcvt.f32.s32 v7;
	v7 =	vmul.f32 $1.000000000e+06, v9  }
0x159: {  	v2 =	vmul.f32 $1.000000000e+06, v2;
	v1 =	vtrunc.f32 v1;
	[tilespmem:s31+$0xFFFFFFB0] =	vst v5  }
0x15a: {  	[tilespmem:s31+$0xFFFFFF90] =	vst v4;
	v1 =	vcvt.f32.s32 v1;
	v5 =	vtrunc.f32 v7  }
0x15b: {  	[tilespmem:s31+$0x0] =	vst v6;
	v2 =	vtrunc.f32 v2;
	v4 =	vcvt.f32.s32 v5  }
0x15c: {  	v2 =	vcvt.f32.s32 v2;
	[tilespmem:s31+$0xFFFFFFE0] =	vst v1  }
0x15d: {  	[tilespmem:s31+$0xFFFFFFD0] =	vst v4  }
0x15e: {  	[tilespmem:s31+$0xFFFFFFC0] =	vst v2  }
0x15f: {  	_ =	swait.ge [sflag:s17], $0x2000  }
0x160: {  	[sflag:s17] =	ssyncset.done $0x0  }
0x161: {  	s2 =	simm.s32 $0x1D428;
	s0 =	rddreg [dreg:$0x1c];
	[sflag:s17] =	ssyncadd.s32 $0xFFFFE000  }
0x162: {  	[spmem:s0] =	stream.linear.scatter [tilespmem:s2], [sflag:$0x8], $0x2000, $0x38;
	[tilespmem:$0x1F428] =	vst v63  }
0x163: {  	_ =	swait.ge [sflag:s18], $0x2000  }
0x164: {  	[sflag:s18] =	ssyncset.done $0x0  }
0x165: {  	s2 =	rddreg [dreg:$0x1d];
	[sflag:s18] =	ssyncadd.s32 $0xFFFFE000  }
0x166: {  	[tilespmem:s13], [sflag:$0x7] =	stream.linear.gather [hbm4b:s2+s3], $0x2000, $0x38;
	[tilespmem:$0x1F428] =	vst v63  }
0x167: {  	_ =	swait.ge [sflag:s19], $0x2000  }
0x168: {  	[sflag:s19] =	ssyncset.done $0x0  }
0x169: {  	s4 =	simm.s32 $0x11468;
	[sflag:s19] =	ssyncadd.s32 $0xFFFFE000  }
0x16a: {  	v1 =	vld [tilespmem:s4+$0xFFFFFFD0]  }
0x16b: {  	v2 =	vld [tilespmem:s4+$0x20]  }
0x16c: {  	v3 =	vld [tilespmem:s4+$0x30]  }
0x16d: {  	v4 =	vld [tilespmem:s4+$0xFFFFFFE0]  }
0x16e: {  	v5 =	vld [tilespmem:s4+$0x10]  }
0x16f: {  	v6 =	vld [tilespmem:s4+$0x0]  }
0x170: {  	v7 =	vld [tilespmem:s4+$0xFFFFFFC0]  }
0x171: {  	v8 =	vld [tilespmem:s4+$0xFFFFFFF0];
	_ =	sdelay $0x1  }
0x172: {  	v1 =	vmax.f32 v1, $-9.990000120e-01;
	v2 =	vmax.f32 v2, $-9.990000120e-01;
	v3 =	vmax.f32 v3, $-9.990000120e-01  }
0x173: {  	s4 =	simm.s32 $0x114E8;
	v4 =	vmax.f32 v4, $-9.990000120e-01;
	v1 =	vmin.f32 v1, $9.990000120e-01;
	v2 =	vmin.f32 v2, $9.990000120e-01  }
0x174: {  	v11 =	vld [tilespmem:s4+$0x20];
	v5 =	vmax.f32 v5, $-9.990000120e-01;
	v1 =	vadd.f32 $1.000000000e+00, v1;
	v2 =	vadd.f32 $1.000000000e+00, v2  }
0x175: {  	v7 =	vmax.f32 v7, $-9.990000120e-01;
	v6 =	vmax.f32 v6, $-9.990000120e-01;
	v8 =	vmax.f32 v8, $-9.990000120e-01  }
0x176: {  	v4 =	vmin.f32 v4, $9.990000120e-01;
	v1 =	vmul.f32 v1, v0;
	v2 =	vmul.f32 v2, v0  }
0x177: {  	v10 =	vld [tilespmem:s4+$0x30];
	v3 =	vmin.f32 v3, $9.990000120e-01;
	v5 =	vmin.f32 v5, $9.990000120e-01;
	v4 =	vadd.f32 $1.000000000e+00, v4  }
0x178: {  	v6 =	vmin.f32 v6, $9.990000120e-01;
	v1 =	vmul.f32 $1.000000000e+06, v1;
	v2 =	vmul.f32 $1.000000000e+06, v2  }
0x179: {  	v8 =	vmin.f32 v8, $9.990000120e-01;
	v11 =	vmax.f32 v11, $-9.990000120e-01;
	v4 =	vmul.f32 v4, v0  }
0x17a: {  	v9 =	vtrunc.f32 v1;
	v1 =	vmin.f32 v7, $9.990000120e-01;
	v2 =	vtrunc.f32 v2  }
0x17b: {  	v4 =	vmul.f32 $1.000000000e+06, v4;
	v7 =	vadd.f32 $1.000000000e+00, v1;
	v1 =	vcvt.f32.s32 v2;
	v2 =	vld [tilespmem:s4+$0xFFFFFFD0]  }
0x17c: {  	v10 =	vmax.f32 v10, $-9.990000120e-01;
	v3 =	vadd.f32 $1.000000000e+00, v3;
	v6 =	vadd.f32 $1.000000000e+00, v6  }
0x17d: {  	v8 =	vadd.f32 $1.000000000e+00, v8;
	v5 =	vadd.f32 $1.000000000e+00, v5;
	v4 =	vtrunc.f32 v4  }
0x17e: {  	v10 =	vmin.f32 v10, $9.990000120e-01;
	v3 =	vmul.f32 v3, v0;
	v12 =	vcvt.f32.s32 v4;
	v4 =	vld [tilespmem:s4+$0xFFFFFFE0]  }
0x17f: {  	v11 =	vmin.f32 v11, $9.990000120e-01;
	v6 =	vmul.f32 v6, v0;
	v7 =	vmul.f32 v7, v0  }
0x180: {  	v5 =	vmul.f32 v5, v0;
	v3 =	vmul.f32 $1.000000000e+06, v3;
	v2 =	vmax.f32 v2, $-9.990000120e-01  }
0x181: {  	v13 =	vld [tilespmem:s4+$0x10];
	v8 =	vmul.f32 v8, v0;
	v7 =	vmul.f32 $1.000000000e+06, v7;
	v2 =	vmin.f32 v2, $9.990000120e-01  }
0x182: {  	v16 =	vld [tilespmem:s4+$0xFFFFFFC0];
	v6 =	vmul.f32 $1.000000000e+06, v6;
	v3 =	vtrunc.f32 v3;
	v2 =	vadd.f32 $1.000000000e+00, v2  }
0x183: {  	v9 =	vcvt.f32.s32 v9;
	v4 =	vmax.f32 v4, $-9.990000120e-01;
	v7 =	vtrunc.f32 v7  }
0x184: {  	v15 =	vcvt.f32.s32 v7;
	v7 =	vadd.f32 $1.000000000e+00, v11;
	v2 =	vmul.f32 v2, v0  }
0x185: {  	v11 =	vmin.f32 v4, $9.990000120e-01;
	v4 =	vtrunc.f32 v6;
	v6 =	vmul.f32 $1.000000000e+06, v8  }
0x186: {  	v14 =	vld [tilespmem:s4+$0x0];
	v8 =	vmax.f32 v13, $-9.990000120e-01;
	v17 =	vmul.f32 v7, v0;
	v2 =	vmul.f32 $1.000000000e+06, v2  }
0x187: {  	v13 =	vmul.f32 $1.000000000e+06, v5;
	v5 =	vmax.f32 v16, $-9.990000120e-01;
	v7 =	vadd.f32 $1.000000000e+00, v11  }
0x188: {  	s30 =	simm.s32 $0x15468;
	v11 =	vmul.f32 $1.000000000e+06, v17;
	v63 =	vtrunc.f32 v2;
	v2 =	vmin.f32 v5, $9.990000120e-01  }
0x189: {  	v10 =	vadd.f32 $1.000000000e+00, v10;
	v3 =	vcvt.f32.s32 v3;
	[tilespmem:s30+$0xFFFFFFD0] =	vst v9;
	v9 =	vadd.f32 $1.000000000e+00, v2;
	v2 =	vld [tilespmem:s4+$0xFFFFFFF0]  }
0x18a: {  	[tilespmem:s30+$0xFFFFFFE0] =	vst v12;
	v5 =	vmin.f32 v8, $9.990000120e-01;
	v8 =	vtrunc.f32 v11  }
0x18b: {  	s31 =	simm.s32 $0x154E8;
	v14 =	vmax.f32 v14, $-9.990000120e-01;
	v10 =	vmul.f32 v10, v0;
	[tilespmem:s30+$0x30] =	vst v3;
	v3 =	vcvt.f32.s32 v8  }
0x18c: {  	s0 =	simm.s32 $0x80;
	s2 =	simm.s32 $0x154E8;
	v12 =	vmin.f32 v14, $9.990000120e-01;
	[tilespmem:s30+$0xFFFFFFC0] =	vst v15;
	v11 =	vcvt.f32.s32 v63;
	s4 =	simm.s32 $0x11568;
	v8 =	vtrunc.f32 v13  }
.LBB2_10:
0x18d: {  	v13 =	vld [tilespmem:s4+$0xFFFFFFD0];
	s0 =	sadd.s32 $0x80, s0;
	v7 =	vmul.f32 v7, v0;
	v12 =	vadd.f32 $1.000000000e+00, v12;
	s2 =	sadd.s32 $0x80, s2;
	v6 =	vtrunc.f32 v6  }
0x18e: {  	v9 =	vmul.f32 v9, v0;
	v2 =	vmax.f32 v2, $-9.990000120e-01;
	v10 =	vmul.f32 $1.000000000e+06, v10;
	v14 =	vld [tilespmem:s4+$0x30];
	[tilespmem:s31+$0xFFFFFFD0] =	vst v11  }
0x18f: {  	v4 =	vcvt.f32.s32 v4;
	p2 =	slt.u32 s0, $0x780;
	v2 =	vmin.f32 v2, $9.990000120e-01;
	v11 =	vld [tilespmem:s4+$0x20];
	v7 =	vmul.f32 $1.000000000e+06, v7  }
0x190: {  	v6 =	vcvt.f32.s32 v6;
	v9 =	vmul.f32 $1.000000000e+06, v9;
	v16 =	vadd.f32 $1.000000000e+00, v2;
	v15 =	vld [tilespmem:s4+$0x10];
	[tilespmem:s30+$0x20] =	vst v1;
	v1 =	vmovc v3  }
0x191: {  	v5 =	vadd.f32 $1.000000000e+00, v5;
	v3 =	vld [tilespmem:s4+$0x0];
	v7 =	vtrunc.f32 v7;
	[tilespmem:s30+$0x0] =	vst v4;
	v4 =	vcvt.f32.s32 v8  }
0x192: {  	v10 =	vtrunc.f32 v10;
	v8 =	vmax.f32 v13, $-9.990000120e-01;
	v2 =	vld [tilespmem:s4+$0xFFFFFFF0];
	v7 =	vcvt.f32.s32 v7;
	[tilespmem:s30+$0xFFFFFFF0] =	vst v6  }
0x193: {  	v12 =	vmul.f32 v12, v0;
	v9 =	vtrunc.f32 v9;
	v6 =	vld [tilespmem:s4+$0xFFFFFFE0];
	[tilespmem:s30+$0x10] =	vst v4;
	s30 =	smov.u32 s31;
	s31 =	smov.u32 s2  }
0x194: {  	v5 =	vmul.f32 v5, v0;
	v4 =	vmax.f32 v11, $-9.990000120e-01;
	v11 =	vmax.f32 v14, $-9.990000120e-01  }
0x195: {  	v8 =	vmin.f32 v8, $9.990000120e-01;
	v11 =	vmin.f32 v11, $9.990000120e-01;
	[tilespmem:s30+$0xFFFFFFE0] =	vst v7;
	v7 =	vcvt.f32.s32 v10  }
0x196: {  	v9 =	vcvt.f32.s32 v9;
	v8 =	vadd.f32 $1.000000000e+00, v8;
	v4 =	vmin.f32 v4, $9.990000120e-01  }
0x197: {  	v12 =	vmul.f32 $1.000000000e+06, v12;
	v4 =	vadd.f32 $1.000000000e+00, v4;
	v11 =	vadd.f32 $1.000000000e+00, v11;
	v10 =	vld [tilespmem:s4+$0xFFFFFFC0];
	[tilespmem:s30+$0x30] =	vst v7  }
0x198: {  	v7 =	vmul.f32 v8, v0;
	v8 =	vmul.f32 v16, v0;
	v6 =	vmax.f32 v6, $-9.990000120e-01  }
0x199: {  	v13 =	vmul.f32 v4, v0;
	v4 =	vtrunc.f32 v12;
	v6 =	vmin.f32 v6, $9.990000120e-01;
	[tilespmem:s30+$0xFFFFFFC0] =	vst v9  }
0x19a: {  	v9 =	vmul.f32 $1.000000000e+06, v7;
	v7 =	vadd.f32 $1.000000000e+00, v6;
	v6 =	vmul.f32 $1.000000000e+06, v8  }
.Ltmp4:
0x19b: {  	v8 =	vmax.f32 v15, $-9.990000120e-01;
	v12 =	vmul.f32 $1.000000000e+06, v13;
	v13 =	vmul.f32 $1.000000000e+06, v5;
	(pc) =	sbr.rel @p2 .LBB2_10-.Ltmp4, $4  }
0x19c: {  	v15 =	vmax.f32 v3, $-9.990000120e-01;
	v14 =	vtrunc.f32 v9;
	v5 =	vmax.f32 v10, $-9.990000120e-01  }
0x19d: {  	v3 =	vmin.f32 v5, $9.990000120e-01;
	v5 =	vmin.f32 v8, $9.990000120e-01;
	v8 =	vtrunc.f32 v12  }
0x19e: {  	v10 =	vmul.f32 v11, v0;
	v9 =	vadd.f32 $1.000000000e+00, v3;
	v3 =	vcvt.f32.s32 v8  }
0x19f: {  	s4 =	sadd.s32 $0x80, s4;
	v11 =	vcvt.f32.s32 v14;
	v12 =	vmin.f32 v15, $9.990000120e-01;
	v8 =	vtrunc.f32 v13  }
0x1a0: {  	v7 =	vmul.f32 v7, v0;
	v6 =	vtrunc.f32 v6;
	v12 =	vadd.f32 $1.000000000e+00, v12  }
0x1a1: {  	v9 =	vmul.f32 v9, v0;
	v10 =	vmul.f32 $1.000000000e+06, v10;
	v2 =	vmax.f32 v2, $-9.990000120e-01  }
0x1a2: {  	v4 =	vcvt.f32.s32 v4;
	v8 =	vcvt.f32.s32 v8;
	[tilespmem:s30+$0x20] =	vst v1;
	v1 =	vadd.f32 $1.000000000e+00, v5  }
0x1a3: {  	v2 =	vmin.f32 v2, $9.990000120e-01;
	v7 =	vmul.f32 $1.000000000e+06, v7;
	v9 =	vmul.f32 $1.000000000e+06, v9  }
0x1a4: {  	v6 =	vcvt.f32.s32 v6;
	v2 =	vadd.f32 $1.000000000e+00, v2;
	v1 =	vmul.f32 v1, v0  }
0x1a5: {  	[tilespmem:s30+$0x0] =	vst v4;
	v7 =	vtrunc.f32 v7;
	v4 =	vtrunc.f32 v9  }
0x1a6: {  	[tilespmem:s31+$0x20] =	vst v3;
	v9 =	vmul.f32 v12, v0;
	v2 =	vmul.f32 v2, v0  }
0x1a7: {  	[tilespmem:s31+$0xFFFFFFD0] =	vst v11;
	v1 =	vmul.f32 $1.000000000e+06, v1;
	v5 =	vcvt.f32.s32 v7  }
0x1a8: {  	[tilespmem:s30+$0x10] =	vst v8;
	v7 =	vtrunc.f32 v10;
	v4 =	vcvt.f32.s32 v4  }
0x1a9: {  	[tilespmem:s30+$0xFFFFFFF0] =	vst v6;
	v6 =	vcvt.f32.s32 v7;
	v7 =	vmul.f32 $1.000000000e+06, v9  }
0x1aa: {  	v2 =	vmul.f32 $1.000000000e+06, v2;
	v1 =	vtrunc.f32 v1;
	[tilespmem:s31+$0xFFFFFFE0] =	vst v5  }
0x1ab: {  	[tilespmem:s31+$0xFFFFFFC0] =	vst v4;
	v1 =	vcvt.f32.s32 v1;
	v5 =	vtrunc.f32 v7  }
0x1ac: {  	[tilespmem:s31+$0x30] =	vst v6;
	v2 =	vtrunc.f32 v2;
	v4 =	vcvt.f32.s32 v5  }
0x1ad: {  	v2 =	vcvt.f32.s32 v2;
	[tilespmem:s31+$0x10] =	vst v1  }
0x1ae: {  	[tilespmem:s31+$0x0] =	vst v4  }
0x1af: {  	[tilespmem:s31+$0xFFFFFFF0] =	vst v2  }
0x1b0: {  	_ =	swait.ge [sflag:s17], $0x2000  }
0x1b1: {  	[sflag:s17] =	ssyncset.done $0x0  }
0x1b2: {  	s0 =	rddreg [dreg:$0x1e];
	[sflag:s17] =	ssyncadd.s32 $0xFFFFE000  }
0x1b3: {  	[spmem:s0] =	stream.linear.scatter [tilespmem:s13], [sflag:$0x8], $0x2000, $0x38;
	[tilespmem:$0x1F428] =	vst v63  }
0x1b4: {  	_ =	swait.ge [sflag:s18], $0x2000  }
0x1b5: {  	[sflag:s18] =	ssyncset.done $0x0  }
0x1b6: {  	s4 =	simm.s32 $0x11C98;
	s2 =	rddreg [dreg:$0x1f];
	[sflag:s18] =	ssyncadd.s32 $0xFFFFE000  }
0x1b7: {  	[tilespmem:s14], [sflag:$0x7] =	stream.linear.gather [hbm4b:s2+s3], $0x2000, $0x38;
	[tilespmem:$0x1F428] =	vst v63  }
0x1b8: {  	v1 =	vld [tilespmem:s4+$0xFFFFFFA0]  }
0x1b9: {  	v2 =	vld [tilespmem:s4+$0xFFFFFFF0]  }
0x1ba: {  	v3 =	vld [tilespmem:s4+$0x0]  }
0x1bb: {  	v4 =	vld [tilespmem:s4+$0xFFFFFFB0]  }
0x1bc: {  	v5 =	vld [tilespmem:s4+$0xFFFFFFE0]  }
0x1bd: {  	v6 =	vld [tilespmem:s4+$0xFFFFFFD0]  }
0x1be: {  	v7 =	vld [tilespmem:s4+$0xFFFFFF90]  }
0x1bf: {  	v8 =	vld [tilespmem:s4+$0xFFFFFFC0];
	_ =	sdelay $0x1  }
0x1c0: {  	v1 =	vmax.f32 v1, $-9.990000120e-01;
	v2 =	vmax.f32 v2, $-9.990000120e-01;
	v3 =	vmax.f32 v3, $-9.990000120e-01  }
0x1c1: {  	s4 =	simm.s32 $0x11D18;
	v4 =	vmax.f32 v4, $-9.990000120e-01;
	v1 =	vmin.f32 v1, $9.990000120e-01;
	v2 =	vmin.f32 v2, $9.990000120e-01  }
0x1c2: {  	v11 =	vld [tilespmem:s4+$0xFFFFFFF0];
	v5 =	vmax.f32 v5, $-9.990000120e-01;
	v1 =	vadd.f32 $1.000000000e+00, v1;
	v2 =	vadd.f32 $1.000000000e+00, v2  }
0x1c3: {  	v7 =	vmax.f32 v7, $-9.990000120e-01;
	v6 =	vmax.f32 v6, $-9.990000120e-01;
	v8 =	vmax.f32 v8, $-9.990000120e-01  }
0x1c4: {  	v4 =	vmin.f32 v4, $9.990000120e-01;
	v1 =	vmul.f32 v1, v0;
	v2 =	vmul.f32 v2, v0  }
0x1c5: {  	v10 =	vld [tilespmem:s4+$0x0];
	v3 =	vmin.f32 v3, $9.990000120e-01;
	v5 =	vmin.f32 v5, $9.990000120e-01;
	v4 =	vadd.f32 $1.000000000e+00, v4  }
0x1c6: {  	v6 =	vmin.f32 v6, $9.990000120e-01;
	v1 =	vmul.f32 $1.000000000e+06, v1;
	v2 =	vmul.f32 $1.000000000e+06, v2  }
0x1c7: {  	v8 =	vmin.f32 v8, $9.990000120e-01;
	v11 =	vmax.f32 v11, $-9.990000120e-01;
	v4 =	vmul.f32 v4, v0  }
0x1c8: {  	v9 =	vtrunc.f32 v1;
	v1 =	vmin.f32 v7, $9.990000120e-01;
	v2 =	vtrunc.f32 v2  }
0x1c9: {  	v4 =	vmul.f32 $1.000000000e+06, v4;
	v7 =	vadd.f32 $1.000000000e+00, v1;
	v1 =	vcvt.f32.s32 v2;
	v2 =	vld [tilespmem:s4+$0xFFFFFFA0]  }
0x1ca: {  	v10 =	vmax.f32 v10, $-9.990000120e-01;
	v3 =	vadd.f32 $1.000000000e+00, v3;
	v6 =	vadd.f32 $1.000000000e+00, v6  }
0x1cb: {  	v8 =	vadd.f32 $1.000000000e+00, v8;
	v5 =	vadd.f32 $1.000000000e+00, v5;
	v4 =	vtrunc.f32 v4  }
0x1cc: {  	v10 =	vmin.f32 v10, $9.990000120e-01;
	v3 =	vmul.f32 v3, v0;
	v12 =	vcvt.f32.s32 v4;
	v4 =	vld [tilespmem:s4+$0xFFFFFFB0]  }
0x1cd: {  	v11 =	vmin.f32 v11, $9.990000120e-01;
	v6 =	vmul.f32 v6, v0;
	v7 =	vmul.f32 v7, v0  }
0x1ce: {  	v5 =	vmul.f32 v5, v0;
	v3 =	vmul.f32 $1.000000000e+06, v3;
	v2 =	vmax.f32 v2, $-9.990000120e-01  }
0x1cf: {  	v13 =	vld [tilespmem:s4+$0xFFFFFFE0];
	v8 =	vmul.f32 v8, v0;
	v7 =	vmul.f32 $1.000000000e+06, v7;
	v2 =	vmin.f32 v2, $9.990000120e-01  }
0x1d0: {  	v16 =	vld [tilespmem:s4+$0xFFFFFF90];
	v6 =	vmul.f32 $1.000000000e+06, v6;
	v3 =	vtrunc.f32 v3;
	v2 =	vadd.f32 $1.000000000e+00, v2  }
0x1d1: {  	v9 =	vcvt.f32.s32 v9;
	v4 =	vmax.f32 v4, $-9.990000120e-01;
	v7 =	vtrunc.f32 v7  }
0x1d2: {  	v15 =	vcvt.f32.s32 v7;
	v7 =	vadd.f32 $1.000000000e+00, v11;
	v2 =	vmul.f32 v2, v0  }
0x1d3: {  	v11 =	vmin.f32 v4, $9.990000120e-01;
	v4 =	vtrunc.f32 v6;
	v6 =	vmul.f32 $1.000000000e+06, v8  }
0x1d4: {  	v14 =	vld [tilespmem:s4+$0xFFFFFFD0];
	v8 =	vmax.f32 v13, $-9.990000120e-01;
	v17 =	vmul.f32 v7, v0;
	v2 =	vmul.f32 $1.000000000e+06, v2  }
0x1d5: {  	v13 =	vmul.f32 $1.000000000e+06, v5;
	v5 =	vmax.f32 v16, $-9.990000120e-01;
	v7 =	vadd.f32 $1.000000000e+00, v11  }
0x1d6: {  	s30 =	simm.s32 $0x15C98;
	v11 =	vmul.f32 $1.000000000e+06, v17;
	v63 =	vtrunc.f32 v2;
	v2 =	vmin.f32 v5, $9.990000120e-01  }
0x1d7: {  	v10 =	vadd.f32 $1.000000000e+00, v10;
	v3 =	vcvt.f32.s32 v3;
	[tilespmem:s30+$0xFFFFFFA0] =	vst v9;
	v9 =	vadd.f32 $1.000000000e+00, v2;
	v2 =	vld [tilespmem:s4+$0xFFFFFFC0]  }
0x1d8: {  	[tilespmem:s30+$0xFFFFFFB0] =	vst v12;
	v5 =	vmin.f32 v8, $9.990000120e-01;
	v8 =	vtrunc.f32 v11  }
0x1d9: {  	s0 =	simm.s32 $0x880;
	v14 =	vmax.f32 v14, $-9.990000120e-01;
	v10 =	vmul.f32 v10, v0;
	[tilespmem:s30+$0x0] =	vst v3;
	v3 =	vcvt.f32.s32 v8  }
0x1da: {  	s31 =	simm.s32 $0x15D18;
	s2 =	simm.s32 $0x15D18;
	v12 =	vmin.f32 v14, $9.990000120e-01;
	[tilespmem:s30+$0xFFFFFF90] =	vst v15;
	v11 =	vcvt.f32.s32 v63;
	s4 =	simm.s32 $0x11D98;
	v8 =	vtrunc.f32 v13  }
.LBB2_12:
0x1db: {  	v7 =	vmul.f32 v7, v0  }
0x1dc: {  	v13 =	vld [tilespmem:s4+$0xFFFFFFA0];
	s0 =	sadd.s32 $0x80, s0;
	v12 =	vadd.f32 $1.000000000e+00, v12;
	s2 =	sadd.s32 $0x80, s2;
	v6 =	vtrunc.f32 v6;
	v2 =	vmax.f32 v2, $-9.990000120e-01  }
0x1dd: {  	v9 =	vmul.f32 v9, v0;
	v10 =	vmul.f32 $1.000000000e+06, v10;
	v14 =	vld [tilespmem:s4+$0x0];
	p2 =	slt.u32 s0, $0xF80;
	[tilespmem:s31+$0xFFFFFFA0] =	vst v11  }
0x1de: {  	v4 =	vcvt.f32.s32 v4;
	v2 =	vmin.f32 v2, $9.990000120e-01;
	v11 =	vld [tilespmem:s4+$0xFFFFFFF0];
	v7 =	vmul.f32 $1.000000000e+06, v7  }
0x1df: {  	v6 =	vcvt.f32.s32 v6;
	v9 =	vmul.f32 $1.000000000e+06, v9;
	v16 =	vadd.f32 $1.000000000e+00, v2;
	v15 =	vld [tilespmem:s4+$0xFFFFFFE0];
	[tilespmem:s30+$0xFFFFFFF0] =	vst v1;
	v1 =	vmovc v3  }
0x1e0: {  	v5 =	vadd.f32 $1.000000000e+00, v5;
	v3 =	vld [tilespmem:s4+$0xFFFFFFD0];
	v7 =	vtrunc.f32 v7;
	[tilespmem:s30+$0xFFFFFFD0] =	vst v4;
	v4 =	vcvt.f32.s32 v8  }
0x1e1: {  	v10 =	vtrunc.f32 v10;
	v8 =	vmax.f32 v13, $-9.990000120e-01;
	v2 =	vld [tilespmem:s4+$0xFFFFFFC0];
	v7 =	vcvt.f32.s32 v7;
	[tilespmem:s30+$0xFFFFFFC0] =	vst v6  }
0x1e2: {  	v12 =	vmul.f32 v12, v0;
	v9 =	vtrunc.f32 v9;
	v6 =	vld [tilespmem:s4+$0xFFFFFFB0];
	[tilespmem:s30+$0xFFFFFFE0] =	vst v4;
	s30 =	smov.u32 s31;
	s31 =	smov.u32 s2  }
0x1e3: {  	v5 =	vmul.f32 v5, v0;
	v4 =	vmax.f32 v11, $-9.990000120e-01;
	v11 =	vmax.f32 v14, $-9.990000120e-01  }
0x1e4: {  	v8 =	vmin.f32 v8, $9.990000120e-01;
	v11 =	vmin.f32 v11, $9.990000120e-01;
	[tilespmem:s30+$0xFFFFFFB0] =	vst v7;
	v7 =	vcvt.f32.s32 v10  }
0x1e5: {  	v9 =	vcvt.f32.s32 v9;
	v8 =	vadd.f32 $1.000000000e+00, v8;
	v4 =	vmin.f32 v4, $9.990000120e-01  }
0x1e6: {  	v12 =	vmul.f32 $1.000000000e+06, v12;
	v4 =	vadd.f32 $1.000000000e+00, v4;
	v11 =	vadd.f32 $1.000000000e+00, v11;
	v10 =	vld [tilespmem:s4+$0xFFFFFF90];
	[tilespmem:s30+$0x0] =	vst v7  }
0x1e7: {  	v7 =	vmul.f32 v8, v0;
	v8 =	vmul.f32 v16, v0;
	v6 =	vmax.f32 v6, $-9.990000120e-01  }
0x1e8: {  	v13 =	vmul.f32 v4, v0;
	v4 =	vtrunc.f32 v12;
	v6 =	vmin.f32 v6, $9.990000120e-01;
	[tilespmem:s30+$0xFFFFFF90] =	vst v9  }
0x1e9: {  	v9 =	vmul.f32 $1.000000000e+06, v7;
	v7 =	vadd.f32 $1.000000000e+00, v6;
	v6 =	vmul.f32 $1.000000000e+06, v8  }
.Ltmp5:
0x1ea: {  	v8 =	vmax.f32 v15, $-9.990000120e-01;
	v12 =	vmul.f32 $1.000000000e+06, v13;
	v13 =	vmul.f32 $1.000000000e+06, v5;
	(pc) =	sbr.rel @p2 .LBB2_12-.Ltmp5, $4  }
0x1eb: {  	v15 =	vmax.f32 v3, $-9.990000120e-01;
	v14 =	vtrunc.f32 v9;
	v5 =	vmax.f32 v10, $-9.990000120e-01  }
0x1ec: {  	v3 =	vmin.f32 v5, $9.990000120e-01;
	v5 =	vmin.f32 v8, $9.990000120e-01;
	v8 =	vtrunc.f32 v12  }
0x1ed: {  	v10 =	vmul.f32 v11, v0;
	v9 =	vadd.f32 $1.000000000e+00, v3;
	v3 =	vcvt.f32.s32 v8  }
0x1ee: {  	s4 =	sadd.s32 $0x80, s4;
	v11 =	vcvt.f32.s32 v14;
	v12 =	vmin.f32 v15, $9.990000120e-01;
	v8 =	vtrunc.f32 v13  }
0x1ef: {  	v7 =	vmul.f32 v7, v0;
	v6 =	vtrunc.f32 v6;
	v12 =	vadd.f32 $1.000000000e+00, v12  }
0x1f0: {  	v9 =	vmul.f32 v9, v0;
	v10 =	vmul.f32 $1.000000000e+06, v10;
	v2 =	vmax.f32 v2, $-9.990000120e-01  }
0x1f1: {  	v4 =	vcvt.f32.s32 v4;
	v8 =	vcvt.f32.s32 v8;
	[tilespmem:s30+$0xFFFFFFF0] =	vst v1;
	v1 =	vadd.f32 $1.000000000e+00, v5  }
0x1f2: {  	v2 =	vmin.f32 v2, $9.990000120e-01;
	v7 =	vmul.f32 $1.000000000e+06, v7;
	v9 =	vmul.f32 $1.000000000e+06, v9  }
0x1f3: {  	v6 =	vcvt.f32.s32 v6;
	v2 =	vadd.f32 $1.000000000e+00, v2;
	v1 =	vmul.f32 v1, v0  }
0x1f4: {  	[tilespmem:s30+$0xFFFFFFD0] =	vst v4;
	v7 =	vtrunc.f32 v7;
	v4 =	vtrunc.f32 v9  }
0x1f5: {  	[tilespmem:s31+$0xFFFFFFF0] =	vst v3;
	v9 =	vmul.f32 v12, v0;
	v2 =	vmul.f32 v2, v0  }
0x1f6: {  	[tilespmem:s31+$0xFFFFFFA0] =	vst v11;
	v1 =	vmul.f32 $1.000000000e+06, v1;
	v5 =	vcvt.f32.s32 v7  }
0x1f7: {  	[tilespmem:s30+$0xFFFFFFE0] =	vst v8;
	v7 =	vtrunc.f32 v10;
	v4 =	vcvt.f32.s32 v4  }
0x1f8: {  	[tilespmem:s30+$0xFFFFFFC0] =	vst v6;
	v6 =	vcvt.f32.s32 v7;
	v7 =	vmul.f32 $1.000000000e+06, v9  }
0x1f9: {  	v2 =	vmul.f32 $1.000000000e+06, v2;
	v1 =	vtrunc.f32 v1;
	[tilespmem:s31+$0xFFFFFFB0] =	vst v5  }
0x1fa: {  	[tilespmem:s31+$0xFFFFFF90] =	vst v4;
	v1 =	vcvt.f32.s32 v1;
	v5 =	vtrunc.f32 v7  }
0x1fb: {  	[tilespmem:s31+$0x0] =	vst v6;
	v2 =	vtrunc.f32 v2;
	v4 =	vcvt.f32.s32 v5  }
0x1fc: {  	v2 =	vcvt.f32.s32 v2;
	[tilespmem:s31+$0xFFFFFFE0] =	vst v1  }
0x1fd: {  	[tilespmem:s31+$0xFFFFFFD0] =	vst v4  }
0x1fe: {  	[tilespmem:s31+$0xFFFFFFC0] =	vst v2  }
0x1ff: {  	_ =	swait.ge [sflag:s17], $0x2000  }
0x200: {  	s0 =	sld [smem:$0x7FD]  }
0x201: {  	[sflag:s17] =	ssyncset.done $0x0  }
0x202: {  	[sflag:s17] =	ssyncadd.s32 $0xFFFFE000  }
0x203: {  	[spmem:s0] =	stream.linear.scatter [tilespmem:s14], [sflag:$0x8], $0x2000, $0x38;
	[tilespmem:$0x1F428] =	vst v63  }
0x204: {  	_ =	swait.ge [sflag:s18], $0x2000  }
0x205: {  	[sflag:s18] =	ssyncset.done $0x0  }
0x206: {  	s4 =	simm.s32 $0x12498;
	[sflag:s18] =	ssyncadd.s32 $0xFFFFE000  }
0x207: {  	[tilespmem:s15], [sflag:$0x7] =	stream.linear.gather [hbm4b:s5+s3], $0x2000, $0x38;
	[tilespmem:$0x1F428] =	vst v63  }
0x208: {  	v1 =	vld [tilespmem:s4+$0xFFFFFFA0]  }
0x209: {  	v2 =	vld [tilespmem:s4+$0xFFFFFFF0]  }
0x20a: {  	v3 =	vld [tilespmem:s4+$0x0]  }
0x20b: {  	v4 =	vld [tilespmem:s4+$0xFFFFFFB0]  }
0x20c: {  	v5 =	vld [tilespmem:s4+$0xFFFFFFE0]  }
0x20d: {  	v6 =	vld [tilespmem:s4+$0xFFFFFFD0]  }
0x20e: {  	v7 =	vld [tilespmem:s4+$0xFFFFFF90]  }
0x20f: {  	v8 =	vld [tilespmem:s4+$0xFFFFFFC0];
	_ =	sdelay $0x1  }
0x210: {  	v1 =	vmax.f32 v1, $-9.990000120e-01;
	v2 =	vmax.f32 v2, $-9.990000120e-01;
	v3 =	vmax.f32 v3, $-9.990000120e-01  }
0x211: {  	s4 =	simm.s32 $0x12518;
	v4 =	vmax.f32 v4, $-9.990000120e-01;
	v1 =	vmin.f32 v1, $9.990000120e-01;
	v2 =	vmin.f32 v2, $9.990000120e-01  }
0x212: {  	v11 =	vld [tilespmem:s4+$0xFFFFFFF0];
	v5 =	vmax.f32 v5, $-9.990000120e-01;
	v1 =	vadd.f32 $1.000000000e+00, v1;
	v2 =	vadd.f32 $1.000000000e+00, v2  }
0x213: {  	v7 =	vmax.f32 v7, $-9.990000120e-01;
	v6 =	vmax.f32 v6, $-9.990000120e-01;
	v8 =	vmax.f32 v8, $-9.990000120e-01  }
0x214: {  	v4 =	vmin.f32 v4, $9.990000120e-01;
	v1 =	vmul.f32 v1, v0;
	v2 =	vmul.f32 v2, v0  }
0x215: {  	v10 =	vld [tilespmem:s4+$0x0];
	v3 =	vmin.f32 v3, $9.990000120e-01;
	v5 =	vmin.f32 v5, $9.990000120e-01;
	v4 =	vadd.f32 $1.000000000e+00, v4  }
0x216: {  	v6 =	vmin.f32 v6, $9.990000120e-01;
	v1 =	vmul.f32 $1.000000000e+06, v1;
	v2 =	vmul.f32 $1.000000000e+06, v2  }
0x217: {  	v8 =	vmin.f32 v8, $9.990000120e-01;
	v11 =	vmax.f32 v11, $-9.990000120e-01;
	v4 =	vmul.f32 v4, v0  }
0x218: {  	v9 =	vtrunc.f32 v1;
	v1 =	vmin.f32 v7, $9.990000120e-01;
	v2 =	vtrunc.f32 v2  }
0x219: {  	v4 =	vmul.f32 $1.000000000e+06, v4;
	v7 =	vadd.f32 $1.000000000e+00, v1;
	v1 =	vcvt.f32.s32 v2;
	v2 =	vld [tilespmem:s4+$0xFFFFFFA0]  }
0x21a: {  	v10 =	vmax.f32 v10, $-9.990000120e-01;
	v3 =	vadd.f32 $1.000000000e+00, v3;
	v6 =	vadd.f32 $1.000000000e+00, v6  }
0x21b: {  	v8 =	vadd.f32 $1.000000000e+00, v8;
	v5 =	vadd.f32 $1.000000000e+00, v5;
	v4 =	vtrunc.f32 v4  }
0x21c: {  	v10 =	vmin.f32 v10, $9.990000120e-01;
	v3 =	vmul.f32 v3, v0;
	v12 =	vcvt.f32.s32 v4;
	v4 =	vld [tilespmem:s4+$0xFFFFFFB0]  }
0x21d: {  	v11 =	vmin.f32 v11, $9.990000120e-01;
	v6 =	vmul.f32 v6, v0;
	v7 =	vmul.f32 v7, v0  }
0x21e: {  	v5 =	vmul.f32 v5, v0;
	v3 =	vmul.f32 $1.000000000e+06, v3;
	v2 =	vmax.f32 v2, $-9.990000120e-01  }
0x21f: {  	v13 =	vld [tilespmem:s4+$0xFFFFFFE0];
	v8 =	vmul.f32 v8, v0;
	v7 =	vmul.f32 $1.000000000e+06, v7;
	v2 =	vmin.f32 v2, $9.990000120e-01  }
0x220: {  	v16 =	vld [tilespmem:s4+$0xFFFFFF90];
	v6 =	vmul.f32 $1.000000000e+06, v6;
	v3 =	vtrunc.f32 v3;
	v2 =	vadd.f32 $1.000000000e+00, v2  }
0x221: {  	v9 =	vcvt.f32.s32 v9;
	v4 =	vmax.f32 v4, $-9.990000120e-01;
	v7 =	vtrunc.f32 v7  }
0x222: {  	v15 =	vcvt.f32.s32 v7;
	v7 =	vadd.f32 $1.000000000e+00, v11;
	v2 =	vmul.f32 v2, v0  }
0x223: {  	v11 =	vmin.f32 v4, $9.990000120e-01;
	v4 =	vtrunc.f32 v6;
	v6 =	vmul.f32 $1.000000000e+06, v8  }
0x224: {  	v14 =	vld [tilespmem:s4+$0xFFFFFFD0];
	v8 =	vmax.f32 v13, $-9.990000120e-01;
	v17 =	vmul.f32 v7, v0;
	v2 =	vmul.f32 $1.000000000e+06, v2  }
0x225: {  	v13 =	vmul.f32 $1.000000000e+06, v5;
	v5 =	vmax.f32 v16, $-9.990000120e-01;
	v7 =	vadd.f32 $1.000000000e+00, v11  }
0x226: {  	s30 =	simm.s32 $0x16498;
	v11 =	vmul.f32 $1.000000000e+06, v17;
	v63 =	vtrunc.f32 v2;
	v2 =	vmin.f32 v5, $9.990000120e-01  }
0x227: {  	v10 =	vadd.f32 $1.000000000e+00, v10;
	v3 =	vcvt.f32.s32 v3;
	[tilespmem:s30+$0xFFFFFFA0] =	vst v9;
	v9 =	vadd.f32 $1.000000000e+00, v2;
	v2 =	vld [tilespmem:s4+$0xFFFFFFC0]  }
0x228: {  	[tilespmem:s30+$0xFFFFFFB0] =	vst v12;
	v5 =	vmin.f32 v8, $9.990000120e-01;
	v8 =	vtrunc.f32 v11  }
0x229: {  	s2 =	simm.s32 $0x16518;
	s31 =	simm.s32 $0x16518;
	v14 =	vmax.f32 v14, $-9.990000120e-01;
	v10 =	vmul.f32 v10, v0;
	[tilespmem:s30+$0x0] =	vst v3;
	v3 =	vcvt.f32.s32 v8  }
0x22a: {  	s0 =	simm.s32 $0x1080;
	v12 =	vmin.f32 v14, $9.990000120e-01;
	[tilespmem:s30+$0xFFFFFF90] =	vst v15;
	v11 =	vcvt.f32.s32 v63;
	s4 =	simm.s32 $0x12598;
	v8 =	vtrunc.f32 v13  }
.LBB2_14:
0x22b: {  	v7 =	vmul.f32 v7, v0  }
0x22c: {  	v13 =	vld [tilespmem:s4+$0xFFFFFFA0];
	s0 =	sadd.s32 $0x80, s0;
	v12 =	vadd.f32 $1.000000000e+00, v12;
	s2 =	sadd.s32 $0x80, s2;
	v6 =	vtrunc.f32 v6;
	v2 =	vmax.f32 v2, $-9.990000120e-01  }
0x22d: {  	v9 =	vmul.f32 v9, v0;
	v10 =	vmul.f32 $1.000000000e+06, v10;
	v14 =	vld [tilespmem:s4+$0x0];
	p2 =	slt.u32 s0, $0x1780;
	[tilespmem:s31+$0xFFFFFFA0] =	vst v11  }
0x22e: {  	v4 =	vcvt.f32.s32 v4;
	v2 =	vmin.f32 v2, $9.990000120e-01;
	v11 =	vld [tilespmem:s4+$0xFFFFFFF0];
	v7 =	vmul.f32 $1.000000000e+06, v7  }
0x22f: {  	v6 =	vcvt.f32.s32 v6;
	v9 =	vmul.f32 $1.000000000e+06, v9;
	v16 =	vadd.f32 $1.000000000e+00, v2;
	v15 =	vld [tilespmem:s4+$0xFFFFFFE0];
	[tilespmem:s30+$0xFFFFFFF0] =	vst v1;
	v1 =	vmovc v3  }
0x230: {  	v5 =	vadd.f32 $1.000000000e+00, v5;
	v3 =	vld [tilespmem:s4+$0xFFFFFFD0];
	v7 =	vtrunc.f32 v7;
	[tilespmem:s30+$0xFFFFFFD0] =	vst v4;
	v4 =	vcvt.f32.s32 v8  }
0x231: {  	v10 =	vtrunc.f32 v10;
	v8 =	vmax.f32 v13, $-9.990000120e-01;
	v2 =	vld [tilespmem:s4+$0xFFFFFFC0];
	v7 =	vcvt.f32.s32 v7;
	[tilespmem:s30+$0xFFFFFFC0] =	vst v6  }
0x232: {  	v12 =	vmul.f32 v12, v0;
	v9 =	vtrunc.f32 v9;
	v6 =	vld [tilespmem:s4+$0xFFFFFFB0];
	[tilespmem:s30+$0xFFFFFFE0] =	vst v4;
	s30 =	smov.u32 s31;
	s31 =	smov.u32 s2  }
0x233: {  	v5 =	vmul.f32 v5, v0;
	v4 =	vmax.f32 v11, $-9.990000120e-01;
	v11 =	vmax.f32 v14, $-9.990000120e-01  }
0x234: {  	v8 =	vmin.f32 v8, $9.990000120e-01;
	v11 =	vmin.f32 v11, $9.990000120e-01;
	[tilespmem:s30+$0xFFFFFFB0] =	vst v7;
	v7 =	vcvt.f32.s32 v10  }
0x235: {  	v9 =	vcvt.f32.s32 v9;
	v8 =	vadd.f32 $1.000000000e+00, v8;
	v4 =	vmin.f32 v4, $9.990000120e-01  }
0x236: {  	v12 =	vmul.f32 $1.000000000e+06, v12;
	v4 =	vadd.f32 $1.000000000e+00, v4;
	v11 =	vadd.f32 $1.000000000e+00, v11;
	v10 =	vld [tilespmem:s4+$0xFFFFFF90];
	[tilespmem:s30+$0x0] =	vst v7  }
0x237: {  	v7 =	vmul.f32 v8, v0;
	v8 =	vmul.f32 v16, v0;
	v6 =	vmax.f32 v6, $-9.990000120e-01  }
0x238: {  	v13 =	vmul.f32 v4, v0;
	v4 =	vtrunc.f32 v12;
	v6 =	vmin.f32 v6, $9.990000120e-01;
	[tilespmem:s30+$0xFFFFFF90] =	vst v9  }
0x239: {  	v9 =	vmul.f32 $1.000000000e+06, v7;
	v7 =	vadd.f32 $1.000000000e+00, v6;
	v6 =	vmul.f32 $1.000000000e+06, v8  }
.Ltmp6:
0x23a: {  	v8 =	vmax.f32 v15, $-9.990000120e-01;
	v12 =	vmul.f32 $1.000000000e+06, v13;
	v13 =	vmul.f32 $1.000000000e+06, v5;
	(pc) =	sbr.rel @p2 .LBB2_14-.Ltmp6, $4  }
0x23b: {  	v15 =	vmax.f32 v3, $-9.990000120e-01;
	v14 =	vtrunc.f32 v9;
	v5 =	vmax.f32 v10, $-9.990000120e-01  }
0x23c: {  	v3 =	vmin.f32 v5, $9.990000120e-01;
	v5 =	vmin.f32 v8, $9.990000120e-01;
	v8 =	vtrunc.f32 v12  }
0x23d: {  	v10 =	vmul.f32 v11, v0;
	v9 =	vadd.f32 $1.000000000e+00, v3;
	v3 =	vcvt.f32.s32 v8  }
0x23e: {  	s4 =	sadd.s32 $0x80, s4;
	v11 =	vcvt.f32.s32 v14;
	v12 =	vmin.f32 v15, $9.990000120e-01;
	v8 =	vtrunc.f32 v13  }
0x23f: {  	v7 =	vmul.f32 v7, v0;
	v6 =	vtrunc.f32 v6;
	v12 =	vadd.f32 $1.000000000e+00, v12  }
0x240: {  	v9 =	vmul.f32 v9, v0;
	v10 =	vmul.f32 $1.000000000e+06, v10;
	v2 =	vmax.f32 v2, $-9.990000120e-01  }
0x241: {  	v4 =	vcvt.f32.s32 v4;
	v8 =	vcvt.f32.s32 v8;
	[tilespmem:s30+$0xFFFFFFF0] =	vst v1;
	v1 =	vadd.f32 $1.000000000e+00, v5  }
0x242: {  	v2 =	vmin.f32 v2, $9.990000120e-01;
	v7 =	vmul.f32 $1.000000000e+06, v7;
	v9 =	vmul.f32 $1.000000000e+06, v9  }
0x243: {  	v6 =	vcvt.f32.s32 v6;
	v2 =	vadd.f32 $1.000000000e+00, v2;
	v1 =	vmul.f32 v1, v0  }
0x244: {  	[tilespmem:s30+$0xFFFFFFD0] =	vst v4;
	v7 =	vtrunc.f32 v7;
	v4 =	vtrunc.f32 v9  }
0x245: {  	[tilespmem:s31+$0xFFFFFFF0] =	vst v3;
	v9 =	vmul.f32 v12, v0;
	v2 =	vmul.f32 v2, v0  }
0x246: {  	[tilespmem:s31+$0xFFFFFFA0] =	vst v11;
	v1 =	vmul.f32 $1.000000000e+06, v1;
	v5 =	vcvt.f32.s32 v7  }
0x247: {  	[tilespmem:s30+$0xFFFFFFE0] =	vst v8;
	v7 =	vtrunc.f32 v10;
	v4 =	vcvt.f32.s32 v4  }
0x248: {  	[tilespmem:s30+$0xFFFFFFC0] =	vst v6;
	v6 =	vcvt.f32.s32 v7;
	v7 =	vmul.f32 $1.000000000e+06, v9  }
0x249: {  	v2 =	vmul.f32 $1.000000000e+06, v2;
	v1 =	vtrunc.f32 v1;
	[tilespmem:s31+$0xFFFFFFB0] =	vst v5  }
0x24a: {  	[tilespmem:s31+$0xFFFFFF90] =	vst v4;
	v1 =	vcvt.f32.s32 v1;
	v5 =	vtrunc.f32 v7  }
0x24b: {  	[tilespmem:s31+$0x0] =	vst v6;
	v2 =	vtrunc.f32 v2;
	v4 =	vcvt.f32.s32 v5  }
0x24c: {  	v2 =	vcvt.f32.s32 v2;
	[tilespmem:s31+$0xFFFFFFE0] =	vst v1  }
0x24d: {  	[tilespmem:s31+$0xFFFFFFD0] =	vst v4  }
0x24e: {  	[tilespmem:s31+$0xFFFFFFC0] =	vst v2  }
0x24f: {  	_ =	swait.ge [sflag:s17], $0x2000  }
0x250: {  	[sflag:s17] =	ssyncset.done $0x0  }
0x251: {  	[sflag:s17] =	ssyncadd.s32 $0xFFFFE000  }
0x252: {  	[spmem:s7] =	stream.linear.scatter [tilespmem:s15], [sflag:$0x8], $0x2000, $0x38;
	[tilespmem:$0x1F428] =	vst v63  }
0x253: {  	_ =	swait.ge [sflag:s18], $0x2000  }
0x254: {  	s0 =	simm.s32 @!p0 $0x0;
	[sflag:s18] =	ssyncset.done $0x0  }
0x255: {  	s2 =	simm.s32 @!p0 $0x1D428;
	s4 =	simm.s32 $0x12C98;
	[sflag:s18] =	ssyncadd.s32 $0xFFFFE000  }
0x256: {  	[tilespmem:s2], [sflag:$0x7] =	stream.linear.gather @!p0 [hbm4b:s8+s0], $0x2000, $0x38;
	[tilespmem:$0x1F428] =	vst v63  }
0x257: {  	v1 =	vld [tilespmem:s4+$0xFFFFFFA0]  }
0x258: {  	v2 =	vld [tilespmem:s4+$0xFFFFFFF0]  }
0x259: {  	v3 =	vld [tilespmem:s4+$0x0]  }
0x25a: {  	v4 =	vld [tilespmem:s4+$0xFFFFFFB0]  }
0x25b: {  	v5 =	vld [tilespmem:s4+$0xFFFFFFE0]  }
0x25c: {  	v6 =	vld [tilespmem:s4+$0xFFFFFFD0]  }
0x25d: {  	v7 =	vld [tilespmem:s4+$0xFFFFFF90]  }
0x25e: {  	v8 =	vld [tilespmem:s4+$0xFFFFFFC0];
	_ =	sdelay $0x1  }
0x25f: {  	v1 =	vmax.f32 v1, $-9.990000120e-01;
	v2 =	vmax.f32 v2, $-9.990000120e-01;
	v3 =	vmax.f32 v3, $-9.990000120e-01  }
0x260: {  	s4 =	simm.s32 $0x12D18;
	v4 =	vmax.f32 v4, $-9.990000120e-01;
	v1 =	vmin.f32 v1, $9.990000120e-01;
	v2 =	vmin.f32 v2, $9.990000120e-01  }
0x261: {  	v11 =	vld [tilespmem:s4+$0xFFFFFFF0];
	v5 =	vmax.f32 v5, $-9.990000120e-01;
	v1 =	vadd.f32 $1.000000000e+00, v1;
	v2 =	vadd.f32 $1.000000000e+00, v2  }
0x262: {  	v7 =	vmax.f32 v7, $-9.990000120e-01;
	v6 =	vmax.f32 v6, $-9.990000120e-01;
	v8 =	vmax.f32 v8, $-9.990000120e-01  }
0x263: {  	v4 =	vmin.f32 v4, $9.990000120e-01;
	v1 =	vmul.f32 v1, v0;
	v2 =	vmul.f32 v2, v0  }
0x264: {  	v10 =	vld [tilespmem:s4+$0x0];
	v3 =	vmin.f32 v3, $9.990000120e-01;
	v5 =	vmin.f32 v5, $9.990000120e-01;
	v4 =	vadd.f32 $1.000000000e+00, v4  }
0x265: {  	v6 =	vmin.f32 v6, $9.990000120e-01;
	v1 =	vmul.f32 $1.000000000e+06, v1;
	v2 =	vmul.f32 $1.000000000e+06, v2  }
0x266: {  	v8 =	vmin.f32 v8, $9.990000120e-01;
	v11 =	vmax.f32 v11, $-9.990000120e-01;
	v4 =	vmul.f32 v4, v0  }
0x267: {  	v9 =	vtrunc.f32 v1;
	v1 =	vmin.f32 v7, $9.990000120e-01;
	v2 =	vtrunc.f32 v2  }
0x268: {  	v4 =	vmul.f32 $1.000000000e+06, v4;
	v7 =	vadd.f32 $1.000000000e+00, v1;
	v1 =	vcvt.f32.s32 v2;
	v2 =	vld [tilespmem:s4+$0xFFFFFFA0]  }
0x269: {  	v10 =	vmax.f32 v10, $-9.990000120e-01;
	v3 =	vadd.f32 $1.000000000e+00, v3;
	v6 =	vadd.f32 $1.000000000e+00, v6  }
0x26a: {  	v8 =	vadd.f32 $1.000000000e+00, v8;
	v5 =	vadd.f32 $1.000000000e+00, v5;
	v4 =	vtrunc.f32 v4  }
0x26b: {  	v10 =	vmin.f32 v10, $9.990000120e-01;
	v3 =	vmul.f32 v3, v0;
	v12 =	vcvt.f32.s32 v4;
	v4 =	vld [tilespmem:s4+$0xFFFFFFB0]  }
0x26c: {  	v11 =	vmin.f32 v11, $9.990000120e-01;
	v6 =	vmul.f32 v6, v0;
	v7 =	vmul.f32 v7, v0  }
0x26d: {  	v5 =	vmul.f32 v5, v0;
	v3 =	vmul.f32 $1.000000000e+06, v3;
	v2 =	vmax.f32 v2, $-9.990000120e-01  }
0x26e: {  	v13 =	vld [tilespmem:s4+$0xFFFFFFE0];
	v8 =	vmul.f32 v8, v0;
	v7 =	vmul.f32 $1.000000000e+06, v7;
	v2 =	vmin.f32 v2, $9.990000120e-01  }
0x26f: {  	v16 =	vld [tilespmem:s4+$0xFFFFFF90];
	v6 =	vmul.f32 $1.000000000e+06, v6;
	v3 =	vtrunc.f32 v3;
	v2 =	vadd.f32 $1.000000000e+00, v2  }
0x270: {  	v9 =	vcvt.f32.s32 v9;
	v4 =	vmax.f32 v4, $-9.990000120e-01;
	v7 =	vtrunc.f32 v7  }
0x271: {  	v15 =	vcvt.f32.s32 v7;
	v7 =	vadd.f32 $1.000000000e+00, v11;
	v2 =	vmul.f32 v2, v0  }
0x272: {  	v11 =	vmin.f32 v4, $9.990000120e-01;
	v4 =	vtrunc.f32 v6;
	v6 =	vmul.f32 $1.000000000e+06, v8  }
0x273: {  	v14 =	vld [tilespmem:s4+$0xFFFFFFD0];
	v8 =	vmax.f32 v13, $-9.990000120e-01;
	v17 =	vmul.f32 v7, v0;
	v2 =	vmul.f32 $1.000000000e+06, v2  }
0x274: {  	v13 =	vmul.f32 $1.000000000e+06, v5;
	v5 =	vmax.f32 v16, $-9.990000120e-01;
	v7 =	vadd.f32 $1.000000000e+00, v11  }
0x275: {  	s30 =	simm.s32 $0x16C98;
	v11 =	vmul.f32 $1.000000000e+06, v17;
	v63 =	vtrunc.f32 v2;
	v2 =	vmin.f32 v5, $9.990000120e-01  }
0x276: {  	v10 =	vadd.f32 $1.000000000e+00, v10;
	v3 =	vcvt.f32.s32 v3;
	[tilespmem:s30+$0xFFFFFFA0] =	vst v9;
	v9 =	vadd.f32 $1.000000000e+00, v2;
	v2 =	vld [tilespmem:s4+$0xFFFFFFC0]  }
0x277: {  	[tilespmem:s30+$0xFFFFFFB0] =	vst v12;
	v5 =	vmin.f32 v8, $9.990000120e-01;
	v8 =	vtrunc.f32 v11  }
0x278: {  	s0 =	simm.s32 $0x1880;
	v14 =	vmax.f32 v14, $-9.990000120e-01;
	v10 =	vmul.f32 v10, v0;
	[tilespmem:s30+$0x0] =	vst v3;
	v3 =	vcvt.f32.s32 v8  }
0x279: {  	s31 =	simm.s32 $0x16D18;
	s2 =	simm.s32 $0x16D18;
	v12 =	vmin.f32 v14, $9.990000120e-01;
	[tilespmem:s30+$0xFFFFFF90] =	vst v15;
	v11 =	vcvt.f32.s32 v63;
	s4 =	simm.s32 $0x12D98;
	v8 =	vtrunc.f32 v13  }
.LBB2_16:
0x27a: {  	v7 =	vmul.f32 v7, v0  }
0x27b: {  	v13 =	vld [tilespmem:s4+$0xFFFFFFA0];
	s0 =	sadd.s32 $0x80, s0;
	v12 =	vadd.f32 $1.000000000e+00, v12;
	s2 =	sadd.s32 $0x80, s2;
	v6 =	vtrunc.f32 v6;
	v2 =	vmax.f32 v2, $-9.990000120e-01  }
0x27c: {  	v9 =	vmul.f32 v9, v0;
	v10 =	vmul.f32 $1.000000000e+06, v10;
	v14 =	vld [tilespmem:s4+$0x0];
	p2 =	slt.u32 s0, $0x1F80;
	[tilespmem:s31+$0xFFFFFFA0] =	vst v11  }
0x27d: {  	v4 =	vcvt.f32.s32 v4;
	v2 =	vmin.f32 v2, $9.990000120e-01;
	v11 =	vld [tilespmem:s4+$0xFFFFFFF0];
	v7 =	vmul.f32 $1.000000000e+06, v7  }
0x27e: {  	v6 =	vcvt.f32.s32 v6;
	v9 =	vmul.f32 $1.000000000e+06, v9;
	v16 =	vadd.f32 $1.000000000e+00, v2;
	v15 =	vld [tilespmem:s4+$0xFFFFFFE0];
	[tilespmem:s30+$0xFFFFFFF0] =	vst v1;
	v1 =	vmovc v3  }
0x27f: {  	v5 =	vadd.f32 $1.000000000e+00, v5;
	v3 =	vld [tilespmem:s4+$0xFFFFFFD0];
	v7 =	vtrunc.f32 v7;
	[tilespmem:s30+$0xFFFFFFD0] =	vst v4;
	v4 =	vcvt.f32.s32 v8  }
0x280: {  	v10 =	vtrunc.f32 v10;
	v8 =	vmax.f32 v13, $-9.990000120e-01;
	v2 =	vld [tilespmem:s4+$0xFFFFFFC0];
	v7 =	vcvt.f32.s32 v7;
	[tilespmem:s30+$0xFFFFFFC0] =	vst v6  }
0x281: {  	v12 =	vmul.f32 v12, v0;
	v9 =	vtrunc.f32 v9;
	v6 =	vld [tilespmem:s4+$0xFFFFFFB0];
	[tilespmem:s30+$0xFFFFFFE0] =	vst v4;
	s30 =	smov.u32 s31;
	s31 =	smov.u32 s2  }
0x282: {  	v5 =	vmul.f32 v5, v0;
	v4 =	vmax.f32 v11, $-9.990000120e-01;
	v11 =	vmax.f32 v14, $-9.990000120e-01  }
0x283: {  	v8 =	vmin.f32 v8, $9.990000120e-01;
	v11 =	vmin.f32 v11, $9.990000120e-01;
	[tilespmem:s30+$0xFFFFFFB0] =	vst v7;
	v7 =	vcvt.f32.s32 v10  }
0x284: {  	v9 =	vcvt.f32.s32 v9;
	v8 =	vadd.f32 $1.000000000e+00, v8;
	v4 =	vmin.f32 v4, $9.990000120e-01  }
0x285: {  	v12 =	vmul.f32 $1.000000000e+06, v12;
	v4 =	vadd.f32 $1.000000000e+00, v4;
	v11 =	vadd.f32 $1.000000000e+00, v11;
	v10 =	vld [tilespmem:s4+$0xFFFFFF90];
	[tilespmem:s30+$0x0] =	vst v7  }
0x286: {  	v7 =	vmul.f32 v8, v0;
	v8 =	vmul.f32 v16, v0;
	v6 =	vmax.f32 v6, $-9.990000120e-01  }
0x287: {  	v13 =	vmul.f32 v4, v0;
	v4 =	vtrunc.f32 v12;
	v6 =	vmin.f32 v6, $9.990000120e-01;
	[tilespmem:s30+$0xFFFFFF90] =	vst v9  }
0x288: {  	v9 =	vmul.f32 $1.000000000e+06, v7;
	v7 =	vadd.f32 $1.000000000e+00, v6;
	v6 =	vmul.f32 $1.000000000e+06, v8  }
.Ltmp7:
0x289: {  	v8 =	vmax.f32 v15, $-9.990000120e-01;
	v12 =	vmul.f32 $1.000000000e+06, v13;
	v13 =	vmul.f32 $1.000000000e+06, v5;
	(pc) =	sbr.rel @p2 .LBB2_16-.Ltmp7, $4  }
0x28a: {  	v15 =	vmax.f32 v3, $-9.990000120e-01;
	v14 =	vtrunc.f32 v9;
	v5 =	vmax.f32 v10, $-9.990000120e-01  }
0x28b: {  	v3 =	vmin.f32 v5, $9.990000120e-01;
	v5 =	vmin.f32 v8, $9.990000120e-01;
	v8 =	vtrunc.f32 v12  }
0x28c: {  	v10 =	vmul.f32 v11, v0;
	v9 =	vadd.f32 $1.000000000e+00, v3;
	v3 =	vcvt.f32.s32 v8  }
0x28d: {  	s4 =	sadd.s32 $0x80, s4;
	v11 =	vcvt.f32.s32 v14;
	v12 =	vmin.f32 v15, $9.990000120e-01;
	v8 =	vtrunc.f32 v13  }
0x28e: {  	v7 =	vmul.f32 v7, v0;
	v6 =	vtrunc.f32 v6;
	v12 =	vadd.f32 $1.000000000e+00, v12  }
0x28f: {  	v9 =	vmul.f32 v9, v0;
	v10 =	vmul.f32 $1.000000000e+06, v10;
	v2 =	vmax.f32 v2, $-9.990000120e-01  }
0x290: {  	v4 =	vcvt.f32.s32 v4;
	v8 =	vcvt.f32.s32 v8;
	[tilespmem:s30+$0xFFFFFFF0] =	vst v1;
	v1 =	vadd.f32 $1.000000000e+00, v5  }
0x291: {  	v2 =	vmin.f32 v2, $9.990000120e-01;
	v7 =	vmul.f32 $1.000000000e+06, v7;
	v9 =	vmul.f32 $1.000000000e+06, v9  }
0x292: {  	v6 =	vcvt.f32.s32 v6;
	v2 =	vadd.f32 $1.000000000e+00, v2;
	v1 =	vmul.f32 v1, v0  }
0x293: {  	[tilespmem:s30+$0xFFFFFFD0] =	vst v4;
	v7 =	vtrunc.f32 v7;
	v4 =	vtrunc.f32 v9  }
0x294: {  	[tilespmem:s31+$0xFFFFFFF0] =	vst v3;
	v9 =	vmul.f32 v12, v0;
	v2 =	vmul.f32 v2, v0  }
0x295: {  	[tilespmem:s31+$0xFFFFFFA0] =	vst v11;
	v1 =	vmul.f32 $1.000000000e+06, v1;
	v5 =	vcvt.f32.s32 v7  }
0x296: {  	[tilespmem:s30+$0xFFFFFFE0] =	vst v8;
	v7 =	vtrunc.f32 v10;
	v4 =	vcvt.f32.s32 v4  }
0x297: {  	[tilespmem:s30+$0xFFFFFFC0] =	vst v6;
	v6 =	vcvt.f32.s32 v7;
	v7 =	vmul.f32 $1.000000000e+06, v9  }
0x298: {  	v2 =	vmul.f32 $1.000000000e+06, v2;
	v1 =	vtrunc.f32 v1;
	[tilespmem:s31+$0xFFFFFFB0] =	vst v5  }
0x299: {  	[tilespmem:s31+$0xFFFFFF90] =	vst v4;
	v1 =	vcvt.f32.s32 v1;
	v5 =	vtrunc.f32 v7  }
0x29a: {  	[tilespmem:s31+$0x0] =	vst v6;
	v2 =	vtrunc.f32 v2;
	v4 =	vcvt.f32.s32 v5  }
0x29b: {  	v2 =	vcvt.f32.s32 v2;
	[tilespmem:s31+$0xFFFFFFE0] =	vst v1  }
0x29c: {  	[tilespmem:s31+$0xFFFFFFD0] =	vst v4  }
0x29d: {  	s0 =	simm.s32 @p0 $0x8;
	[tilespmem:s31+$0xFFFFFFC0] =	vst v2  }
0x29e: {  	_ =	swait.ge @p0 [sflag:s0], $0x2000  }
0x29f: {  	[sflag:s0] =	ssyncset.done @p0 $0x0  }
0x2a0: {  	[sflag:s0] =	ssyncadd.s32 @p0 $0xFFFFE000  }
0x2a1: {  	_ =	swait.ge @p0 [sflag:s0], $0x2000  }
0x2a2: {  	[sflag:s0] =	ssyncset.done @p0 $0x0  }
0x2a3: {  	[sflag:s0] =	ssyncadd.s32 @p0 $0xFFFFE000  }
0x2a4: {  	_ =	swait.ge @p0 [sflag:s0], $0x2000  }
0x2a5: {  	s2 =	simm.s32 @!p1 $0x17428;
	[sflag:s0] =	ssyncset.done @p0 $0x0  }
0x2a6: {  	s4 =	rddreg [dreg:$0x17];
	[sflag:s0] =	ssyncadd.s32 @p0 $0xFFFFE000;
	s0 =	simm.s32 @!p1 $0x0  }
0x2a7: {  	[tilespmem:s2], [sflag:$0x9] =	stream.linear.gather @!p1 [hbm4b:s4+s0], $0x240, $0x38;
	[tilespmem:$0x1F428] =	vst v63  }
0x2a8: {  	s0 =	simm.s32 @!p1 $0x9  }
0x2a9: {  	_ =	swait.ge @!p1 [sflag:s0], $0x240  }
0x2aa: {  	[sflag:s0] =	ssyncset.done @!p1 $0x0  }
0x2ab: {  	[sflag:s0] =	ssyncadd.s32 @!p1 $0xFFFFFDC0  }
0x2ac: {  	[spmem:s9] =	stream.linear.scatter @!p1 [tilespmem:s2], [sflag:$0x9], $0x240, $0x38;
	[tilespmem:$0x1F428] =	vst v63  }
0x2ad: {  	_ =	swait.ge @!p1 [sflag:s0], $0x240  }
0x2ae: {  	[sflag:s0] =	ssyncset.done @!p1 $0x0  }
0x2af: {  	[sflag:s0] =	ssyncadd.s32 @!p1 $0xFFFFFDC0;
	s0 =	simm.s32 @!p0 $0x7  }
0x2b0: {  	_ =	swait.ge @!p0 [sflag:s0], $0x2000  }
0x2b1: {  	[sflag:s0] =	ssyncset.done @!p0 $0x0  }
0x2b2: {  	[sflag:s0] =	ssyncadd.s32 @!p0 $0xFFFFE000;
	s0 =	simm.s32 @!p0 $0x1D428  }
0x2b3: {  	[spmem:s10] =	stream.linear.scatter @!p0 [tilespmem:s0], [sflag:$0x8], $0x2000, $0x38;
	[tilespmem:$0x1F428] =	vst v63  }
0x2b4: {  	s0 =	simm.s32 @!p0 $0x8  }
0x2b5: {  	_ =	swait.ge @!p0 [sflag:s0], $0x2000  }
0x2b6: {  	[sflag:s0] =	ssyncset.done @!p0 $0x0  }
0x2b7: {  	[sflag:s0] =	ssyncadd.s32 @!p0 $0xFFFFE000  }
0x2b8: {  	_ =	swait.ge @!p0 [sflag:s0], $0x2000  }
0x2b9: {  	[sflag:s0] =	ssyncset.done @!p0 $0x0  }
0x2ba: {  	[sflag:s0] =	ssyncadd.s32 @!p0 $0xFFFFE000  }
0x2bb: {  	_ =	swait.ge @!p0 [sflag:s0], $0x2000  }
0x2bc: {  	[sflag:s0] =	ssyncset.done @!p0 $0x0  }
0x2bd: {  	[sflag:s0] =	ssyncadd.s32 @!p0 $0xFFFFE000  }
0x2be: {  	_ =	swait.ge @!p0 [sflag:s0], $0x2000  }
0x2bf: {  	[sflag:s0] =	ssyncset.done @!p0 $0x0  }
0x2c0: {  	[sflag:s0] =	ssyncadd.s32 @!p0 $0xFFFFE000  }
0x2c1: {  	[bflag:$0x0] =	sbarrier.arrive $0xFFFF  }
0x2c2: {  	s2 =	rddreg [dreg:$0x9]  }
0x2c3: {  	[tilespmem:s11], [sflag:$0x1] =	stream.linear.gather [hbm4b:s2+s3], $0x2000, $0x38;
	[tilespmem:$0x1F428] =	vst v63  }
0x2c4: {  	_ = 	snop  }
0x2c5: {  	[tilespmem:s13], [sflag:$0x3] =	stream.indirect.gather [spmem:s1], $0x1, s21, s20, $0xb8;
	[tilespmem:$0x1F428] =	vst v63  }
0x2c6: {  	s4 =	rddreg [dreg:$0xa]  }
0x2c7: {  	[tilespmem:s12], [sflag:$0x2] =	stream.linear.gather [hbm4b:s4+s3], $0x2000, $0x38;
	[tilespmem:$0x1F428] =	vst v63  }
0x2c8: {  	_ = 	snop  }
0x2c9: {  	[tilespmem:s14], [sflag:$0x4] =	stream.indirect.gather [spmem:s1], $0x1, s22, s20, $0xb8;
	[tilespmem:$0x1F428] =	vst v63  }
0x2ca: {  	_ =	swait.ge [sflag:s24], $0x2000  }
0x2cb: {  	[sflag:s24] =	ssyncset.done $0x0  }
0x2cc: {  	s2 =	rddreg [dreg:$0xb];
	[sflag:s24] =	ssyncadd.s32 $0xFFFFE000  }
0x2cd: {  	[hbm4b:s2+s3] =	stream.linear.scatter [tilespmem:s13], [sflag:$0x5], $0x2000, $0x38;
	[tilespmem:$0x1F428] =	vst v63  }
0x2ce: {  	_ =	swait.ge [sflag:s16], $0x2000  }
0x2cf: {  	[sflag:s16] =	ssyncset.done $0x0  }
0x2d0: {  	s4 =	simm.s32 $0xF468;
	[sflag:s16] =	ssyncadd.s32 $0xFFFFE000  }
0x2d1: {  	v1 =	vld [tilespmem:s4+$0xFFFFFFD0]  }
0x2d2: {  	v2 =	vld [tilespmem:s4+$0x20]  }
0x2d3: {  	v3 =	vld [tilespmem:s4+$0x30]  }
0x2d4: {  	v4 =	vld [tilespmem:s4+$0xFFFFFFE0]  }
0x2d5: {  	v5 =	vld [tilespmem:s4+$0x10]  }
0x2d6: {  	v6 =	vld [tilespmem:s4+$0x0]  }
0x2d7: {  	v7 =	vld [tilespmem:s4+$0xFFFFFFC0]  }
0x2d8: {  	v8 =	vld [tilespmem:s4+$0xFFFFFFF0];
	_ =	sdelay $0x1  }
0x2d9: {  	v1 =	vmax.f32 v1, $-9.990000120e-01;
	v2 =	vmax.f32 v2, $-9.990000120e-01;
	v3 =	vmax.f32 v3, $-9.990000120e-01  }
0x2da: {  	s4 =	simm.s32 $0xF4E8;
	v4 =	vmax.f32 v4, $-9.990000120e-01;
	v1 =	vmin.f32 v1, $9.990000120e-01;
	v2 =	vmin.f32 v2, $9.990000120e-01  }
0x2db: {  	v11 =	vld [tilespmem:s4+$0x20];
	v5 =	vmax.f32 v5, $-9.990000120e-01;
	v1 =	vadd.f32 $1.000000000e+00, v1;
	v2 =	vadd.f32 $1.000000000e+00, v2  }
0x2dc: {  	v7 =	vmax.f32 v7, $-9.990000120e-01;
	v6 =	vmax.f32 v6, $-9.990000120e-01;
	v8 =	vmax.f32 v8, $-9.990000120e-01  }
0x2dd: {  	v4 =	vmin.f32 v4, $9.990000120e-01;
	v1 =	vmul.f32 v1, v0;
	v2 =	vmul.f32 v2, v0  }
0x2de: {  	v10 =	vld [tilespmem:s4+$0x30];
	v3 =	vmin.f32 v3, $9.990000120e-01;
	v5 =	vmin.f32 v5, $9.990000120e-01;
	v4 =	vadd.f32 $1.000000000e+00, v4  }
0x2df: {  	v6 =	vmin.f32 v6, $9.990000120e-01;
	v1 =	vmul.f32 $1.000000000e+06, v1;
	v2 =	vmul.f32 $1.000000000e+06, v2  }
0x2e0: {  	v8 =	vmin.f32 v8, $9.990000120e-01;
	v11 =	vmax.f32 v11, $-9.990000120e-01;
	v4 =	vmul.f32 v4, v0  }
0x2e1: {  	v9 =	vtrunc.f32 v1;
	v1 =	vmin.f32 v7, $9.990000120e-01;
	v2 =	vtrunc.f32 v2  }
0x2e2: {  	v4 =	vmul.f32 $1.000000000e+06, v4;
	v7 =	vadd.f32 $1.000000000e+00, v1;
	v1 =	vcvt.f32.s32 v2;
	v2 =	vld [tilespmem:s4+$0xFFFFFFD0]  }
0x2e3: {  	v10 =	vmax.f32 v10, $-9.990000120e-01;
	v3 =	vadd.f32 $1.000000000e+00, v3;
	v6 =	vadd.f32 $1.000000000e+00, v6  }
0x2e4: {  	v8 =	vadd.f32 $1.000000000e+00, v8;
	v5 =	vadd.f32 $1.000000000e+00, v5;
	v4 =	vtrunc.f32 v4  }
0x2e5: {  	v10 =	vmin.f32 v10, $9.990000120e-01;
	v3 =	vmul.f32 v3, v0;
	v12 =	vcvt.f32.s32 v4;
	v4 =	vld [tilespmem:s4+$0xFFFFFFE0]  }
0x2e6: {  	v11 =	vmin.f32 v11, $9.990000120e-01;
	v6 =	vmul.f32 v6, v0;
	v7 =	vmul.f32 v7, v0  }
0x2e7: {  	v5 =	vmul.f32 v5, v0;
	v3 =	vmul.f32 $1.000000000e+06, v3;
	v2 =	vmax.f32 v2, $-9.990000120e-01  }
0x2e8: {  	v13 =	vld [tilespmem:s4+$0x10];
	v8 =	vmul.f32 v8, v0;
	v7 =	vmul.f32 $1.000000000e+06, v7;
	v2 =	vmin.f32 v2, $9.990000120e-01  }
0x2e9: {  	v16 =	vld [tilespmem:s4+$0xFFFFFFC0];
	v6 =	vmul.f32 $1.000000000e+06, v6;
	v3 =	vtrunc.f32 v3;
	v2 =	vadd.f32 $1.000000000e+00, v2  }
0x2ea: {  	v9 =	vcvt.f32.s32 v9;
	v4 =	vmax.f32 v4, $-9.990000120e-01;
	v7 =	vtrunc.f32 v7  }
0x2eb: {  	v15 =	vcvt.f32.s32 v7;
	v7 =	vadd.f32 $1.000000000e+00, v11;
	v2 =	vmul.f32 v2, v0  }
0x2ec: {  	v11 =	vmin.f32 v4, $9.990000120e-01;
	v4 =	vtrunc.f32 v6;
	v6 =	vmul.f32 $1.000000000e+06, v8  }
0x2ed: {  	v14 =	vld [tilespmem:s4+$0x0];
	v8 =	vmax.f32 v13, $-9.990000120e-01;
	v17 =	vmul.f32 v7, v0;
	v2 =	vmul.f32 $1.000000000e+06, v2  }
0x2ee: {  	v13 =	vmul.f32 $1.000000000e+06, v5;
	v5 =	vmax.f32 v16, $-9.990000120e-01;
	v7 =	vadd.f32 $1.000000000e+00, v11  }
0x2ef: {  	s30 =	simm.s32 $0x13468;
	v11 =	vmul.f32 $1.000000000e+06, v17;
	v63 =	vtrunc.f32 v2;
	v2 =	vmin.f32 v5, $9.990000120e-01  }
0x2f0: {  	v10 =	vadd.f32 $1.000000000e+00, v10;
	v3 =	vcvt.f32.s32 v3;
	[tilespmem:s30+$0xFFFFFFD0] =	vst v9;
	v9 =	vadd.f32 $1.000000000e+00, v2;
	v2 =	vld [tilespmem:s4+$0xFFFFFFF0]  }
0x2f1: {  	[tilespmem:s30+$0xFFFFFFE0] =	vst v12;
	v5 =	vmin.f32 v8, $9.990000120e-01;
	v8 =	vtrunc.f32 v11  }
0x2f2: {  	s31 =	simm.s32 $0x134E8;
	v14 =	vmax.f32 v14, $-9.990000120e-01;
	v10 =	vmul.f32 v10, v0;
	[tilespmem:s30+$0x30] =	vst v3;
	v3 =	vcvt.f32.s32 v8  }
0x2f3: {  	s0 =	simm.s32 $0x80;
	s2 =	simm.s32 $0x134E8;
	v12 =	vmin.f32 v14, $9.990000120e-01;
	[tilespmem:s30+$0xFFFFFFC0] =	vst v15;
	v11 =	vcvt.f32.s32 v63;
	s4 =	simm.s32 $0xF568;
	v8 =	vtrunc.f32 v13  }
.LBB2_18:
0x2f4: {  	v13 =	vld [tilespmem:s4+$0xFFFFFFD0];
	s0 =	sadd.s32 $0x80, s0;
	v7 =	vmul.f32 v7, v0;
	v12 =	vadd.f32 $1.000000000e+00, v12;
	s2 =	sadd.s32 $0x80, s2;
	v6 =	vtrunc.f32 v6  }
0x2f5: {  	v9 =	vmul.f32 v9, v0;
	v2 =	vmax.f32 v2, $-9.990000120e-01;
	v10 =	vmul.f32 $1.000000000e+06, v10;
	v14 =	vld [tilespmem:s4+$0x30];
	[tilespmem:s31+$0xFFFFFFD0] =	vst v11  }
0x2f6: {  	v4 =	vcvt.f32.s32 v4;
	p2 =	slt.u32 s0, $0x1F80;
	v2 =	vmin.f32 v2, $9.990000120e-01;
	v11 =	vld [tilespmem:s4+$0x20];
	v7 =	vmul.f32 $1.000000000e+06, v7  }
0x2f7: {  	v6 =	vcvt.f32.s32 v6;
	v9 =	vmul.f32 $1.000000000e+06, v9;
	v16 =	vadd.f32 $1.000000000e+00, v2;
	v15 =	vld [tilespmem:s4+$0x10];
	[tilespmem:s30+$0x20] =	vst v1;
	v1 =	vmovc v3  }
0x2f8: {  	v5 =	vadd.f32 $1.000000000e+00, v5;
	v3 =	vld [tilespmem:s4+$0x0];
	v7 =	vtrunc.f32 v7;
	[tilespmem:s30+$0x0] =	vst v4;
	v4 =	vcvt.f32.s32 v8  }
0x2f9: {  	v10 =	vtrunc.f32 v10;
	v8 =	vmax.f32 v13, $-9.990000120e-01;
	v2 =	vld [tilespmem:s4+$0xFFFFFFF0];
	v7 =	vcvt.f32.s32 v7;
	[tilespmem:s30+$0xFFFFFFF0] =	vst v6  }
0x2fa: {  	v12 =	vmul.f32 v12, v0;
	v9 =	vtrunc.f32 v9;
	v6 =	vld [tilespmem:s4+$0xFFFFFFE0];
	[tilespmem:s30+$0x10] =	vst v4;
	s30 =	smov.u32 s31;
	s31 =	smov.u32 s2  }
0x2fb: {  	v5 =	vmul.f32 v5, v0;
	v4 =	vmax.f32 v11, $-9.990000120e-01;
	v11 =	vmax.f32 v14, $-9.990000120e-01  }
0x2fc: {  	v8 =	vmin.f32 v8, $9.990000120e-01;
	v11 =	vmin.f32 v11, $9.990000120e-01;
	[tilespmem:s30+$0xFFFFFFE0] =	vst v7;
	v7 =	vcvt.f32.s32 v10  }
0x2fd: {  	v9 =	vcvt.f32.s32 v9;
	v8 =	vadd.f32 $1.000000000e+00, v8;
	v4 =	vmin.f32 v4, $9.990000120e-01  }
0x2fe: {  	v12 =	vmul.f32 $1.000000000e+06, v12;
	v4 =	vadd.f32 $1.000000000e+00, v4;
	v11 =	vadd.f32 $1.000000000e+00, v11;
	v10 =	vld [tilespmem:s4+$0xFFFFFFC0];
	[tilespmem:s30+$0x30] =	vst v7  }
0x2ff: {  	v7 =	vmul.f32 v8, v0;
	v8 =	vmul.f32 v16, v0;
	v6 =	vmax.f32 v6, $-9.990000120e-01  }
0x300: {  	v13 =	vmul.f32 v4, v0;
	v4 =	vtrunc.f32 v12;
	v6 =	vmin.f32 v6, $9.990000120e-01;
	[tilespmem:s30+$0xFFFFFFC0] =	vst v9  }
0x301: {  	v9 =	vmul.f32 $1.000000000e+06, v7;
	v7 =	vadd.f32 $1.000000000e+00, v6;
	v6 =	vmul.f32 $1.000000000e+06, v8  }
.Ltmp8:
0x302: {  	v8 =	vmax.f32 v15, $-9.990000120e-01;
	v12 =	vmul.f32 $1.000000000e+06, v13;
	v13 =	vmul.f32 $1.000000000e+06, v5;
	(pc) =	sbr.rel @p2 .LBB2_18-.Ltmp8, $4  }
0x303: {  	v15 =	vmax.f32 v3, $-9.990000120e-01;
	v14 =	vtrunc.f32 v9;
	v5 =	vmax.f32 v10, $-9.990000120e-01  }
0x304: {  	v3 =	vmin.f32 v5, $9.990000120e-01;
	v5 =	vmin.f32 v8, $9.990000120e-01;
	v8 =	vtrunc.f32 v12  }
0x305: {  	v10 =	vmul.f32 v11, v0;
	v9 =	vadd.f32 $1.000000000e+00, v3;
	v3 =	vcvt.f32.s32 v8  }
0x306: {  	s4 =	sadd.s32 $0x80, s4;
	v11 =	vcvt.f32.s32 v14;
	v12 =	vmin.f32 v15, $9.990000120e-01;
	v8 =	vtrunc.f32 v13  }
0x307: {  	v7 =	vmul.f32 v7, v0;
	v6 =	vtrunc.f32 v6;
	v12 =	vadd.f32 $1.000000000e+00, v12  }
0x308: {  	v9 =	vmul.f32 v9, v0;
	v10 =	vmul.f32 $1.000000000e+06, v10;
	v2 =	vmax.f32 v2, $-9.990000120e-01  }
0x309: {  	v4 =	vcvt.f32.s32 v4;
	v8 =	vcvt.f32.s32 v8;
	[tilespmem:s30+$0x20] =	vst v1;
	v1 =	vadd.f32 $1.000000000e+00, v5  }
0x30a: {  	v2 =	vmin.f32 v2, $9.990000120e-01;
	v7 =	vmul.f32 $1.000000000e+06, v7;
	v9 =	vmul.f32 $1.000000000e+06, v9  }
0x30b: {  	v6 =	vcvt.f32.s32 v6;
	v2 =	vadd.f32 $1.000000000e+00, v2;
	v1 =	vmul.f32 v1, v0  }
0x30c: {  	[tilespmem:s30+$0x0] =	vst v4;
	v7 =	vtrunc.f32 v7;
	v4 =	vtrunc.f32 v9  }
0x30d: {  	[tilespmem:s31+$0x20] =	vst v3;
	v9 =	vmul.f32 v12, v0;
	v2 =	vmul.f32 v2, v0  }
0x30e: {  	[tilespmem:s31+$0xFFFFFFD0] =	vst v11;
	v1 =	vmul.f32 $1.000000000e+06, v1;
	v5 =	vcvt.f32.s32 v7  }
0x30f: {  	[tilespmem:s30+$0x10] =	vst v8;
	v7 =	vtrunc.f32 v10;
	v4 =	vcvt.f32.s32 v4  }
0x310: {  	[tilespmem:s30+$0xFFFFFFF0] =	vst v6;
	v6 =	vcvt.f32.s32 v7;
	v7 =	vmul.f32 $1.000000000e+06, v9  }
0x311: {  	v2 =	vmul.f32 $1.000000000e+06, v2;
	v1 =	vtrunc.f32 v1;
	[tilespmem:s31+$0xFFFFFFE0] =	vst v5  }
0x312: {  	[tilespmem:s31+$0xFFFFFFC0] =	vst v4;
	v1 =	vcvt.f32.s32 v1;
	v5 =	vtrunc.f32 v7  }
0x313: {  	[tilespmem:s31+$0x30] =	vst v6;
	v2 =	vtrunc.f32 v2;
	v4 =	vcvt.f32.s32 v5  }
0x314: {  	v2 =	vcvt.f32.s32 v2;
	[tilespmem:s31+$0x10] =	vst v1  }
0x315: {  	[tilespmem:s31+$0x0] =	vst v4  }
0x316: {  	[tilespmem:s31+$0xFFFFFFF0] =	vst v2  }
0x317: {  	s0 =	rddreg [dreg:$0xc]  }
0x318: {  	[tilespmem:s11], [sflag:$0x1] =	stream.linear.gather [hbm4b:s0+s3], $0x2000, $0x38;
	[tilespmem:$0x1F428] =	vst v63  }
0x319: {  	_ =	swait.ge [sflag:s25], $0x2000  }
0x31a: {  	[sflag:s25] =	ssyncset.done $0x0  }
0x31b: {  	[sflag:s25] =	ssyncadd.s32 $0xFFFFE000  }
0x31c: {  	[tilespmem:s13], [sflag:$0x3] =	stream.indirect.gather [spmem:s1], $0x1, s21, s20, $0xb8;
	[tilespmem:$0x1F428] =	vst v63  }
0x31d: {  	_ =	swait.ge [sflag:s26], $0x2000  }
0x31e: {  	[sflag:s26] =	ssyncset.done $0x0  }
0x31f: {  	s2 =	rddreg [dreg:$0xd];
	[sflag:s26] =	ssyncadd.s32 $0xFFFFE000  }
0x320: {  	[hbm4b:s2+s3] =	stream.linear.scatter [tilespmem:s14], [sflag:$0x6], $0x2000, $0x38;
	[tilespmem:$0x1F428] =	vst v63  }
0x321: {  	_ =	swait.ge [sflag:s19], $0x2000  }
0x322: {  	[sflag:s19] =	ssyncset.done $0x0  }
0x323: {  	s4 =	simm.s32 $0x11468;
	[sflag:s19] =	ssyncadd.s32 $0xFFFFE000  }
0x324: {  	v1 =	vld [tilespmem:s4+$0xFFFFFFD0]  }
0x325: {  	v2 =	vld [tilespmem:s4+$0x20]  }
0x326: {  	v3 =	vld [tilespmem:s4+$0x30]  }
0x327: {  	v4 =	vld [tilespmem:s4+$0xFFFFFFE0]  }
0x328: {  	v5 =	vld [tilespmem:s4+$0x10]  }
0x329: {  	v6 =	vld [tilespmem:s4+$0x0]  }
0x32a: {  	v7 =	vld [tilespmem:s4+$0xFFFFFFC0]  }
0x32b: {  	v8 =	vld [tilespmem:s4+$0xFFFFFFF0];
	_ =	sdelay $0x1  }
0x32c: {  	v1 =	vmax.f32 v1, $-9.990000120e-01;
	v2 =	vmax.f32 v2, $-9.990000120e-01;
	v3 =	vmax.f32 v3, $-9.990000120e-01  }
0x32d: {  	s4 =	simm.s32 $0x114E8;
	v4 =	vmax.f32 v4, $-9.990000120e-01;
	v1 =	vmin.f32 v1, $9.990000120e-01;
	v2 =	vmin.f32 v2, $9.990000120e-01  }
0x32e: {  	v11 =	vld [tilespmem:s4+$0x20];
	v5 =	vmax.f32 v5, $-9.990000120e-01;
	v1 =	vadd.f32 $1.000000000e+00, v1;
	v2 =	vadd.f32 $1.000000000e+00, v2  }
0x32f: {  	v7 =	vmax.f32 v7, $-9.990000120e-01;
	v6 =	vmax.f32 v6, $-9.990000120e-01;
	v8 =	vmax.f32 v8, $-9.990000120e-01  }
0x330: {  	v4 =	vmin.f32 v4, $9.990000120e-01;
	v1 =	vmul.f32 v1, v0;
	v2 =	vmul.f32 v2, v0  }
0x331: {  	v10 =	vld [tilespmem:s4+$0x30];
	v3 =	vmin.f32 v3, $9.990000120e-01;
	v5 =	vmin.f32 v5, $9.990000120e-01;
	v4 =	vadd.f32 $1.000000000e+00, v4  }
0x332: {  	v6 =	vmin.f32 v6, $9.990000120e-01;
	v1 =	vmul.f32 $1.000000000e+06, v1;
	v2 =	vmul.f32 $1.000000000e+06, v2  }
0x333: {  	v8 =	vmin.f32 v8, $9.990000120e-01;
	v11 =	vmax.f32 v11, $-9.990000120e-01;
	v4 =	vmul.f32 v4, v0  }
0x334: {  	v9 =	vtrunc.f32 v1;
	v1 =	vmin.f32 v7, $9.990000120e-01;
	v2 =	vtrunc.f32 v2  }
0x335: {  	v4 =	vmul.f32 $1.000000000e+06, v4;
	v7 =	vadd.f32 $1.000000000e+00, v1;
	v1 =	vcvt.f32.s32 v2;
	v2 =	vld [tilespmem:s4+$0xFFFFFFD0]  }
0x336: {  	v10 =	vmax.f32 v10, $-9.990000120e-01;
	v3 =	vadd.f32 $1.000000000e+00, v3;
	v6 =	vadd.f32 $1.000000000e+00, v6  }
0x337: {  	v8 =	vadd.f32 $1.000000000e+00, v8;
	v5 =	vadd.f32 $1.000000000e+00, v5;
	v4 =	vtrunc.f32 v4  }
0x338: {  	v10 =	vmin.f32 v10, $9.990000120e-01;
	v3 =	vmul.f32 v3, v0;
	v12 =	vcvt.f32.s32 v4;
	v4 =	vld [tilespmem:s4+$0xFFFFFFE0]  }
0x339: {  	v11 =	vmin.f32 v11, $9.990000120e-01;
	v6 =	vmul.f32 v6, v0;
	v7 =	vmul.f32 v7, v0  }
0x33a: {  	v5 =	vmul.f32 v5, v0;
	v3 =	vmul.f32 $1.000000000e+06, v3;
	v2 =	vmax.f32 v2, $-9.990000120e-01  }
0x33b: {  	v13 =	vld [tilespmem:s4+$0x10];
	v8 =	vmul.f32 v8, v0;
	v7 =	vmul.f32 $1.000000000e+06, v7;
	v2 =	vmin.f32 v2, $9.990000120e-01  }
0x33c: {  	v16 =	vld [tilespmem:s4+$0xFFFFFFC0];
	v6 =	vmul.f32 $1.000000000e+06, v6;
	v3 =	vtrunc.f32 v3;
	v2 =	vadd.f32 $1.000000000e+00, v2  }
0x33d: {  	v9 =	vcvt.f32.s32 v9;
	v4 =	vmax.f32 v4, $-9.990000120e-01;
	v7 =	vtrunc.f32 v7  }
0x33e: {  	v15 =	vcvt.f32.s32 v7;
	v7 =	vadd.f32 $1.000000000e+00, v11;
	v2 =	vmul.f32 v2, v0  }
0x33f: {  	v11 =	vmin.f32 v4, $9.990000120e-01;
	v4 =	vtrunc.f32 v6;
	v6 =	vmul.f32 $1.000000000e+06, v8  }
0x340: {  	v14 =	vld [tilespmem:s4+$0x0];
	v8 =	vmax.f32 v13, $-9.990000120e-01;
	v17 =	vmul.f32 v7, v0;
	v2 =	vmul.f32 $1.000000000e+06, v2  }
0x341: {  	v13 =	vmul.f32 $1.000000000e+06, v5;
	v5 =	vmax.f32 v16, $-9.990000120e-01;
	v7 =	vadd.f32 $1.000000000e+00, v11  }
0x342: {  	s30 =	simm.s32 $0x15468;
	v11 =	vmul.f32 $1.000000000e+06, v17;
	v63 =	vtrunc.f32 v2;
	v2 =	vmin.f32 v5, $9.990000120e-01  }
0x343: {  	v10 =	vadd.f32 $1.000000000e+00, v10;
	v3 =	vcvt.f32.s32 v3;
	[tilespmem:s30+$0xFFFFFFD0] =	vst v9;
	v9 =	vadd.f32 $1.000000000e+00, v2;
	v2 =	vld [tilespmem:s4+$0xFFFFFFF0]  }
0x344: {  	[tilespmem:s30+$0xFFFFFFE0] =	vst v12;
	v5 =	vmin.f32 v8, $9.990000120e-01;
	v8 =	vtrunc.f32 v11  }
0x345: {  	s31 =	simm.s32 $0x154E8;
	v14 =	vmax.f32 v14, $-9.990000120e-01;
	v10 =	vmul.f32 v10, v0;
	[tilespmem:s30+$0x30] =	vst v3;
	v3 =	vcvt.f32.s32 v8  }
0x346: {  	s0 =	simm.s32 $0x80;
	s2 =	simm.s32 $0x154E8;
	v12 =	vmin.f32 v14, $9.990000120e-01;
	[tilespmem:s30+$0xFFFFFFC0] =	vst v15;
	v11 =	vcvt.f32.s32 v63;
	s4 =	simm.s32 $0x11568;
	v8 =	vtrunc.f32 v13  }
.LBB2_20:
0x347: {  	v13 =	vld [tilespmem:s4+$0xFFFFFFD0];
	s0 =	sadd.s32 $0x80, s0;
	v7 =	vmul.f32 v7, v0;
	v12 =	vadd.f32 $1.000000000e+00, v12;
	s2 =	sadd.s32 $0x80, s2;
	v6 =	vtrunc.f32 v6  }
0x348: {  	v9 =	vmul.f32 v9, v0;
	v2 =	vmax.f32 v2, $-9.990000120e-01;
	v10 =	vmul.f32 $1.000000000e+06, v10;
	v14 =	vld [tilespmem:s4+$0x30];
	[tilespmem:s31+$0xFFFFFFD0] =	vst v11  }
0x349: {  	v4 =	vcvt.f32.s32 v4;
	p2 =	slt.u32 s0, $0x1F80;
	v2 =	vmin.f32 v2, $9.990000120e-01;
	v11 =	vld [tilespmem:s4+$0x20];
	v7 =	vmul.f32 $1.000000000e+06, v7  }
0x34a: {  	v6 =	vcvt.f32.s32 v6;
	v9 =	vmul.f32 $1.000000000e+06, v9;
	v16 =	vadd.f32 $1.000000000e+00, v2;
	v15 =	vld [tilespmem:s4+$0x10];
	[tilespmem:s30+$0x20] =	vst v1;
	v1 =	vmovc v3  }
0x34b: {  	v5 =	vadd.f32 $1.000000000e+00, v5;
	v3 =	vld [tilespmem:s4+$0x0];
	v7 =	vtrunc.f32 v7;
	[tilespmem:s30+$0x0] =	vst v4;
	v4 =	vcvt.f32.s32 v8  }
0x34c: {  	v10 =	vtrunc.f32 v10;
	v8 =	vmax.f32 v13, $-9.990000120e-01;
	v2 =	vld [tilespmem:s4+$0xFFFFFFF0];
	v7 =	vcvt.f32.s32 v7;
	[tilespmem:s30+$0xFFFFFFF0] =	vst v6  }
0x34d: {  	v12 =	vmul.f32 v12, v0;
	v9 =	vtrunc.f32 v9;
	v6 =	vld [tilespmem:s4+$0xFFFFFFE0];
	[tilespmem:s30+$0x10] =	vst v4;
	s30 =	smov.u32 s31;
	s31 =	smov.u32 s2  }
0x34e: {  	v5 =	vmul.f32 v5, v0;
	v4 =	vmax.f32 v11, $-9.990000120e-01;
	v11 =	vmax.f32 v14, $-9.990000120e-01  }
0x34f: {  	v8 =	vmin.f32 v8, $9.990000120e-01;
	v11 =	vmin.f32 v11, $9.990000120e-01;
	[tilespmem:s30+$0xFFFFFFE0] =	vst v7;
	v7 =	vcvt.f32.s32 v10  }
0x350: {  	v9 =	vcvt.f32.s32 v9;
	v8 =	vadd.f32 $1.000000000e+00, v8;
	v4 =	vmin.f32 v4, $9.990000120e-01  }
0x351: {  	v12 =	vmul.f32 $1.000000000e+06, v12;
	v4 =	vadd.f32 $1.000000000e+00, v4;
	v11 =	vadd.f32 $1.000000000e+00, v11;
	v10 =	vld [tilespmem:s4+$0xFFFFFFC0];
	[tilespmem:s30+$0x30] =	vst v7  }
0x352: {  	v7 =	vmul.f32 v8, v0;
	v8 =	vmul.f32 v16, v0;
	v6 =	vmax.f32 v6, $-9.990000120e-01  }
0x353: {  	v13 =	vmul.f32 v4, v0;
	v4 =	vtrunc.f32 v12;
	v6 =	vmin.f32 v6, $9.990000120e-01;
	[tilespmem:s30+$0xFFFFFFC0] =	vst v9  }
0x354: {  	v9 =	vmul.f32 $1.000000000e+06, v7;
	v7 =	vadd.f32 $1.000000000e+00, v6;
	v6 =	vmul.f32 $1.000000000e+06, v8  }
.Ltmp9:
0x355: {  	v8 =	vmax.f32 v15, $-9.990000120e-01;
	v12 =	vmul.f32 $1.000000000e+06, v13;
	v13 =	vmul.f32 $1.000000000e+06, v5;
	(pc) =	sbr.rel @p2 .LBB2_20-.Ltmp9, $4  }
0x356: {  	v15 =	vmax.f32 v3, $-9.990000120e-01;
	v14 =	vtrunc.f32 v9;
	v5 =	vmax.f32 v10, $-9.990000120e-01  }
0x357: {  	v3 =	vmin.f32 v5, $9.990000120e-01;
	v5 =	vmin.f32 v8, $9.990000120e-01;
	v8 =	vtrunc.f32 v12  }
0x358: {  	v10 =	vmul.f32 v11, v0;
	v9 =	vadd.f32 $1.000000000e+00, v3;
	v3 =	vcvt.f32.s32 v8  }
0x359: {  	s4 =	sadd.s32 $0x80, s4;
	v11 =	vcvt.f32.s32 v14;
	v12 =	vmin.f32 v15, $9.990000120e-01;
	v8 =	vtrunc.f32 v13  }
0x35a: {  	v7 =	vmul.f32 v7, v0;
	v6 =	vtrunc.f32 v6;
	v12 =	vadd.f32 $1.000000000e+00, v12  }
0x35b: {  	v9 =	vmul.f32 v9, v0;
	v10 =	vmul.f32 $1.000000000e+06, v10;
	v2 =	vmax.f32 v2, $-9.990000120e-01  }
0x35c: {  	v4 =	vcvt.f32.s32 v4;
	v8 =	vcvt.f32.s32 v8;
	[tilespmem:s30+$0x20] =	vst v1;
	v1 =	vadd.f32 $1.000000000e+00, v5  }
0x35d: {  	v2 =	vmin.f32 v2, $9.990000120e-01;
	v7 =	vmul.f32 $1.000000000e+06, v7;
	v9 =	vmul.f32 $1.000000000e+06, v9  }
0x35e: {  	v6 =	vcvt.f32.s32 v6;
	v2 =	vadd.f32 $1.000000000e+00, v2;
	v1 =	vmul.f32 v1, v0  }
0x35f: {  	[tilespmem:s30+$0x0] =	vst v4;
	v7 =	vtrunc.f32 v7;
	v4 =	vtrunc.f32 v9  }
0x360: {  	[tilespmem:s31+$0x20] =	vst v3;
	v9 =	vmul.f32 v12, v0;
	v2 =	vmul.f32 v2, v0  }
0x361: {  	[tilespmem:s31+$0xFFFFFFD0] =	vst v11;
	v1 =	vmul.f32 $1.000000000e+06, v1;
	v5 =	vcvt.f32.s32 v7  }
0x362: {  	[tilespmem:s30+$0x10] =	vst v8;
	v7 =	vtrunc.f32 v10;
	v4 =	vcvt.f32.s32 v4  }
0x363: {  	[tilespmem:s30+$0xFFFFFFF0] =	vst v6;
	v6 =	vcvt.f32.s32 v7;
	v7 =	vmul.f32 $1.000000000e+06, v9  }
0x364: {  	v2 =	vmul.f32 $1.000000000e+06, v2;
	v1 =	vtrunc.f32 v1;
	[tilespmem:s31+$0xFFFFFFE0] =	vst v5  }
0x365: {  	[tilespmem:s31+$0xFFFFFFC0] =	vst v4;
	v1 =	vcvt.f32.s32 v1;
	v5 =	vtrunc.f32 v7  }
0x366: {  	[tilespmem:s31+$0x30] =	vst v6;
	v2 =	vtrunc.f32 v2;
	v4 =	vcvt.f32.s32 v5  }
0x367: {  	v2 =	vcvt.f32.s32 v2;
	[tilespmem:s31+$0x10] =	vst v1  }
0x368: {  	[tilespmem:s31+$0x0] =	vst v4  }
0x369: {  	[tilespmem:s31+$0xFFFFFFF0] =	vst v2  }
0x36a: {  	s0 =	rddreg [dreg:$0xe]  }
0x36b: {  	[tilespmem:s12], [sflag:$0x2] =	stream.linear.gather [hbm4b:s0+s3], $0x2000, $0x38;
	[tilespmem:$0x1F428] =	vst v63  }
0x36c: {  	_ =	swait.ge [sflag:s28], $0x2000  }
0x36d: {  	[sflag:s28] =	ssyncset.done $0x0  }
0x36e: {  	[sflag:s28] =	ssyncadd.s32 $0xFFFFE000  }
0x36f: {  	[tilespmem:s14], [sflag:$0x4] =	stream.indirect.gather [spmem:s1], $0x1, s22, s20, $0xb8;
	[tilespmem:$0x1F428] =	vst v63  }
0x370: {  	_ =	swait.ge [sflag:s24], $0x2000  }
0x371: {  	[sflag:s24] =	ssyncset.done $0x0  }
0x372: {  	s2 =	rddreg [dreg:$0xf];
	[sflag:s24] =	ssyncadd.s32 $0xFFFFE000  }
0x373: {  	[hbm4b:s2+s3] =	stream.linear.scatter [tilespmem:s13], [sflag:$0x5], $0x2000, $0x38;
	[tilespmem:$0x1F428] =	vst v63  }
0x374: {  	_ =	swait.ge [sflag:s16], $0x2000  }
0x375: {  	[sflag:s16] =	ssyncset.done $0x0  }
0x376: {  	s4 =	simm.s32 $0xF468;
	[sflag:s16] =	ssyncadd.s32 $0xFFFFE000  }
0x377: {  	v1 =	vld [tilespmem:s4+$0xFFFFFFD0]  }
0x378: {  	v2 =	vld [tilespmem:s4+$0x20]  }
0x379: {  	v3 =	vld [tilespmem:s4+$0x30]  }
0x37a: {  	v4 =	vld [tilespmem:s4+$0xFFFFFFE0]  }
0x37b: {  	v5 =	vld [tilespmem:s4+$0x10]  }
0x37c: {  	v6 =	vld [tilespmem:s4+$0x0]  }
0x37d: {  	v7 =	vld [tilespmem:s4+$0xFFFFFFC0]  }
0x37e: {  	v8 =	vld [tilespmem:s4+$0xFFFFFFF0];
	_ =	sdelay $0x1  }
0x37f: {  	v1 =	vmax.f32 v1, $-9.990000120e-01;
	v2 =	vmax.f32 v2, $-9.990000120e-01;
	v3 =	vmax.f32 v3, $-9.990000120e-01  }
0x380: {  	s4 =	simm.s32 $0xF4E8;
	v4 =	vmax.f32 v4, $-9.990000120e-01;
	v1 =	vmin.f32 v1, $9.990000120e-01;
	v2 =	vmin.f32 v2, $9.990000120e-01  }
0x381: {  	v11 =	vld [tilespmem:s4+$0x20];
	v5 =	vmax.f32 v5, $-9.990000120e-01;
	v1 =	vadd.f32 $1.000000000e+00, v1;
	v2 =	vadd.f32 $1.000000000e+00, v2  }
0x382: {  	v7 =	vmax.f32 v7, $-9.990000120e-01;
	v6 =	vmax.f32 v6, $-9.990000120e-01;
	v8 =	vmax.f32 v8, $-9.990000120e-01  }
0x383: {  	v4 =	vmin.f32 v4, $9.990000120e-01;
	v1 =	vmul.f32 v1, v0;
	v2 =	vmul.f32 v2, v0  }
0x384: {  	v10 =	vld [tilespmem:s4+$0x30];
	v3 =	vmin.f32 v3, $9.990000120e-01;
	v5 =	vmin.f32 v5, $9.990000120e-01;
	v4 =	vadd.f32 $1.000000000e+00, v4  }
0x385: {  	v6 =	vmin.f32 v6, $9.990000120e-01;
	v1 =	vmul.f32 $1.000000000e+06, v1;
	v2 =	vmul.f32 $1.000000000e+06, v2  }
0x386: {  	v8 =	vmin.f32 v8, $9.990000120e-01;
	v11 =	vmax.f32 v11, $-9.990000120e-01;
	v4 =	vmul.f32 v4, v0  }
0x387: {  	v9 =	vtrunc.f32 v1;
	v1 =	vmin.f32 v7, $9.990000120e-01;
	v2 =	vtrunc.f32 v2  }
0x388: {  	v4 =	vmul.f32 $1.000000000e+06, v4;
	v7 =	vadd.f32 $1.000000000e+00, v1;
	v1 =	vcvt.f32.s32 v2;
	v2 =	vld [tilespmem:s4+$0xFFFFFFD0]  }
0x389: {  	v10 =	vmax.f32 v10, $-9.990000120e-01;
	v3 =	vadd.f32 $1.000000000e+00, v3;
	v6 =	vadd.f32 $1.000000000e+00, v6  }
0x38a: {  	v8 =	vadd.f32 $1.000000000e+00, v8;
	v5 =	vadd.f32 $1.000000000e+00, v5;
	v4 =	vtrunc.f32 v4  }
0x38b: {  	v10 =	vmin.f32 v10, $9.990000120e-01;
	v3 =	vmul.f32 v3, v0;
	v12 =	vcvt.f32.s32 v4;
	v4 =	vld [tilespmem:s4+$0xFFFFFFE0]  }
0x38c: {  	v11 =	vmin.f32 v11, $9.990000120e-01;
	v6 =	vmul.f32 v6, v0;
	v7 =	vmul.f32 v7, v0  }
0x38d: {  	v5 =	vmul.f32 v5, v0;
	v3 =	vmul.f32 $1.000000000e+06, v3;
	v2 =	vmax.f32 v2, $-9.990000120e-01  }
0x38e: {  	v13 =	vld [tilespmem:s4+$0x10];
	v8 =	vmul.f32 v8, v0;
	v7 =	vmul.f32 $1.000000000e+06, v7;
	v2 =	vmin.f32 v2, $9.990000120e-01  }
0x38f: {  	v16 =	vld [tilespmem:s4+$0xFFFFFFC0];
	v6 =	vmul.f32 $1.000000000e+06, v6;
	v3 =	vtrunc.f32 v3;
	v2 =	vadd.f32 $1.000000000e+00, v2  }
0x390: {  	v9 =	vcvt.f32.s32 v9;
	v4 =	vmax.f32 v4, $-9.990000120e-01;
	v7 =	vtrunc.f32 v7  }
0x391: {  	v15 =	vcvt.f32.s32 v7;
	v7 =	vadd.f32 $1.000000000e+00, v11;
	v2 =	vmul.f32 v2, v0  }
0x392: {  	v11 =	vmin.f32 v4, $9.990000120e-01;
	v4 =	vtrunc.f32 v6;
	v6 =	vmul.f32 $1.000000000e+06, v8  }
0x393: {  	v14 =	vld [tilespmem:s4+$0x0];
	v8 =	vmax.f32 v13, $-9.990000120e-01;
	v17 =	vmul.f32 v7, v0;
	v2 =	vmul.f32 $1.000000000e+06, v2  }
0x394: {  	v13 =	vmul.f32 $1.000000000e+06, v5;
	v5 =	vmax.f32 v16, $-9.990000120e-01;
	v7 =	vadd.f32 $1.000000000e+00, v11  }
0x395: {  	s30 =	simm.s32 $0x13468;
	v11 =	vmul.f32 $1.000000000e+06, v17;
	v63 =	vtrunc.f32 v2;
	v2 =	vmin.f32 v5, $9.990000120e-01  }
0x396: {  	v10 =	vadd.f32 $1.000000000e+00, v10;
	v3 =	vcvt.f32.s32 v3;
	[tilespmem:s30+$0xFFFFFFD0] =	vst v9;
	v9 =	vadd.f32 $1.000000000e+00, v2;
	v2 =	vld [tilespmem:s4+$0xFFFFFFF0]  }
0x397: {  	[tilespmem:s30+$0xFFFFFFE0] =	vst v12;
	v5 =	vmin.f32 v8, $9.990000120e-01;
	v8 =	vtrunc.f32 v11  }
0x398: {  	s31 =	simm.s32 $0x134E8;
	v14 =	vmax.f32 v14, $-9.990000120e-01;
	v10 =	vmul.f32 v10, v0;
	[tilespmem:s30+$0x30] =	vst v3;
	v3 =	vcvt.f32.s32 v8  }
0x399: {  	s0 =	simm.s32 $0x80;
	s2 =	simm.s32 $0x134E8;
	v12 =	vmin.f32 v14, $9.990000120e-01;
	[tilespmem:s30+$0xFFFFFFC0] =	vst v15;
	v11 =	vcvt.f32.s32 v63;
	s4 =	simm.s32 $0xF568;
	v8 =	vtrunc.f32 v13  }
.LBB2_22:
0x39a: {  	v13 =	vld [tilespmem:s4+$0xFFFFFFD0];
	s0 =	sadd.s32 $0x80, s0;
	v7 =	vmul.f32 v7, v0;
	v12 =	vadd.f32 $1.000000000e+00, v12;
	s2 =	sadd.s32 $0x80, s2;
	v6 =	vtrunc.f32 v6  }
0x39b: {  	v9 =	vmul.f32 v9, v0;
	v2 =	vmax.f32 v2, $-9.990000120e-01;
	v10 =	vmul.f32 $1.000000000e+06, v10;
	v14 =	vld [tilespmem:s4+$0x30];
	[tilespmem:s31+$0xFFFFFFD0] =	vst v11  }
0x39c: {  	v4 =	vcvt.f32.s32 v4;
	p2 =	slt.u32 s0, $0x1F80;
	v2 =	vmin.f32 v2, $9.990000120e-01;
	v11 =	vld [tilespmem:s4+$0x20];
	v7 =	vmul.f32 $1.000000000e+06, v7  }
0x39d: {  	v6 =	vcvt.f32.s32 v6;
	v9 =	vmul.f32 $1.000000000e+06, v9;
	v16 =	vadd.f32 $1.000000000e+00, v2;
	v15 =	vld [tilespmem:s4+$0x10];
	[tilespmem:s30+$0x20] =	vst v1;
	v1 =	vmovc v3  }
0x39e: {  	v5 =	vadd.f32 $1.000000000e+00, v5;
	v3 =	vld [tilespmem:s4+$0x0];
	v7 =	vtrunc.f32 v7;
	[tilespmem:s30+$0x0] =	vst v4;
	v4 =	vcvt.f32.s32 v8  }
0x39f: {  	v10 =	vtrunc.f32 v10;
	v8 =	vmax.f32 v13, $-9.990000120e-01;
	v2 =	vld [tilespmem:s4+$0xFFFFFFF0];
	v7 =	vcvt.f32.s32 v7;
	[tilespmem:s30+$0xFFFFFFF0] =	vst v6  }
0x3a0: {  	v12 =	vmul.f32 v12, v0;
	v9 =	vtrunc.f32 v9;
	v6 =	vld [tilespmem:s4+$0xFFFFFFE0];
	[tilespmem:s30+$0x10] =	vst v4;
	s30 =	smov.u32 s31;
	s31 =	smov.u32 s2  }
0x3a1: {  	v5 =	vmul.f32 v5, v0;
	v4 =	vmax.f32 v11, $-9.990000120e-01;
	v11 =	vmax.f32 v14, $-9.990000120e-01  }
0x3a2: {  	v8 =	vmin.f32 v8, $9.990000120e-01;
	v11 =	vmin.f32 v11, $9.990000120e-01;
	[tilespmem:s30+$0xFFFFFFE0] =	vst v7;
	v7 =	vcvt.f32.s32 v10  }
0x3a3: {  	v9 =	vcvt.f32.s32 v9;
	v8 =	vadd.f32 $1.000000000e+00, v8;
	v4 =	vmin.f32 v4, $9.990000120e-01  }
0x3a4: {  	v12 =	vmul.f32 $1.000000000e+06, v12;
	v4 =	vadd.f32 $1.000000000e+00, v4;
	v11 =	vadd.f32 $1.000000000e+00, v11;
	v10 =	vld [tilespmem:s4+$0xFFFFFFC0];
	[tilespmem:s30+$0x30] =	vst v7  }
0x3a5: {  	v7 =	vmul.f32 v8, v0;
	v8 =	vmul.f32 v16, v0;
	v6 =	vmax.f32 v6, $-9.990000120e-01  }
0x3a6: {  	v13 =	vmul.f32 v4, v0;
	v4 =	vtrunc.f32 v12;
	v6 =	vmin.f32 v6, $9.990000120e-01;
	[tilespmem:s30+$0xFFFFFFC0] =	vst v9  }
0x3a7: {  	v9 =	vmul.f32 $1.000000000e+06, v7;
	v7 =	vadd.f32 $1.000000000e+00, v6;
	v6 =	vmul.f32 $1.000000000e+06, v8  }
.Ltmp10:
0x3a8: {  	v8 =	vmax.f32 v15, $-9.990000120e-01;
	v12 =	vmul.f32 $1.000000000e+06, v13;
	v13 =	vmul.f32 $1.000000000e+06, v5;
	(pc) =	sbr.rel @p2 .LBB2_22-.Ltmp10, $4  }
0x3a9: {  	v15 =	vmax.f32 v3, $-9.990000120e-01;
	v14 =	vtrunc.f32 v9;
	v5 =	vmax.f32 v10, $-9.990000120e-01  }
0x3aa: {  	v3 =	vmin.f32 v5, $9.990000120e-01;
	v5 =	vmin.f32 v8, $9.990000120e-01;
	v8 =	vtrunc.f32 v12  }
0x3ab: {  	v10 =	vmul.f32 v11, v0;
	v9 =	vadd.f32 $1.000000000e+00, v3;
	v3 =	vcvt.f32.s32 v8  }
0x3ac: {  	s4 =	sadd.s32 $0x80, s4;
	v11 =	vcvt.f32.s32 v14;
	v12 =	vmin.f32 v15, $9.990000120e-01;
	v8 =	vtrunc.f32 v13  }
0x3ad: {  	v7 =	vmul.f32 v7, v0;
	v6 =	vtrunc.f32 v6;
	v12 =	vadd.f32 $1.000000000e+00, v12  }
0x3ae: {  	v9 =	vmul.f32 v9, v0;
	v10 =	vmul.f32 $1.000000000e+06, v10;
	v2 =	vmax.f32 v2, $-9.990000120e-01  }
0x3af: {  	v4 =	vcvt.f32.s32 v4;
	v8 =	vcvt.f32.s32 v8;
	[tilespmem:s30+$0x20] =	vst v1;
	v1 =	vadd.f32 $1.000000000e+00, v5  }
0x3b0: {  	v2 =	vmin.f32 v2, $9.990000120e-01;
	v7 =	vmul.f32 $1.000000000e+06, v7;
	v9 =	vmul.f32 $1.000000000e+06, v9  }
0x3b1: {  	v6 =	vcvt.f32.s32 v6;
	v2 =	vadd.f32 $1.000000000e+00, v2;
	v1 =	vmul.f32 v1, v0  }
0x3b2: {  	[tilespmem:s30+$0x0] =	vst v4;
	v7 =	vtrunc.f32 v7;
	v4 =	vtrunc.f32 v9  }
0x3b3: {  	[tilespmem:s31+$0x20] =	vst v3;
	v9 =	vmul.f32 v12, v0;
	v2 =	vmul.f32 v2, v0  }
0x3b4: {  	[tilespmem:s31+$0xFFFFFFD0] =	vst v11;
	v1 =	vmul.f32 $1.000000000e+06, v1;
	v5 =	vcvt.f32.s32 v7  }
0x3b5: {  	[tilespmem:s30+$0x10] =	vst v8;
	v7 =	vtrunc.f32 v10;
	v4 =	vcvt.f32.s32 v4  }
0x3b6: {  	[tilespmem:s30+$0xFFFFFFF0] =	vst v6;
	v6 =	vcvt.f32.s32 v7;
	v7 =	vmul.f32 $1.000000000e+06, v9  }
0x3b7: {  	v2 =	vmul.f32 $1.000000000e+06, v2;
	v1 =	vtrunc.f32 v1;
	[tilespmem:s31+$0xFFFFFFE0] =	vst v5  }
0x3b8: {  	[tilespmem:s31+$0xFFFFFFC0] =	vst v4;
	v1 =	vcvt.f32.s32 v1;
	v5 =	vtrunc.f32 v7  }
0x3b9: {  	[tilespmem:s31+$0x30] =	vst v6;
	v2 =	vtrunc.f32 v2;
	v4 =	vcvt.f32.s32 v5  }
0x3ba: {  	v2 =	vcvt.f32.s32 v2;
	[tilespmem:s31+$0x10] =	vst v1  }
0x3bb: {  	[tilespmem:s31+$0x0] =	vst v4  }
0x3bc: {  	[tilespmem:s31+$0xFFFFFFF0] =	vst v2  }
0x3bd: {  	s0 =	rddreg [dreg:$0x10]  }
0x3be: {  	[tilespmem:s11], [sflag:$0x1] =	stream.linear.gather [hbm4b:s0+s3], $0x2000, $0x38;
	[tilespmem:$0x1F428] =	vst v63  }
0x3bf: {  	_ =	swait.ge [sflag:s25], $0x2000  }
0x3c0: {  	[sflag:s25] =	ssyncset.done $0x0  }
0x3c1: {  	[sflag:s25] =	ssyncadd.s32 $0xFFFFE000  }
0x3c2: {  	[tilespmem:s13], [sflag:$0x3] =	stream.indirect.gather [spmem:s1], $0x1, s21, s20, $0xb8;
	[tilespmem:$0x1F428] =	vst v63  }
0x3c3: {  	_ =	swait.ge [sflag:s26], $0x2000  }
0x3c4: {  	[sflag:s26] =	ssyncset.done $0x0  }
0x3c5: {  	s2 =	rddreg [dreg:$0x11];
	[sflag:s26] =	ssyncadd.s32 $0xFFFFE000  }
0x3c6: {  	[hbm4b:s2+s3] =	stream.linear.scatter [tilespmem:s14], [sflag:$0x6], $0x2000, $0x38;
	[tilespmem:$0x1F428] =	vst v63  }
0x3c7: {  	_ =	swait.ge [sflag:s19], $0x2000  }
0x3c8: {  	[sflag:s19] =	ssyncset.done $0x0  }
0x3c9: {  	s4 =	simm.s32 $0x11468;
	[sflag:s19] =	ssyncadd.s32 $0xFFFFE000  }
0x3ca: {  	v1 =	vld [tilespmem:s4+$0xFFFFFFD0]  }
0x3cb: {  	v2 =	vld [tilespmem:s4+$0x20]  }
0x3cc: {  	v3 =	vld [tilespmem:s4+$0x30]  }
0x3cd: {  	v4 =	vld [tilespmem:s4+$0xFFFFFFE0]  }
0x3ce: {  	v5 =	vld [tilespmem:s4+$0x10]  }
0x3cf: {  	v6 =	vld [tilespmem:s4+$0x0]  }
0x3d0: {  	v7 =	vld [tilespmem:s4+$0xFFFFFFC0]  }
0x3d1: {  	v8 =	vld [tilespmem:s4+$0xFFFFFFF0];
	_ =	sdelay $0x1  }
0x3d2: {  	v1 =	vmax.f32 v1, $-9.990000120e-01;
	v2 =	vmax.f32 v2, $-9.990000120e-01;
	v3 =	vmax.f32 v3, $-9.990000120e-01  }
0x3d3: {  	s4 =	simm.s32 $0x114E8;
	v4 =	vmax.f32 v4, $-9.990000120e-01;
	v1 =	vmin.f32 v1, $9.990000120e-01;
	v2 =	vmin.f32 v2, $9.990000120e-01  }
0x3d4: {  	v11 =	vld [tilespmem:s4+$0x20];
	v5 =	vmax.f32 v5, $-9.990000120e-01;
	v1 =	vadd.f32 $1.000000000e+00, v1;
	v2 =	vadd.f32 $1.000000000e+00, v2  }
0x3d5: {  	v7 =	vmax.f32 v7, $-9.990000120e-01;
	v6 =	vmax.f32 v6, $-9.990000120e-01;
	v8 =	vmax.f32 v8, $-9.990000120e-01  }
0x3d6: {  	v4 =	vmin.f32 v4, $9.990000120e-01;
	v1 =	vmul.f32 v1, v0;
	v2 =	vmul.f32 v2, v0  }
0x3d7: {  	v10 =	vld [tilespmem:s4+$0x30];
	v3 =	vmin.f32 v3, $9.990000120e-01;
	v5 =	vmin.f32 v5, $9.990000120e-01;
	v4 =	vadd.f32 $1.000000000e+00, v4  }
0x3d8: {  	v6 =	vmin.f32 v6, $9.990000120e-01;
	v1 =	vmul.f32 $1.000000000e+06, v1;
	v2 =	vmul.f32 $1.000000000e+06, v2  }
0x3d9: {  	v8 =	vmin.f32 v8, $9.990000120e-01;
	v11 =	vmax.f32 v11, $-9.990000120e-01;
	v4 =	vmul.f32 v4, v0  }
0x3da: {  	v9 =	vtrunc.f32 v1;
	v1 =	vmin.f32 v7, $9.990000120e-01;
	v2 =	vtrunc.f32 v2  }
0x3db: {  	v4 =	vmul.f32 $1.000000000e+06, v4;
	v7 =	vadd.f32 $1.000000000e+00, v1;
	v1 =	vcvt.f32.s32 v2;
	v2 =	vld [tilespmem:s4+$0xFFFFFFD0]  }
0x3dc: {  	v10 =	vmax.f32 v10, $-9.990000120e-01;
	v3 =	vadd.f32 $1.000000000e+00, v3;
	v6 =	vadd.f32 $1.000000000e+00, v6  }
0x3dd: {  	v8 =	vadd.f32 $1.000000000e+00, v8;
	v5 =	vadd.f32 $1.000000000e+00, v5;
	v4 =	vtrunc.f32 v4  }
0x3de: {  	v10 =	vmin.f32 v10, $9.990000120e-01;
	v3 =	vmul.f32 v3, v0;
	v12 =	vcvt.f32.s32 v4;
	v4 =	vld [tilespmem:s4+$0xFFFFFFE0]  }
0x3df: {  	v11 =	vmin.f32 v11, $9.990000120e-01;
	v6 =	vmul.f32 v6, v0;
	v7 =	vmul.f32 v7, v0  }
0x3e0: {  	v5 =	vmul.f32 v5, v0;
	v3 =	vmul.f32 $1.000000000e+06, v3;
	v2 =	vmax.f32 v2, $-9.990000120e-01  }
0x3e1: {  	v13 =	vld [tilespmem:s4+$0x10];
	v8 =	vmul.f32 v8, v0;
	v7 =	vmul.f32 $1.000000000e+06, v7;
	v2 =	vmin.f32 v2, $9.990000120e-01  }
0x3e2: {  	v16 =	vld [tilespmem:s4+$0xFFFFFFC0];
	v6 =	vmul.f32 $1.000000000e+06, v6;
	v3 =	vtrunc.f32 v3;
	v2 =	vadd.f32 $1.000000000e+00, v2  }
0x3e3: {  	v9 =	vcvt.f32.s32 v9;
	v4 =	vmax.f32 v4, $-9.990000120e-01;
	v7 =	vtrunc.f32 v7  }
0x3e4: {  	v15 =	vcvt.f32.s32 v7;
	v7 =	vadd.f32 $1.000000000e+00, v11;
	v2 =	vmul.f32 v2, v0  }
0x3e5: {  	v11 =	vmin.f32 v4, $9.990000120e-01;
	v4 =	vtrunc.f32 v6;
	v6 =	vmul.f32 $1.000000000e+06, v8  }
0x3e6: {  	v14 =	vld [tilespmem:s4+$0x0];
	v8 =	vmax.f32 v13, $-9.990000120e-01;
	v17 =	vmul.f32 v7, v0;
	v2 =	vmul.f32 $1.000000000e+06, v2  }
0x3e7: {  	v13 =	vmul.f32 $1.000000000e+06, v5;
	v5 =	vmax.f32 v16, $-9.990000120e-01;
	v7 =	vadd.f32 $1.000000000e+00, v11  }
0x3e8: {  	s30 =	simm.s32 $0x15468;
	v11 =	vmul.f32 $1.000000000e+06, v17;
	v63 =	vtrunc.f32 v2;
	v2 =	vmin.f32 v5, $9.990000120e-01  }
0x3e9: {  	v10 =	vadd.f32 $1.000000000e+00, v10;
	v3 =	vcvt.f32.s32 v3;
	[tilespmem:s30+$0xFFFFFFD0] =	vst v9;
	v9 =	vadd.f32 $1.000000000e+00, v2;
	v2 =	vld [tilespmem:s4+$0xFFFFFFF0]  }
0x3ea: {  	[tilespmem:s30+$0xFFFFFFE0] =	vst v12;
	v5 =	vmin.f32 v8, $9.990000120e-01;
	v8 =	vtrunc.f32 v11  }
0x3eb: {  	s31 =	simm.s32 $0x154E8;
	v14 =	vmax.f32 v14, $-9.990000120e-01;
	v10 =	vmul.f32 v10, v0;
	[tilespmem:s30+$0x30] =	vst v3;
	v3 =	vcvt.f32.s32 v8  }
0x3ec: {  	s0 =	simm.s32 $0x80;
	s2 =	simm.s32 $0x154E8;
	v12 =	vmin.f32 v14, $9.990000120e-01;
	[tilespmem:s30+$0xFFFFFFC0] =	vst v15;
	v11 =	vcvt.f32.s32 v63;
	s4 =	simm.s32 $0x11568;
	v8 =	vtrunc.f32 v13  }
.LBB2_24:
0x3ed: {  	v13 =	vld [tilespmem:s4+$0xFFFFFFD0];
	s0 =	sadd.s32 $0x80, s0;
	v7 =	vmul.f32 v7, v0;
	v12 =	vadd.f32 $1.000000000e+00, v12;
	s2 =	sadd.s32 $0x80, s2;
	v6 =	vtrunc.f32 v6  }
0x3ee: {  	v9 =	vmul.f32 v9, v0;
	v2 =	vmax.f32 v2, $-9.990000120e-01;
	v10 =	vmul.f32 $1.000000000e+06, v10;
	v14 =	vld [tilespmem:s4+$0x30];
	[tilespmem:s31+$0xFFFFFFD0] =	vst v11  }
0x3ef: {  	v4 =	vcvt.f32.s32 v4;
	p2 =	slt.u32 s0, $0x1F80;
	v2 =	vmin.f32 v2, $9.990000120e-01;
	v11 =	vld [tilespmem:s4+$0x20];
	v7 =	vmul.f32 $1.000000000e+06, v7  }
0x3f0: {  	v6 =	vcvt.f32.s32 v6;
	v9 =	vmul.f32 $1.000000000e+06, v9;
	v16 =	vadd.f32 $1.000000000e+00, v2;
	v15 =	vld [tilespmem:s4+$0x10];
	[tilespmem:s30+$0x20] =	vst v1;
	v1 =	vmovc v3  }
0x3f1: {  	v5 =	vadd.f32 $1.000000000e+00, v5;
	v3 =	vld [tilespmem:s4+$0x0];
	v7 =	vtrunc.f32 v7;
	[tilespmem:s30+$0x0] =	vst v4;
	v4 =	vcvt.f32.s32 v8  }
0x3f2: {  	v10 =	vtrunc.f32 v10;
	v8 =	vmax.f32 v13, $-9.990000120e-01;
	v2 =	vld [tilespmem:s4+$0xFFFFFFF0];
	v7 =	vcvt.f32.s32 v7;
	[tilespmem:s30+$0xFFFFFFF0] =	vst v6  }
0x3f3: {  	v12 =	vmul.f32 v12, v0;
	v9 =	vtrunc.f32 v9;
	v6 =	vld [tilespmem:s4+$0xFFFFFFE0];
	[tilespmem:s30+$0x10] =	vst v4;
	s30 =	smov.u32 s31;
	s31 =	smov.u32 s2  }
0x3f4: {  	v5 =	vmul.f32 v5, v0;
	v4 =	vmax.f32 v11, $-9.990000120e-01;
	v11 =	vmax.f32 v14, $-9.990000120e-01  }
0x3f5: {  	v8 =	vmin.f32 v8, $9.990000120e-01;
	v11 =	vmin.f32 v11, $9.990000120e-01;
	[tilespmem:s30+$0xFFFFFFE0] =	vst v7;
	v7 =	vcvt.f32.s32 v10  }
0x3f6: {  	v9 =	vcvt.f32.s32 v9;
	v8 =	vadd.f32 $1.000000000e+00, v8;
	v4 =	vmin.f32 v4, $9.990000120e-01  }
0x3f7: {  	v12 =	vmul.f32 $1.000000000e+06, v12;
	v4 =	vadd.f32 $1.000000000e+00, v4;
	v11 =	vadd.f32 $1.000000000e+00, v11;
	v10 =	vld [tilespmem:s4+$0xFFFFFFC0];
	[tilespmem:s30+$0x30] =	vst v7  }
0x3f8: {  	v7 =	vmul.f32 v8, v0;
	v8 =	vmul.f32 v16, v0;
	v6 =	vmax.f32 v6, $-9.990000120e-01  }
0x3f9: {  	v13 =	vmul.f32 v4, v0;
	v4 =	vtrunc.f32 v12;
	v6 =	vmin.f32 v6, $9.990000120e-01;
	[tilespmem:s30+$0xFFFFFFC0] =	vst v9  }
0x3fa: {  	v9 =	vmul.f32 $1.000000000e+06, v7;
	v7 =	vadd.f32 $1.000000000e+00, v6;
	v6 =	vmul.f32 $1.000000000e+06, v8  }
.Ltmp11:
0x3fb: {  	v8 =	vmax.f32 v15, $-9.990000120e-01;
	v12 =	vmul.f32 $1.000000000e+06, v13;
	v13 =	vmul.f32 $1.000000000e+06, v5;
	(pc) =	sbr.rel @p2 .LBB2_24-.Ltmp11, $4  }
0x3fc: {  	v15 =	vmax.f32 v3, $-9.990000120e-01;
	v14 =	vtrunc.f32 v9;
	v5 =	vmax.f32 v10, $-9.990000120e-01  }
0x3fd: {  	v3 =	vmin.f32 v5, $9.990000120e-01;
	v5 =	vmin.f32 v8, $9.990000120e-01;
	v8 =	vtrunc.f32 v12  }
0x3fe: {  	v10 =	vmul.f32 v11, v0;
	v9 =	vadd.f32 $1.000000000e+00, v3;
	v3 =	vcvt.f32.s32 v8  }
0x3ff: {  	s4 =	sadd.s32 $0x80, s4;
	v11 =	vcvt.f32.s32 v14;
	v12 =	vmin.f32 v15, $9.990000120e-01;
	v8 =	vtrunc.f32 v13  }
0x400: {  	v7 =	vmul.f32 v7, v0;
	v6 =	vtrunc.f32 v6;
	v12 =	vadd.f32 $1.000000000e+00, v12  }
0x401: {  	v9 =	vmul.f32 v9, v0;
	v10 =	vmul.f32 $1.000000000e+06, v10;
	v2 =	vmax.f32 v2, $-9.990000120e-01  }
0x402: {  	v4 =	vcvt.f32.s32 v4;
	v8 =	vcvt.f32.s32 v8;
	[tilespmem:s30+$0x20] =	vst v1;
	v1 =	vadd.f32 $1.000000000e+00, v5  }
0x403: {  	v2 =	vmin.f32 v2, $9.990000120e-01;
	v7 =	vmul.f32 $1.000000000e+06, v7;
	v9 =	vmul.f32 $1.000000000e+06, v9  }
0x404: {  	v6 =	vcvt.f32.s32 v6;
	v2 =	vadd.f32 $1.000000000e+00, v2;
	v1 =	vmul.f32 v1, v0  }
0x405: {  	[tilespmem:s30+$0x0] =	vst v4;
	v7 =	vtrunc.f32 v7;
	v4 =	vtrunc.f32 v9  }
0x406: {  	[tilespmem:s31+$0x20] =	vst v3;
	v9 =	vmul.f32 v12, v0;
	v2 =	vmul.f32 v2, v0  }
0x407: {  	[tilespmem:s31+$0xFFFFFFD0] =	vst v11;
	v1 =	vmul.f32 $1.000000000e+06, v1;
	v5 =	vcvt.f32.s32 v7  }
0x408: {  	[tilespmem:s30+$0x10] =	vst v8;
	v7 =	vtrunc.f32 v10;
	v4 =	vcvt.f32.s32 v4  }
0x409: {  	[tilespmem:s30+$0xFFFFFFF0] =	vst v6;
	v6 =	vcvt.f32.s32 v7;
	v7 =	vmul.f32 $1.000000000e+06, v9  }
0x40a: {  	v2 =	vmul.f32 $1.000000000e+06, v2;
	v1 =	vtrunc.f32 v1;
	[tilespmem:s31+$0xFFFFFFE0] =	vst v5  }
0x40b: {  	[tilespmem:s31+$0xFFFFFFC0] =	vst v4;
	v1 =	vcvt.f32.s32 v1;
	v5 =	vtrunc.f32 v7  }
0x40c: {  	[tilespmem:s31+$0x30] =	vst v6;
	v2 =	vtrunc.f32 v2;
	v4 =	vcvt.f32.s32 v5  }
0x40d: {  	v2 =	vcvt.f32.s32 v2;
	[tilespmem:s31+$0x10] =	vst v1  }
0x40e: {  	[tilespmem:s31+$0x0] =	vst v4  }
0x40f: {  	[tilespmem:s31+$0xFFFFFFF0] =	vst v2  }
0x410: {  	s0 =	rddreg [dreg:$0x12]  }
0x411: {  	[tilespmem:s12], [sflag:$0x2] =	stream.linear.gather [hbm4b:s0+s3], $0x2000, $0x38;
	[tilespmem:$0x1F428] =	vst v63  }
0x412: {  	_ =	swait.ge [sflag:s28], $0x2000  }
0x413: {  	[sflag:s28] =	ssyncset.done $0x0  }
0x414: {  	[sflag:s28] =	ssyncadd.s32 $0xFFFFE000  }
0x415: {  	[tilespmem:s14], [sflag:$0x4] =	stream.indirect.gather [spmem:s1], $0x1, s22, s20, $0xb8;
	[tilespmem:$0x1F428] =	vst v63  }
0x416: {  	_ =	swait.ge [sflag:s24], $0x2000  }
0x417: {  	[sflag:s24] =	ssyncset.done $0x0  }
0x418: {  	s2 =	rddreg [dreg:$0x13];
	[sflag:s24] =	ssyncadd.s32 $0xFFFFE000  }
0x419: {  	[hbm4b:s2+s3] =	stream.linear.scatter [tilespmem:s13], [sflag:$0x5], $0x2000, $0x38;
	[tilespmem:$0x1F428] =	vst v63  }
0x41a: {  	_ =	swait.ge [sflag:s16], $0x2000  }
0x41b: {  	[sflag:s16] =	ssyncset.done $0x0  }
0x41c: {  	s4 =	simm.s32 $0xF468;
	[sflag:s16] =	ssyncadd.s32 $0xFFFFE000  }
0x41d: {  	v1 =	vld [tilespmem:s4+$0xFFFFFFD0]  }
0x41e: {  	v2 =	vld [tilespmem:s4+$0x20]  }
0x41f: {  	v3 =	vld [tilespmem:s4+$0x30]  }
0x420: {  	v4 =	vld [tilespmem:s4+$0xFFFFFFE0]  }
0x421: {  	v5 =	vld [tilespmem:s4+$0x10]  }
0x422: {  	v6 =	vld [tilespmem:s4+$0x0]  }
0x423: {  	v7 =	vld [tilespmem:s4+$0xFFFFFFC0]  }
0x424: {  	v8 =	vld [tilespmem:s4+$0xFFFFFFF0];
	_ =	sdelay $0x1  }
0x425: {  	v1 =	vmax.f32 v1, $-9.990000120e-01;
	v2 =	vmax.f32 v2, $-9.990000120e-01;
	v3 =	vmax.f32 v3, $-9.990000120e-01  }
0x426: {  	s4 =	simm.s32 $0xF4E8;
	v4 =	vmax.f32 v4, $-9.990000120e-01;
	v1 =	vmin.f32 v1, $9.990000120e-01;
	v2 =	vmin.f32 v2, $9.990000120e-01  }
0x427: {  	v11 =	vld [tilespmem:s4+$0x20];
	v5 =	vmax.f32 v5, $-9.990000120e-01;
	v1 =	vadd.f32 $1.000000000e+00, v1;
	v2 =	vadd.f32 $1.000000000e+00, v2  }
0x428: {  	v7 =	vmax.f32 v7, $-9.990000120e-01;
	v6 =	vmax.f32 v6, $-9.990000120e-01;
	v8 =	vmax.f32 v8, $-9.990000120e-01  }
0x429: {  	v4 =	vmin.f32 v4, $9.990000120e-01;
	v1 =	vmul.f32 v1, v0;
	v2 =	vmul.f32 v2, v0  }
0x42a: {  	v10 =	vld [tilespmem:s4+$0x30];
	v3 =	vmin.f32 v3, $9.990000120e-01;
	v5 =	vmin.f32 v5, $9.990000120e-01;
	v4 =	vadd.f32 $1.000000000e+00, v4  }
0x42b: {  	v6 =	vmin.f32 v6, $9.990000120e-01;
	v1 =	vmul.f32 $1.000000000e+06, v1;
	v2 =	vmul.f32 $1.000000000e+06, v2  }
0x42c: {  	v8 =	vmin.f32 v8, $9.990000120e-01;
	v11 =	vmax.f32 v11, $-9.990000120e-01;
	v4 =	vmul.f32 v4, v0  }
0x42d: {  	v9 =	vtrunc.f32 v1;
	v1 =	vmin.f32 v7, $9.990000120e-01;
	v2 =	vtrunc.f32 v2  }
0x42e: {  	v4 =	vmul.f32 $1.000000000e+06, v4;
	v7 =	vadd.f32 $1.000000000e+00, v1;
	v1 =	vcvt.f32.s32 v2;
	v2 =	vld [tilespmem:s4+$0xFFFFFFD0]  }
0x42f: {  	v10 =	vmax.f32 v10, $-9.990000120e-01;
	v3 =	vadd.f32 $1.000000000e+00, v3;
	v6 =	vadd.f32 $1.000000000e+00, v6  }
0x430: {  	v8 =	vadd.f32 $1.000000000e+00, v8;
	v5 =	vadd.f32 $1.000000000e+00, v5;
	v4 =	vtrunc.f32 v4  }
0x431: {  	v10 =	vmin.f32 v10, $9.990000120e-01;
	v3 =	vmul.f32 v3, v0;
	v12 =	vcvt.f32.s32 v4;
	v4 =	vld [tilespmem:s4+$0xFFFFFFE0]  }
0x432: {  	v11 =	vmin.f32 v11, $9.990000120e-01;
	v6 =	vmul.f32 v6, v0;
	v7 =	vmul.f32 v7, v0  }
0x433: {  	v5 =	vmul.f32 v5, v0;
	v3 =	vmul.f32 $1.000000000e+06, v3;
	v2 =	vmax.f32 v2, $-9.990000120e-01  }
0x434: {  	v13 =	vld [tilespmem:s4+$0x10];
	v8 =	vmul.f32 v8, v0;
	v7 =	vmul.f32 $1.000000000e+06, v7;
	v2 =	vmin.f32 v2, $9.990000120e-01  }
0x435: {  	v16 =	vld [tilespmem:s4+$0xFFFFFFC0];
	v6 =	vmul.f32 $1.000000000e+06, v6;
	v3 =	vtrunc.f32 v3;
	v2 =	vadd.f32 $1.000000000e+00, v2  }
0x436: {  	v9 =	vcvt.f32.s32 v9;
	v4 =	vmax.f32 v4, $-9.990000120e-01;
	v7 =	vtrunc.f32 v7  }
0x437: {  	v15 =	vcvt.f32.s32 v7;
	v7 =	vadd.f32 $1.000000000e+00, v11;
	v2 =	vmul.f32 v2, v0  }
0x438: {  	v11 =	vmin.f32 v4, $9.990000120e-01;
	v4 =	vtrunc.f32 v6;
	v6 =	vmul.f32 $1.000000000e+06, v8  }
0x439: {  	v14 =	vld [tilespmem:s4+$0x0];
	v8 =	vmax.f32 v13, $-9.990000120e-01;
	v17 =	vmul.f32 v7, v0;
	v2 =	vmul.f32 $1.000000000e+06, v2  }
0x43a: {  	v13 =	vmul.f32 $1.000000000e+06, v5;
	v5 =	vmax.f32 v16, $-9.990000120e-01;
	v7 =	vadd.f32 $1.000000000e+00, v11  }
0x43b: {  	s30 =	simm.s32 $0x13468;
	v11 =	vmul.f32 $1.000000000e+06, v17;
	v63 =	vtrunc.f32 v2;
	v2 =	vmin.f32 v5, $9.990000120e-01  }
0x43c: {  	v10 =	vadd.f32 $1.000000000e+00, v10;
	v3 =	vcvt.f32.s32 v3;
	[tilespmem:s30+$0xFFFFFFD0] =	vst v9;
	v9 =	vadd.f32 $1.000000000e+00, v2;
	v2 =	vld [tilespmem:s4+$0xFFFFFFF0]  }
0x43d: {  	[tilespmem:s30+$0xFFFFFFE0] =	vst v12;
	v5 =	vmin.f32 v8, $9.990000120e-01;
	v8 =	vtrunc.f32 v11  }
0x43e: {  	s31 =	simm.s32 $0x134E8;
	v14 =	vmax.f32 v14, $-9.990000120e-01;
	v10 =	vmul.f32 v10, v0;
	[tilespmem:s30+$0x30] =	vst v3;
	v3 =	vcvt.f32.s32 v8  }
0x43f: {  	s0 =	simm.s32 $0x80;
	s2 =	simm.s32 $0x134E8;
	v12 =	vmin.f32 v14, $9.990000120e-01;
	[tilespmem:s30+$0xFFFFFFC0] =	vst v15;
	v11 =	vcvt.f32.s32 v63;
	s4 =	simm.s32 $0xF568;
	v8 =	vtrunc.f32 v13  }
.LBB2_26:
0x440: {  	v13 =	vld [tilespmem:s4+$0xFFFFFFD0];
	s0 =	sadd.s32 $0x80, s0;
	v7 =	vmul.f32 v7, v0;
	v12 =	vadd.f32 $1.000000000e+00, v12;
	s2 =	sadd.s32 $0x80, s2;
	v6 =	vtrunc.f32 v6  }
0x441: {  	v9 =	vmul.f32 v9, v0;
	v2 =	vmax.f32 v2, $-9.990000120e-01;
	v10 =	vmul.f32 $1.000000000e+06, v10;
	v14 =	vld [tilespmem:s4+$0x30];
	[tilespmem:s31+$0xFFFFFFD0] =	vst v11  }
0x442: {  	v4 =	vcvt.f32.s32 v4;
	p2 =	slt.u32 s0, $0x1F80;
	v2 =	vmin.f32 v2, $9.990000120e-01;
	v11 =	vld [tilespmem:s4+$0x20];
	v7 =	vmul.f32 $1.000000000e+06, v7  }
0x443: {  	v6 =	vcvt.f32.s32 v6;
	v9 =	vmul.f32 $1.000000000e+06, v9;
	v16 =	vadd.f32 $1.000000000e+00, v2;
	v15 =	vld [tilespmem:s4+$0x10];
	[tilespmem:s30+$0x20] =	vst v1;
	v1 =	vmovc v3  }
0x444: {  	v5 =	vadd.f32 $1.000000000e+00, v5;
	v3 =	vld [tilespmem:s4+$0x0];
	v7 =	vtrunc.f32 v7;
	[tilespmem:s30+$0x0] =	vst v4;
	v4 =	vcvt.f32.s32 v8  }
0x445: {  	v10 =	vtrunc.f32 v10;
	v8 =	vmax.f32 v13, $-9.990000120e-01;
	v2 =	vld [tilespmem:s4+$0xFFFFFFF0];
	v7 =	vcvt.f32.s32 v7;
	[tilespmem:s30+$0xFFFFFFF0] =	vst v6  }
0x446: {  	v12 =	vmul.f32 v12, v0;
	v9 =	vtrunc.f32 v9;
	v6 =	vld [tilespmem:s4+$0xFFFFFFE0];
	[tilespmem:s30+$0x10] =	vst v4;
	s30 =	smov.u32 s31;
	s31 =	smov.u32 s2  }
0x447: {  	v5 =	vmul.f32 v5, v0;
	v4 =	vmax.f32 v11, $-9.990000120e-01;
	v11 =	vmax.f32 v14, $-9.990000120e-01  }
0x448: {  	v8 =	vmin.f32 v8, $9.990000120e-01;
	v11 =	vmin.f32 v11, $9.990000120e-01;
	[tilespmem:s30+$0xFFFFFFE0] =	vst v7;
	v7 =	vcvt.f32.s32 v10  }
0x449: {  	v9 =	vcvt.f32.s32 v9;
	v8 =	vadd.f32 $1.000000000e+00, v8;
	v4 =	vmin.f32 v4, $9.990000120e-01  }
0x44a: {  	v12 =	vmul.f32 $1.000000000e+06, v12;
	v4 =	vadd.f32 $1.000000000e+00, v4;
	v11 =	vadd.f32 $1.000000000e+00, v11;
	v10 =	vld [tilespmem:s4+$0xFFFFFFC0];
	[tilespmem:s30+$0x30] =	vst v7  }
0x44b: {  	v7 =	vmul.f32 v8, v0;
	v8 =	vmul.f32 v16, v0;
	v6 =	vmax.f32 v6, $-9.990000120e-01  }
0x44c: {  	v13 =	vmul.f32 v4, v0;
	v4 =	vtrunc.f32 v12;
	v6 =	vmin.f32 v6, $9.990000120e-01;
	[tilespmem:s30+$0xFFFFFFC0] =	vst v9  }
0x44d: {  	v9 =	vmul.f32 $1.000000000e+06, v7;
	v7 =	vadd.f32 $1.000000000e+00, v6;
	v6 =	vmul.f32 $1.000000000e+06, v8  }
.Ltmp12:
0x44e: {  	v8 =	vmax.f32 v15, $-9.990000120e-01;
	v12 =	vmul.f32 $1.000000000e+06, v13;
	v13 =	vmul.f32 $1.000000000e+06, v5;
	(pc) =	sbr.rel @p2 .LBB2_26-.Ltmp12, $4  }
0x44f: {  	v15 =	vmax.f32 v3, $-9.990000120e-01;
	v14 =	vtrunc.f32 v9;
	v5 =	vmax.f32 v10, $-9.990000120e-01  }
0x450: {  	v3 =	vmin.f32 v5, $9.990000120e-01;
	v5 =	vmin.f32 v8, $9.990000120e-01;
	v8 =	vtrunc.f32 v12  }
0x451: {  	v10 =	vmul.f32 v11, v0;
	v9 =	vadd.f32 $1.000000000e+00, v3;
	v3 =	vcvt.f32.s32 v8  }
0x452: {  	s4 =	sadd.s32 $0x80, s4;
	v11 =	vcvt.f32.s32 v14;
	v12 =	vmin.f32 v15, $9.990000120e-01;
	v8 =	vtrunc.f32 v13  }
0x453: {  	v7 =	vmul.f32 v7, v0;
	v6 =	vtrunc.f32 v6;
	v12 =	vadd.f32 $1.000000000e+00, v12  }
0x454: {  	v9 =	vmul.f32 v9, v0;
	v10 =	vmul.f32 $1.000000000e+06, v10;
	v2 =	vmax.f32 v2, $-9.990000120e-01  }
0x455: {  	v4 =	vcvt.f32.s32 v4;
	v8 =	vcvt.f32.s32 v8;
	[tilespmem:s30+$0x20] =	vst v1;
	v1 =	vadd.f32 $1.000000000e+00, v5  }
0x456: {  	v2 =	vmin.f32 v2, $9.990000120e-01;
	v7 =	vmul.f32 $1.000000000e+06, v7;
	v9 =	vmul.f32 $1.000000000e+06, v9  }
0x457: {  	v6 =	vcvt.f32.s32 v6;
	v2 =	vadd.f32 $1.000000000e+00, v2;
	v1 =	vmul.f32 v1, v0  }
0x458: {  	[tilespmem:s30+$0x0] =	vst v4;
	v7 =	vtrunc.f32 v7;
	v4 =	vtrunc.f32 v9  }
0x459: {  	[tilespmem:s31+$0x20] =	vst v3;
	v9 =	vmul.f32 v12, v0;
	v2 =	vmul.f32 v2, v0  }
0x45a: {  	[tilespmem:s31+$0xFFFFFFD0] =	vst v11;
	v1 =	vmul.f32 $1.000000000e+06, v1;
	v5 =	vcvt.f32.s32 v7  }
0x45b: {  	[tilespmem:s30+$0x10] =	vst v8;
	v7 =	vtrunc.f32 v10;
	v4 =	vcvt.f32.s32 v4  }
0x45c: {  	[tilespmem:s30+$0xFFFFFFF0] =	vst v6;
	v6 =	vcvt.f32.s32 v7;
	v7 =	vmul.f32 $1.000000000e+06, v9  }
0x45d: {  	v2 =	vmul.f32 $1.000000000e+06, v2;
	v1 =	vtrunc.f32 v1;
	[tilespmem:s31+$0xFFFFFFE0] =	vst v5  }
0x45e: {  	[tilespmem:s31+$0xFFFFFFC0] =	vst v4;
	v1 =	vcvt.f32.s32 v1;
	v5 =	vtrunc.f32 v7  }
0x45f: {  	[tilespmem:s31+$0x30] =	vst v6;
	v2 =	vtrunc.f32 v2;
	v4 =	vcvt.f32.s32 v5  }
0x460: {  	v2 =	vcvt.f32.s32 v2;
	[tilespmem:s31+$0x10] =	vst v1  }
0x461: {  	[tilespmem:s31+$0x0] =	vst v4  }
0x462: {  	[tilespmem:s31+$0xFFFFFFF0] =	vst v2  }
0x463: {  	_ =	swait.ge [sflag:s25], $0x2000  }
0x464: {  	[sflag:s25] =	ssyncset.done $0x0  }
0x465: {  	[sflag:s25] =	ssyncadd.s32 $0xFFFFE000  }
0x466: {  	[tilespmem:s13], [sflag:$0x3] =	stream.indirect.gather [spmem:s1], $0x1, s21, s20, $0xb8;
	[tilespmem:$0x1F428] =	vst v63  }
0x467: {  	_ =	swait.ge [sflag:s26], $0x2000  }
0x468: {  	[sflag:s26] =	ssyncset.done $0x0  }
0x469: {  	s0 =	rddreg [dreg:$0x14];
	[sflag:s26] =	ssyncadd.s32 $0xFFFFE000  }
0x46a: {  	[hbm4b:s0+s3] =	stream.linear.scatter [tilespmem:s14], [sflag:$0x6], $0x2000, $0x38;
	[tilespmem:$0x1F428] =	vst v63  }
0x46b: {  	_ =	swait.ge [sflag:s19], $0x2000  }
0x46c: {  	[sflag:s19] =	ssyncset.done $0x0  }
0x46d: {  	s4 =	simm.s32 $0x11468;
	[sflag:s19] =	ssyncadd.s32 $0xFFFFE000  }
0x46e: {  	v1 =	vld [tilespmem:s4+$0xFFFFFFD0]  }
0x46f: {  	v2 =	vld [tilespmem:s4+$0x20]  }
0x470: {  	v3 =	vld [tilespmem:s4+$0x30]  }
0x471: {  	v4 =	vld [tilespmem:s4+$0xFFFFFFE0]  }
0x472: {  	v5 =	vld [tilespmem:s4+$0x10]  }
0x473: {  	v6 =	vld [tilespmem:s4+$0x0]  }
0x474: {  	v7 =	vld [tilespmem:s4+$0xFFFFFFC0]  }
0x475: {  	v8 =	vld [tilespmem:s4+$0xFFFFFFF0];
	_ =	sdelay $0x1  }
0x476: {  	v1 =	vmax.f32 v1, $-9.990000120e-01;
	v2 =	vmax.f32 v2, $-9.990000120e-01;
	v3 =	vmax.f32 v3, $-9.990000120e-01  }
0x477: {  	s4 =	simm.s32 $0x114E8;
	v4 =	vmax.f32 v4, $-9.990000120e-01;
	v1 =	vmin.f32 v1, $9.990000120e-01;
	v2 =	vmin.f32 v2, $9.990000120e-01  }
0x478: {  	v11 =	vld [tilespmem:s4+$0x20];
	v5 =	vmax.f32 v5, $-9.990000120e-01;
	v1 =	vadd.f32 $1.000000000e+00, v1;
	v2 =	vadd.f32 $1.000000000e+00, v2  }
0x479: {  	v7 =	vmax.f32 v7, $-9.990000120e-01;
	v6 =	vmax.f32 v6, $-9.990000120e-01;
	v8 =	vmax.f32 v8, $-9.990000120e-01  }
0x47a: {  	v4 =	vmin.f32 v4, $9.990000120e-01;
	v1 =	vmul.f32 v1, v0;
	v2 =	vmul.f32 v2, v0  }
0x47b: {  	v10 =	vld [tilespmem:s4+$0x30];
	v3 =	vmin.f32 v3, $9.990000120e-01;
	v5 =	vmin.f32 v5, $9.990000120e-01;
	v4 =	vadd.f32 $1.000000000e+00, v4  }
0x47c: {  	v6 =	vmin.f32 v6, $9.990000120e-01;
	v1 =	vmul.f32 $1.000000000e+06, v1;
	v2 =	vmul.f32 $1.000000000e+06, v2  }
0x47d: {  	v8 =	vmin.f32 v8, $9.990000120e-01;
	v11 =	vmax.f32 v11, $-9.990000120e-01;
	v4 =	vmul.f32 v4, v0  }
0x47e: {  	v9 =	vtrunc.f32 v1;
	v1 =	vmin.f32 v7, $9.990000120e-01;
	v2 =	vtrunc.f32 v2  }
0x47f: {  	v4 =	vmul.f32 $1.000000000e+06, v4;
	v7 =	vadd.f32 $1.000000000e+00, v1;
	v1 =	vcvt.f32.s32 v2;
	v2 =	vld [tilespmem:s4+$0xFFFFFFD0]  }
0x480: {  	v10 =	vmax.f32 v10, $-9.990000120e-01;
	v3 =	vadd.f32 $1.000000000e+00, v3;
	v6 =	vadd.f32 $1.000000000e+00, v6  }
0x481: {  	v8 =	vadd.f32 $1.000000000e+00, v8;
	v5 =	vadd.f32 $1.000000000e+00, v5;
	v4 =	vtrunc.f32 v4  }
0x482: {  	v10 =	vmin.f32 v10, $9.990000120e-01;
	v3 =	vmul.f32 v3, v0;
	v12 =	vcvt.f32.s32 v4;
	v4 =	vld [tilespmem:s4+$0xFFFFFFE0]  }
0x483: {  	v11 =	vmin.f32 v11, $9.990000120e-01;
	v6 =	vmul.f32 v6, v0;
	v7 =	vmul.f32 v7, v0  }
0x484: {  	v5 =	vmul.f32 v5, v0;
	v3 =	vmul.f32 $1.000000000e+06, v3;
	v2 =	vmax.f32 v2, $-9.990000120e-01  }
0x485: {  	v13 =	vld [tilespmem:s4+$0x10];
	v8 =	vmul.f32 v8, v0;
	v7 =	vmul.f32 $1.000000000e+06, v7;
	v2 =	vmin.f32 v2, $9.990000120e-01  }
0x486: {  	v16 =	vld [tilespmem:s4+$0xFFFFFFC0];
	v6 =	vmul.f32 $1.000000000e+06, v6;
	v3 =	vtrunc.f32 v3;
	v2 =	vadd.f32 $1.000000000e+00, v2  }
0x487: {  	v9 =	vcvt.f32.s32 v9;
	v4 =	vmax.f32 v4, $-9.990000120e-01;
	v7 =	vtrunc.f32 v7  }
0x488: {  	v15 =	vcvt.f32.s32 v7;
	v7 =	vadd.f32 $1.000000000e+00, v11;
	v2 =	vmul.f32 v2, v0  }
0x489: {  	v11 =	vmin.f32 v4, $9.990000120e-01;
	v4 =	vtrunc.f32 v6;
	v6 =	vmul.f32 $1.000000000e+06, v8  }
0x48a: {  	v14 =	vld [tilespmem:s4+$0x0];
	v8 =	vmax.f32 v13, $-9.990000120e-01;
	v17 =	vmul.f32 v7, v0;
	v2 =	vmul.f32 $1.000000000e+06, v2  }
0x48b: {  	v13 =	vmul.f32 $1.000000000e+06, v5;
	v5 =	vmax.f32 v16, $-9.990000120e-01;
	v7 =	vadd.f32 $1.000000000e+00, v11  }
0x48c: {  	s30 =	simm.s32 $0x15468;
	v11 =	vmul.f32 $1.000000000e+06, v17;
	v63 =	vtrunc.f32 v2;
	v2 =	vmin.f32 v5, $9.990000120e-01  }
0x48d: {  	v10 =	vadd.f32 $1.000000000e+00, v10;
	v3 =	vcvt.f32.s32 v3;
	[tilespmem:s30+$0xFFFFFFD0] =	vst v9;
	v9 =	vadd.f32 $1.000000000e+00, v2;
	v2 =	vld [tilespmem:s4+$0xFFFFFFF0]  }
0x48e: {  	[tilespmem:s30+$0xFFFFFFE0] =	vst v12;
	v5 =	vmin.f32 v8, $9.990000120e-01;
	v8 =	vtrunc.f32 v11  }
0x48f: {  	s2 =	simm.s32 $0x154E8;
	v14 =	vmax.f32 v14, $-9.990000120e-01;
	v10 =	vmul.f32 v10, v0;
	[tilespmem:s30+$0x30] =	vst v3;
	v3 =	vcvt.f32.s32 v8  }
0x490: {  	s31 =	simm.s32 $0x154E8;
	s0 =	simm.s32 $0x80;
	v12 =	vmin.f32 v14, $9.990000120e-01;
	[tilespmem:s30+$0xFFFFFFC0] =	vst v15;
	v11 =	vcvt.f32.s32 v63;
	s4 =	simm.s32 $0x11568;
	v8 =	vtrunc.f32 v13  }
.LBB2_28:
0x491: {  	v13 =	vld [tilespmem:s4+$0xFFFFFFD0];
	s0 =	sadd.s32 $0x80, s0;
	v7 =	vmul.f32 v7, v0;
	v12 =	vadd.f32 $1.000000000e+00, v12;
	s2 =	sadd.s32 $0x80, s2;
	v6 =	vtrunc.f32 v6  }
0x492: {  	v9 =	vmul.f32 v9, v0;
	v2 =	vmax.f32 v2, $-9.990000120e-01;
	v10 =	vmul.f32 $1.000000000e+06, v10;
	v14 =	vld [tilespmem:s4+$0x30];
	[tilespmem:s31+$0xFFFFFFD0] =	vst v11  }
0x493: {  	v4 =	vcvt.f32.s32 v4;
	p2 =	slt.u32 s0, $0x1F80;
	v2 =	vmin.f32 v2, $9.990000120e-01;
	v11 =	vld [tilespmem:s4+$0x20];
	v7 =	vmul.f32 $1.000000000e+06, v7  }
0x494: {  	v6 =	vcvt.f32.s32 v6;
	v9 =	vmul.f32 $1.000000000e+06, v9;
	v16 =	vadd.f32 $1.000000000e+00, v2;
	v15 =	vld [tilespmem:s4+$0x10];
	[tilespmem:s30+$0x20] =	vst v1;
	v1 =	vmovc v3  }
0x495: {  	v5 =	vadd.f32 $1.000000000e+00, v5;
	v3 =	vld [tilespmem:s4+$0x0];
	v7 =	vtrunc.f32 v7;
	[tilespmem:s30+$0x0] =	vst v4;
	v4 =	vcvt.f32.s32 v8  }
0x496: {  	v10 =	vtrunc.f32 v10;
	v8 =	vmax.f32 v13, $-9.990000120e-01;
	v2 =	vld [tilespmem:s4+$0xFFFFFFF0];
	v7 =	vcvt.f32.s32 v7;
	[tilespmem:s30+$0xFFFFFFF0] =	vst v6  }
0x497: {  	v12 =	vmul.f32 v12, v0;
	v9 =	vtrunc.f32 v9;
	v6 =	vld [tilespmem:s4+$0xFFFFFFE0];
	[tilespmem:s30+$0x10] =	vst v4;
	s30 =	smov.u32 s31;
	s31 =	smov.u32 s2  }
0x498: {  	v5 =	vmul.f32 v5, v0;
	v4 =	vmax.f32 v11, $-9.990000120e-01;
	v11 =	vmax.f32 v14, $-9.990000120e-01  }
0x499: {  	v8 =	vmin.f32 v8, $9.990000120e-01;
	v11 =	vmin.f32 v11, $9.990000120e-01;
	[tilespmem:s30+$0xFFFFFFE0] =	vst v7;
	v7 =	vcvt.f32.s32 v10  }
0x49a: {  	v9 =	vcvt.f32.s32 v9;
	v8 =	vadd.f32 $1.000000000e+00, v8;
	v4 =	vmin.f32 v4, $9.990000120e-01  }
0x49b: {  	v12 =	vmul.f32 $1.000000000e+06, v12;
	v4 =	vadd.f32 $1.000000000e+00, v4;
	v11 =	vadd.f32 $1.000000000e+00, v11;
	v10 =	vld [tilespmem:s4+$0xFFFFFFC0];
	[tilespmem:s30+$0x30] =	vst v7  }
0x49c: {  	v7 =	vmul.f32 v8, v0;
	v8 =	vmul.f32 v16, v0;
	v6 =	vmax.f32 v6, $-9.990000120e-01  }
0x49d: {  	v13 =	vmul.f32 v4, v0;
	v4 =	vtrunc.f32 v12;
	v6 =	vmin.f32 v6, $9.990000120e-01;
	[tilespmem:s30+$0xFFFFFFC0] =	vst v9  }
0x49e: {  	v9 =	vmul.f32 $1.000000000e+06, v7;
	v7 =	vadd.f32 $1.000000000e+00, v6;
	v6 =	vmul.f32 $1.000000000e+06, v8  }
.Ltmp13:
0x49f: {  	v8 =	vmax.f32 v15, $-9.990000120e-01;
	v12 =	vmul.f32 $1.000000000e+06, v13;
	v13 =	vmul.f32 $1.000000000e+06, v5;
	(pc) =	sbr.rel @p2 .LBB2_28-.Ltmp13, $4  }
0x4a0: {  	v15 =	vmax.f32 v3, $-9.990000120e-01;
	v14 =	vtrunc.f32 v9;
	v5 =	vmax.f32 v10, $-9.990000120e-01  }
0x4a1: {  	v3 =	vmin.f32 v5, $9.990000120e-01;
	v5 =	vmin.f32 v8, $9.990000120e-01;
	v8 =	vtrunc.f32 v12  }
0x4a2: {  	v10 =	vmul.f32 v11, v0;
	v9 =	vadd.f32 $1.000000000e+00, v3;
	v3 =	vcvt.f32.s32 v8  }
0x4a3: {  	s4 =	sadd.s32 $0x80, s4;
	v11 =	vcvt.f32.s32 v14;
	v12 =	vmin.f32 v15, $9.990000120e-01;
	v8 =	vtrunc.f32 v13  }
0x4a4: {  	v7 =	vmul.f32 v7, v0;
	v6 =	vtrunc.f32 v6  }
0x4a5: {  	v12 =	vadd.f32 $1.000000000e+00, v12;
	v9 =	vmul.f32 v9, v0;
	v10 =	vmul.f32 $1.000000000e+06, v10  }
0x4a6: {  	v2 =	vmax.f32 v2, $-9.990000120e-01;
	v4 =	vcvt.f32.s32 v4;
	v8 =	vcvt.f32.s32 v8  }
0x4a7: {  	[tilespmem:s30+$0x20] =	vst v1;
	v1 =	vadd.f32 $1.000000000e+00, v5;
	v6 =	vcvt.f32.s32 v6;
	v7 =	vmul.f32 $1.000000000e+06, v7  }
0x4a8: {  	v2 =	vmin.f32 v2, $9.990000120e-01;
	v9 =	vmul.f32 $1.000000000e+06, v9;
	v57 =	vtrunc.f32 v10  }
0x4a9: {  	[tilespmem:s31+$0x20] =	vst v3;
	v2 =	vadd.f32 $1.000000000e+00, v2;
	v59 =	vmul.f32 v12, v0;
	v1 =	vmul.f32 v1, v0  }
0x4aa: {  	[tilespmem:s31+$0xFFFFFFD0] =	vst v11;
	v60 =	vcvt.f32.s32 v57;
	v7 =	vtrunc.f32 v7  }
0x4ab: {  	[tilespmem:s30+$0x0] =	vst v4;
	v58 =	vtrunc.f32 v9;
	v2 =	vmul.f32 v2, v0  }
0x4ac: {  	[tilespmem:s30+$0x10] =	vst v8;
	v61 =	vmul.f32 $1.000000000e+06, v59;
	v1 =	vmul.f32 $1.000000000e+06, v1  }
0x4ad: {  	[tilespmem:s30+$0xFFFFFFF0] =	vst v6;
	v56 =	vcvt.f32.s32 v7;
	v4 =	vcvt.f32.s32 v58  }
0x4ae: {  	[tilespmem:s31+$0x30] =	vst v60;
	v2 =	vmul.f32 $1.000000000e+06, v2;
	v62 =	vtrunc.f32 v61  }
0x4af: {  	v1 =	vtrunc.f32 v1;
	[tilespmem:s31+$0xFFFFFFE0] =	vst v56;
	v63 =	vcvt.f32.s32 v62  }
0x4b0: {  	[tilespmem:s31+$0xFFFFFFC0] =	vst v4;
	v1 =	vcvt.f32.s32 v1;
	v2 =	vtrunc.f32 v2  }
0x4b1: {  	v2 =	vcvt.f32.s32 v2;
	[tilespmem:s31+$0x0] =	vst v63  }
0x4b2: {  	[tilespmem:s31+$0x10] =	vst v1  }
0x4b3: {  	[tilespmem:s31+$0xFFFFFFF0] =	vst v2  }
0x4b4: {  	_ =	swait.ge [sflag:s28], $0x2000  }
0x4b5: {  	[sflag:s28] =	ssyncset.done $0x0  }
0x4b6: {  	[sflag:s28] =	ssyncadd.s32 $0xFFFFE000  }
0x4b7: {  	[tilespmem:s14], [sflag:$0x4] =	stream.indirect.gather [spmem:s1], $0x1, s22, s20, $0xb8;
	[tilespmem:$0x1F428] =	vst v63  }
0x4b8: {  	_ =	swait.ge [sflag:s24], $0x2000  }
0x4b9: {  	[sflag:s24] =	ssyncset.done $0x0  }
0x4ba: {  	s0 =	rddreg [dreg:$0x15];
	[sflag:s24] =	ssyncadd.s32 $0xFFFFE000  }
0x4bb: {  	[hbm4b:s0+s3] =	stream.linear.scatter [tilespmem:s13], [sflag:$0x5], $0x2000, $0x38;
	[tilespmem:$0x1F428] =	vst v63  }
0x4bc: {  	_ =	swait.ge [sflag:s26], $0x2000  }
0x4bd: {  	[sflag:s26] =	ssyncset.done $0x0  }
0x4be: {  	s30 =	rddreg [dreg:$0x16];
	[sflag:s26] =	ssyncadd.s32 $0xFFFFE000  }
0x4bf: {  	[hbm4b:s30+s3] =	stream.linear.scatter [tilespmem:s14], [sflag:$0x6], $0x2000, $0x38;
	[tilespmem:$0x1F428] =	vst v63  }
0x4c0: {  	_ =	swait.ge [sflag:s25], $0x2000  }
0x4c1: {  	[sflag:s25] =	ssyncset.done $0x0  }
0x4c2: {  	[sflag:s25] =	ssyncadd.s32 $0xFFFFE000  }
0x4c3: {  	_ =	swait.ge [sflag:s28], $0x2000  }
0x4c4: {  	s29 =	sadd.s32 $0x1, s29;
	s31 =	rddreg [dreg:$0x18]  }
0x4c5: {  	p2 =	sne.s32 s29, s31  }
.Ltmp14:
0x4c6: {  	_ = 	snop;
	(pc) =	sbr.rel @p2 .LBB2_1-.Ltmp14, $3  }
0x4c7: {  	_ =	sdelay $0x1  }
0x4c8: {  	[sflag:s28] =	ssyncset.done $0x0  }
0x4c9: {  	[sflag:s28] =	ssyncadd.s32 $0xFFFFE000  }
0x4ca: {  	_ =	sfence.sel $0x180000  }
0x4cb: {  	[bflag:$0x0] =	sbarrier.arrive $0xFFFF  }
0x4cc: {  	_ =	strace $0x90000047  }
0x4cd: {  	s0 =	stileid.u32;
	[bflag:$0x2] =	sbarrier.arrive $0xFFFF  }
0x4ce: {  	p0 =	sne.s32 s0, $0x0;
	s0 =	rddreg [dreg:$0x4]  }
0x4cf: {  	s0 =	sadd.s32 @!p0 $0x100000, s0  }
0x4d0: {  	[sflag:s0] =	ssyncadd.tile.s32 @!p0 $0x1;
	_ =	shalt  }
.Lfunc_end2:
_tile_overlayer_lowered:
.L_overlay_start_2:
0x4d1: {  	(tag) =	ssettag $0x2  }
0x4d2: {  	s0 =	rddreg [dreg:$0x0];
	s2 =	stileid.u32  }
0x4d3: {  	s1 =	rddreg [dreg:$0x1];
	p0 =	sne.s32 s2, $0x0  }
0x4d4: {  	s3 =	rddreg [dreg:$0x2];
	[bflag:$0x3] =	sbarrier.arrive $0xFFFF;
	s2 =	simm.s32 @!p0 $0x1C09  }
0x4d5: {  	[timem:s3], [sflag:s2] =	dma.local @!p0 [hbm:s0], s1  }
0x4d6: {  	s0 =	simm.s32 @!p0 $0x9  }
0x4d7: {  	_ =	swait.ge @!p0 [sflag:s0], s1  }
0x4d8: {  	s1 =	ssub.s32 @!p0 $0x0, s1;
	[sflag:s0] =	ssyncset.done @!p0 $0x0  }
0x4d9: {  	[sflag:s0] =	ssyncadd.s32 @!p0 s1  }
0x4da: {  	[bflag:$0x3] =	sbarrier.arrive $0xFFFF  }
0x4db: {  	_ =	shalt  }

</sc_bundles>
